<compile_context>
chip_gen: v7x
topology: tpu7x:2x2x1
jax: 0.10.2.dev20260603
libtpu: 0.0.44.dev20260713+nightly
codegen_flags: <defaults>
</compile_context>

<pallas_src>
import functools

import jax
import jax.numpy as jnp
from jax import lax
from jax.experimental import pallas as pl
from jax.experimental.pallas import tpu as pltpu
from jax.experimental.pallas import tpu_sc as plsc

_K = 0.05
_EPS = 0.3

_NW = 32
_CH_ROWS = 2


def _tc_body(x_ref, y_ref, z_ref, out_ref, acc_ref):
    step = pl.program_id(0)
    nsteps = pl.num_programs(0)

    @pl.when(step == 0)
    def _init():
        acc_ref[0] = 0.0
        acc_ref[1] = 0.0

    xb = x_ref[...]
    yb = y_ref[...][None, :]
    rows = lax.broadcasted_iota(jnp.int32, xb.shape, 0)
    onehot = rows == yb
    target = jnp.sum(jnp.where(onehot, xb, 0.0), axis=0)
    rest_max = jnp.max(jnp.where(onehot, -jnp.inf, xb), axis=0)
    acc_ref[0] += jnp.sum(jnp.maximum(target - rest_max + _K, 0.0))
    acc_ref[1] += jnp.sum(z_ref[...])

    @pl.when(step == nsteps - 1)
    def _fini():
        out_ref[0, 0] = acc_ref[0]
        out_ref[0, 1] = acc_ref[1]


def _tc_part(x, y, z):
    B, C = x.shape
    BB = 2048
    grid = B // BB
    xt = x.T
    return pl.pallas_call(
        _tc_body,
        grid=(grid,),
        in_specs=[
            pl.BlockSpec((C, BB), lambda i: (0, i)),
            pl.BlockSpec((BB,), lambda i: (i,)),
            pl.BlockSpec((BB,), lambda i: (i,)),
        ],
        out_specs=pl.BlockSpec(
            (1, 2), lambda i: (0, 0), memory_space=pltpu.SMEM
        ),
        out_shape=jax.ShapeDtypeStruct((1, 2), jnp.float32),
        scratch_shapes=[pltpu.SMEM((2,), jnp.float32)],
    )(xt, y.astype(jnp.int32), z)


def _sc_body(nchunks, dt_ref, out_ref, buf0, buf1, stage, sem0, sem1):
    w = lax.axis_index("s") * 2 + lax.axis_index("c")
    bufs = (buf0, buf1)
    sems = (sem0, sem1)
    total = -(-nchunks // _NW)

    def _src(k):
        cid = k * _NW + w
        row = jnp.where(cid < nchunks, cid, w) * _CH_ROWS
        return dt_ref.at[pl.ds(row, _CH_ROWS)]

    descs = [None, None]
    descs[0] = pltpu.make_async_copy(_src(0), buf0, sem0)
    descs[0].start()

    accs = [jnp.full((16,), -jnp.inf, jnp.float32) for _ in range(4)]

    def _reduce(buf, accs):
        def body(i, accs):
            a = list(accs)
            for r in range(_CH_ROWS):
                for u in range(8):
                    sl = buf[r, pl.ds(i * 128 + u * 16, 16)]
                    j = (r * 8 + u) % 4
                    a[j] = jnp.maximum(a[j], sl)
            return tuple(a)
        return lax.fori_loop(0, 16384 // 128, body, tuple(accs))

    for k in range(total):
        cur = k % 2
        if k + 1 < total:
            nxt = (k + 1) % 2
            descs[nxt] = pltpu.make_async_copy(_src(k + 1), bufs[nxt], sems[nxt])
            descs[nxt].start()
        descs[cur].wait()
        accs = list(_reduce(bufs[cur], accs))

    acc = jnp.maximum(jnp.maximum(accs[0], accs[1]),
                      jnp.maximum(accs[2], accs[3]))
    stage[...] = acc
    pltpu.sync_copy(stage, out_ref.at[w])


def _sc_delta_max(delta):
    dt = delta.T
    D, B = dt.shape
    nchunks = D // _CH_ROWS
    mesh = plsc.VectorSubcoreMesh(core_axis_name="c", subcore_axis_name="s")
    kern = functools.partial(
        pl.kernel,
        mesh=mesh,
        out_type=jax.ShapeDtypeStruct((_NW, 16), jnp.float32),
        scratch_types=[
            pltpu.VMEM((_CH_ROWS, B), jnp.float32),
            pltpu.VMEM((_CH_ROWS, B), jnp.float32),
            pltpu.VMEM((16,), jnp.float32),
            pltpu.SemaphoreType.DMA,
            pltpu.SemaphoreType.DMA,
        ],
    )(functools.partial(_sc_body, nchunks))
    return kern(dt)


def kernel(x, delta, y, z):
    B = x.shape[0]
    partials = _tc_part(x, y, z)
    dmax_parts = _sc_delta_max(delta)
    dmax = jnp.max(dmax_parts)
    b = jnp.float32(B)
    return partials[0, 0] / b + (partials[0, 1] / b) * (_EPS + dmax)

# --- scband reference (transcript-rebuilt; emitter-appended) ---
"""Pipeline reference for scband-my-loss-84473416778066 (READ-ONLY COPY).

The authoritative reference and input builder live on the scoring server;
editing this copy changes nothing except your own understanding.
"""

import jax, jax.numpy as jnp
import numpy as np

K = 0.05
EPS = 0.3  # dataset == 'MNIST'


def setup_inputs(seed: int = 0) -> dict:
    key = jax.random.key(seed)
    k1, k2, k3, k4 = jax.random.split(key, 4)
    x = jax.random.normal(k1, (16384, 1000), dtype=jnp.float32)
    delta = jax.random.uniform(k2, (16384, 784), dtype=jnp.float32)
    y = jax.random.randint(k3, (16384,), 0, 1000, dtype=jnp.int32)
    z = jax.random.uniform(k4, (16384,), dtype=jnp.float32)
    return {"x": x, "delta": delta, "y": y, "z": z}


def reference(x, delta, y, z):
    # mask = ones_like(x).scatter_(1, y[:, None], 0.0); rest = x[mask].view(B, C-1)
    # torch.max(rest, 1)[0] == row-wise max of x with the target class excluded.
    B, C = x.shape
    onehot = y[:, None] == jnp.arange(C, dtype=y.dtype)[None, :]
    # x[xx, y]: gather target-class logit per row
    target = jnp.take_along_axis(x, y[:, None].astype(jnp.int32), axis=1)[:, 0]
    masked = jnp.where(onehot, -jnp.inf, x)
    rest_max = jnp.max(masked, axis=1)
    loss = jnp.mean(jax.nn.relu(target - rest_max + K) + z * (EPS + jnp.max(delta)))
    return loss

if __name__ == "__main__":
    import jax
    _d = setup_inputs()
    print(jax.jit(kernel)(*tuple(_d.values())))

</pallas_src>

<mosaic_0001>
#map = affine_map<(d0, d1) -> (0, 0)>
module attributes {stable_mosaic.version = 14 : i64} {
  func.func @_sc_body(%arg0: i32, %arg1: i32, %arg2: memref<784x16384xf32, #tpu.memory_space<hbm>>, %arg3: memref<32x16xf32, #tpu.memory_space<hbm>>, %arg4: memref<2x16384xf32, #tpu.memory_space<vmem>>, %arg5: memref<2x16384xf32, #tpu.memory_space<vmem>>, %arg6: memref<16xf32, #tpu.memory_space<vmem>>, %arg7: memref<!tpu.dma_semaphore, #tpu.memory_space<semaphore_mem>>, %arg8: memref<!tpu.dma_semaphore, #tpu.memory_space<semaphore_mem>>) attributes {dimension_semantics = [#tpu.dimension_semantics<core_parallel>, #tpu.dimension_semantics<subcore_parallel>], iteration_bounds = array<i64: 2, 16>, scalar_prefetch = 0 : i64, scratch_operands = 5 : i64, tpu.core_type = #tpu.core_type<sc_vector_subcore>, window_params = [{transform_indices = #map}, {transform_indices = #map}]} {
    %mul3A = arith.constant 2 : i32
    %mul3A_0 = arith.muli %arg1, %mul3A : i32
    %add3A = arith.addi %mul3A_0, %arg0 : i32
    %add3A_1 = arith.constant 0 : i32
    %add3A_2 = arith.addi %add3A_1, %add3A : i32
    %lt3A = arith.constant 392 : i32
    %lt3A_3 = arith.cmpi slt, %add3A_2, %lt3A : i32
    %select_n3A = arith.select %lt3A_3, %add3A_2, %add3A : i32
    %mul3A_4 = arith.constant 2 : i32
    %mul3A_5 = arith.muli %select_n3A, %mul3A_4 : i32
    %dma_start3A = arith.constant 0 : i32
    %dma_start3A_6 = tpu.memref_slice %arg2[%mul3A_5, %dma_start3A] : memref<784x16384xf32, #tpu.memory_space<hbm>> -> memref<2x16384xf32, #tpu.memory_space<hbm>>
    %dma_start3A_7 = arith.constant 0 : i32
    %dma_start3A_8 = tpu.memref_slice %arg2[%mul3A_5, %dma_start3A_7] : memref<784x16384xf32, #tpu.memory_space<hbm>> -> memref<2x16384xf32, #tpu.memory_space<hbm>>
    tpu.enqueue_dma source(%dma_start3A_8 : memref<2x16384xf32, #tpu.memory_space<hbm>>) target(%arg4 : memref<2x16384xf32, #tpu.memory_space<vmem>>) target_semaphore(%arg7 : memref<!tpu.dma_semaphore, #tpu.memory_space<semaphore_mem>>)
    %broadcast_in_dim3A = arith.constant 0xFF800000 : f32
    %broadcast_in_dim3A_9 = vector.broadcast %broadcast_in_dim3A : f32 to vector<16xf32>
    %broadcast_in_dim3A_10 = arith.constant 0xFF800000 : f32
    %broadcast_in_dim3A_11 = vector.broadcast %broadcast_in_dim3A_10 : f32 to vector<16xf32>
    %broadcast_in_dim3A_12 = arith.constant 0xFF800000 : f32
    %broadcast_in_dim3A_13 = vector.broadcast %broadcast_in_dim3A_12 : f32 to vector<16xf32>
    %broadcast_in_dim3A_14 = arith.constant 0xFF800000 : f32
    %broadcast_in_dim3A_15 = vector.broadcast %broadcast_in_dim3A_14 : f32 to vector<16xf32>
    %add3A_16 = arith.constant 32 : i32
    %add3A_17 = arith.addi %add3A_16, %add3A : i32
    %lt3A_18 = arith.constant 392 : i32
    %lt3A_19 = arith.cmpi slt, %add3A_17, %lt3A_18 : i32
    %select_n3A_20 = arith.select %lt3A_19, %add3A_17, %add3A : i32
    %mul3A_21 = arith.constant 2 : i32
    %mul3A_22 = arith.muli %select_n3A_20, %mul3A_21 : i32
    %dma_start3A_23 = arith.constant 0 : i32
    %dma_start3A_24 = tpu.memref_slice %arg2[%mul3A_22, %dma_start3A_23] : memref<784x16384xf32, #tpu.memory_space<hbm>> -> memref<2x16384xf32, #tpu.memory_space<hbm>>
    %dma_start3A_25 = arith.constant 0 : i32
    %dma_start3A_26 = tpu.memref_slice %arg2[%mul3A_22, %dma_start3A_25] : memref<784x16384xf32, #tpu.memory_space<hbm>> -> memref<2x16384xf32, #tpu.memory_space<hbm>>
    tpu.enqueue_dma source(%dma_start3A_26 : memref<2x16384xf32, #tpu.memory_space<hbm>>) target(%arg5 : memref<2x16384xf32, #tpu.memory_space<vmem>>) target_semaphore(%arg8 : memref<!tpu.dma_semaphore, #tpu.memory_space<semaphore_mem>>)
    %dma_wait3A = arith.constant 0 : i32
    %dma_wait3A_27 = tpu.memref_slice %arg2[%mul3A_5, %dma_wait3A] : memref<784x16384xf32, #tpu.memory_space<hbm>> -> memref<2x16384xf32, #tpu.memory_space<hbm>>
    %dma_wait3A_28 = arith.constant 0 : i32
    %dma_wait3A_29 = tpu.memref_slice %arg2[%mul3A_5, %dma_wait3A_28] : memref<784x16384xf32, #tpu.memory_space<hbm>> -> memref<2x16384xf32, #tpu.memory_space<hbm>>
    tpu.wait_dma2 semaphore(%arg7 : memref<!tpu.dma_semaphore, #tpu.memory_space<semaphore_mem>>) src(%dma_wait3A_29 : memref<2x16384xf32, #tpu.memory_space<hbm>>) dst(%arg4 : memref<2x16384xf32, #tpu.memory_space<vmem>>)
    %scan3A = arith.constant 0 : i32
    %scan3A_30 = arith.constant 128 : i32
    %scan3A_31 = arith.addi %scan3A, %scan3A_30 : i32
    %scan3A_32 = arith.constant 1 : i32
    %scan3A_33:4 = scf.for %scan3A_281 = %scan3A to %scan3A_31 step %scan3A_32 iter_args(%scan3A_282 = %broadcast_in_dim3A_9, %scan3A_283 = %broadcast_in_dim3A_11, %scan3A_284 = %broadcast_in_dim3A_13, %scan3A_285 = %broadcast_in_dim3A_15) -> (vector<16xf32>, vector<16xf32>, vector<16xf32>, vector<16xf32>)  : i32 {
      %mul3A_286 = arith.constant 128 : i32
      %mul3A_287 = arith.muli %scan3A_281, %mul3A_286 : i32
      %add3A_288 = arith.constant 0 : i32
      %add3A_289 = arith.addi %mul3A_287, %add3A_288 : i32
      %get3A = arith.constant 0 : i32
      %get3A_290 = arith.index_cast %get3A : i32 to index
      %get3A_291 = arith.index_cast %add3A_289 : i32 to index
      %get3A_292 = tpu.vector_load %arg4[%get3A_290, %get3A_291] {strides = array<i32>} : memref<2x16384xf32, #tpu.memory_space<vmem>>, vector<1x16xf32>,
      %get3A_293 = vector.shape_cast %get3A_292 : vector<1x16xf32> to vector<16xf32>
      %max3A_294 = arith.maximumf %scan3A_282, %get3A_293 : vector<16xf32>
      %mul3A_295 = arith.constant 128 : i32
      %mul3A_296 = arith.muli %scan3A_281, %mul3A_295 : i32
      %add3A_297 = arith.constant 16 : i32
      %add3A_298 = arith.addi %mul3A_296, %add3A_297 : i32
      %get3A_299 = arith.constant 0 : i32
      %get3A_300 = arith.index_cast %get3A_299 : i32 to index
      %get3A_301 = arith.index_cast %add3A_298 : i32 to index
      %get3A_302 = tpu.vector_load %arg4[%get3A_300, %get3A_301] {strides = array<i32>} : memref<2x16384xf32, #tpu.memory_space<vmem>>, vector<1x16xf32>,
      %get3A_303 = vector.shape_cast %get3A_302 : vector<1x16xf32> to vector<16xf32>
      %max3A_304 = arith.maximumf %scan3A_283, %get3A_303 : vector<16xf32>
      %mul3A_305 = arith.constant 128 : i32
      %mul3A_306 = arith.muli %scan3A_281, %mul3A_305 : i32
      %add3A_307 = arith.constant 32 : i32
      %add3A_308 = arith.addi %mul3A_306, %add3A_307 : i32
      %get3A_309 = arith.constant 0 : i32
      %get3A_310 = arith.index_cast %get3A_309 : i32 to index
      %get3A_311 = arith.index_cast %add3A_308 : i32 to index
      %get3A_312 = tpu.vector_load %arg4[%get3A_310, %get3A_311] {strides = array<i32>} : memref<2x16384xf32, #tpu.memory_space<vmem>>, vector<1x16xf32>,
      %get3A_313 = vector.shape_cast %get3A_312 : vector<1x16xf32> to vector<16xf32>
      %max3A_314 = arith.maximumf %scan3A_284, %get3A_313 : vector<16xf32>
      %mul3A_315 = arith.constant 128 : i32
      %mul3A_316 = arith.muli %scan3A_281, %mul3A_315 : i32
      %add3A_317 = arith.constant 48 : i32
      %add3A_318 = arith.addi %mul3A_316, %add3A_317 : i32
      %get3A_319 = arith.constant 0 : i32
      %get3A_320 = arith.index_cast %get3A_319 : i32 to index
      %get3A_321 = arith.index_cast %add3A_318 : i32 to index
      %get3A_322 = tpu.vector_load %arg4[%get3A_320, %get3A_321] {strides = array<i32>} : memref<2x16384xf32, #tpu.memory_space<vmem>>, vector<1x16xf32>,
      %get3A_323 = vector.shape_cast %get3A_322 : vector<1x16xf32> to vector<16xf32>
      %max3A_324 = arith.maximumf %scan3A_285, %get3A_323 : vector<16xf32>
      %mul3A_325 = arith.constant 128 : i32
      %mul3A_326 = arith.muli %scan3A_281, %mul3A_325 : i32
      %add3A_327 = arith.constant 64 : i32
      %add3A_328 = arith.addi %mul3A_326, %add3A_327 : i32
      %get3A_329 = arith.constant 0 : i32
      %get3A_330 = arith.index_cast %get3A_329 : i32 to index
      %get3A_331 = arith.index_cast %add3A_328 : i32 to index
      %get3A_332 = tpu.vector_load %arg4[%get3A_330, %get3A_331] {strides = array<i32>} : memref<2x16384xf32, #tpu.memory_space<vmem>>, vector<1x16xf32>,
      %get3A_333 = vector.shape_cast %get3A_332 : vector<1x16xf32> to vector<16xf32>
      %max3A_334 = arith.maximumf %max3A_294, %get3A_333 : vector<16xf32>
      %mul3A_335 = arith.constant 128 : i32
      %mul3A_336 = arith.muli %scan3A_281, %mul3A_335 : i32
      %add3A_337 = arith.constant 80 : i32
      %add3A_338 = arith.addi %mul3A_336, %add3A_337 : i32
      %get3A_339 = arith.constant 0 : i32
      %get3A_340 = arith.index_cast %get3A_339 : i32 to index
      %get3A_341 = arith.index_cast %add3A_338 : i32 to index
      %get3A_342 = tpu.vector_load %arg4[%get3A_340, %get3A_341] {strides = array<i32>} : memref<2x16384xf32, #tpu.memory_space<vmem>>, vector<1x16xf32>,
      %get3A_343 = vector.shape_cast %get3A_342 : vector<1x16xf32> to vector<16xf32>
      %max3A_344 = arith.maximumf %max3A_304, %get3A_343 : vector<16xf32>
      %mul3A_345 = arith.constant 128 : i32
      %mul3A_346 = arith.muli %scan3A_281, %mul3A_345 : i32
      %add3A_347 = arith.constant 96 : i32
      %add3A_348 = arith.addi %mul3A_346, %add3A_347 : i32
      %get3A_349 = arith.constant 0 : i32
      %get3A_350 = arith.index_cast %get3A_349 : i32 to index
      %get3A_351 = arith.index_cast %add3A_348 : i32 to index
      %get3A_352 = tpu.vector_load %arg4[%get3A_350, %get3A_351] {strides = array<i32>} : memref<2x16384xf32, #tpu.memory_space<vmem>>, vector<1x16xf32>,
      %get3A_353 = vector.shape_cast %get3A_352 : vector<1x16xf32> to vector<16xf32>
      %max3A_354 = arith.maximumf %max3A_314, %get3A_353 : vector<16xf32>
      %mul3A_355 = arith.constant 128 : i32
      %mul3A_356 = arith.muli %scan3A_281, %mul3A_355 : i32
      %add3A_357 = arith.constant 112 : i32
      %add3A_358 = arith.addi %mul3A_356, %add3A_357 : i32
      %get3A_359 = arith.constant 0 : i32
      %get3A_360 = arith.index_cast %get3A_359 : i32 to index
      %get3A_361 = arith.index_cast %add3A_358 : i32 to index
      %get3A_362 = tpu.vector_load %arg4[%get3A_360, %get3A_361] {strides = array<i32>} : memref<2x16384xf32, #tpu.memory_space<vmem>>, vector<1x16xf32>,
      %get3A_363 = vector.shape_cast %get3A_362 : vector<1x16xf32> to vector<16xf32>
      %max3A_364 = arith.maximumf %max3A_324, %get3A_363 : vector<16xf32>
      %mul3A_365 = arith.constant 128 : i32
      %mul3A_366 = arith.muli %scan3A_281, %mul3A_365 : i32
      %add3A_367 = arith.constant 0 : i32
      %add3A_368 = arith.addi %mul3A_366, %add3A_367 : i32
      %get3A_369 = arith.constant 1 : i32
      %get3A_370 = arith.index_cast %get3A_369 : i32 to index
      %get3A_371 = arith.index_cast %add3A_368 : i32 to index
      %get3A_372 = tpu.vector_load %arg4[%get3A_370, %get3A_371] {strides = array<i32>} : memref<2x16384xf32, #tpu.memory_space<vmem>>, vector<1x16xf32>,
      %get3A_373 = vector.shape_cast %get3A_372 : vector<1x16xf32> to vector<16xf32>
      %max3A_374 = arith.maximumf %max3A_334, %get3A_373 : vector<16xf32>
      %mul3A_375 = arith.constant 128 : i32
      %mul3A_376 = arith.muli %scan3A_281, %mul3A_375 : i32
      %add3A_377 = arith.constant 16 : i32
      %add3A_378 = arith.addi %mul3A_376, %add3A_377 : i32
      %get3A_379 = arith.constant 1 : i32
      %get3A_380 = arith.index_cast %get3A_379 : i32 to index
      %get3A_381 = arith.index_cast %add3A_378 : i32 to index
      %get3A_382 = tpu.vector_load %arg4[%get3A_380, %get3A_381] {strides = array<i32>} : memref<2x16384xf32, #tpu.memory_space<vmem>>, vector<1x16xf32>,
      %get3A_383 = vector.shape_cast %get3A_382 : vector<1x16xf32> to vector<16xf32>
      %max3A_384 = arith.maximumf %max3A_344, %get3A_383 : vector<16xf32>
      %mul3A_385 = arith.constant 128 : i32
      %mul3A_386 = arith.muli %scan3A_281, %mul3A_385 : i32
      %add3A_387 = arith.constant 32 : i32
      %add3A_388 = arith.addi %mul3A_386, %add3A_387 : i32
      %get3A_389 = arith.constant 1 : i32
      %get3A_390 = arith.index_cast %get3A_389 : i32 to index
      %get3A_391 = arith.index_cast %add3A_388 : i32 to index
      %get3A_392 = tpu.vector_load %arg4[%get3A_390, %get3A_391] {strides = array<i32>} : memref<2x16384xf32, #tpu.memory_space<vmem>>, vector<1x16xf32>,
      %get3A_393 = vector.shape_cast %get3A_392 : vector<1x16xf32> to vector<16xf32>
      %max3A_394 = arith.maximumf %max3A_354, %get3A_393 : vector<16xf32>
      %mul3A_395 = arith.constant 128 : i32
      %mul3A_396 = arith.muli %scan3A_281, %mul3A_395 : i32
      %add3A_397 = arith.constant 48 : i32
      %add3A_398 = arith.addi %mul3A_396, %add3A_397 : i32
      %get3A_399 = arith.constant 1 : i32
      %get3A_400 = arith.index_cast %get3A_399 : i32 to index
      %get3A_401 = arith.index_cast %add3A_398 : i32 to index
      %get3A_402 = tpu.vector_load %arg4[%get3A_400, %get3A_401] {strides = array<i32>} : memref<2x16384xf32, #tpu.memory_space<vmem>>, vector<1x16xf32>,
      %get3A_403 = vector.shape_cast %get3A_402 : vector<1x16xf32> to vector<16xf32>
      %max3A_404 = arith.maximumf %max3A_364, %get3A_403 : vector<16xf32>
      %mul3A_405 = arith.constant 128 : i32
      %mul3A_406 = arith.muli %scan3A_281, %mul3A_405 : i32
      %add3A_407 = arith.constant 64 : i32
      %add3A_408 = arith.addi %mul3A_406, %add3A_407 : i32
      %get3A_409 = arith.constant 1 : i32
      %get3A_410 = arith.index_cast %get3A_409 : i32 to index
      %get3A_411 = arith.index_cast %add3A_408 : i32 to index
      %get3A_412 = tpu.vector_load %arg4[%get3A_410, %get3A_411] {strides = array<i32>} : memref<2x16384xf32, #tpu.memory_space<vmem>>, vector<1x16xf32>,
      %get3A_413 = vector.shape_cast %get3A_412 : vector<1x16xf32> to vector<16xf32>
      %max3A_414 = arith.maximumf %max3A_374, %get3A_413 : vector<16xf32>
      %mul3A_415 = arith.constant 128 : i32
      %mul3A_416 = arith.muli %scan3A_281, %mul3A_415 : i32
      %add3A_417 = arith.constant 80 : i32
      %add3A_418 = arith.addi %mul3A_416, %add3A_417 : i32
      %get3A_419 = arith.constant 1 : i32
      %get3A_420 = arith.index_cast %get3A_419 : i32 to index
      %get3A_421 = arith.index_cast %add3A_418 : i32 to index
      %get3A_422 = tpu.vector_load %arg4[%get3A_420, %get3A_421] {strides = array<i32>} : memref<2x16384xf32, #tpu.memory_space<vmem>>, vector<1x16xf32>,
      %get3A_423 = vector.shape_cast %get3A_422 : vector<1x16xf32> to vector<16xf32>
      %max3A_424 = arith.maximumf %max3A_384, %get3A_423 : vector<16xf32>
      %mul3A_425 = arith.constant 128 : i32
      %mul3A_426 = arith.muli %scan3A_281, %mul3A_425 : i32
      %add3A_427 = arith.constant 96 : i32
      %add3A_428 = arith.addi %mul3A_426, %add3A_427 : i32
      %get3A_429 = arith.constant 1 : i32
      %get3A_430 = arith.index_cast %get3A_429 : i32 to index
      %get3A_431 = arith.index_cast %add3A_428 : i32 to index
      %get3A_432 = tpu.vector_load %arg4[%get3A_430, %get3A_431] {strides = array<i32>} : memref<2x16384xf32, #tpu.memory_space<vmem>>, vector<1x16xf32>,
      %get3A_433 = vector.shape_cast %get3A_432 : vector<1x16xf32> to vector<16xf32>
      %max3A_434 = arith.maximumf %max3A_394, %get3A_433 : vector<16xf32>
      %mul3A_435 = arith.constant 128 : i32
      %mul3A_436 = arith.muli %scan3A_281, %mul3A_435 : i32
      %add3A_437 = arith.constant 112 : i32
      %add3A_438 = arith.addi %mul3A_436, %add3A_437 : i32
      %get3A_439 = arith.constant 1 : i32
      %get3A_440 = arith.index_cast %get3A_439 : i32 to index
      %get3A_441 = arith.index_cast %add3A_438 : i32 to index
      %get3A_442 = tpu.vector_load %arg4[%get3A_440, %get3A_441] {strides = array<i32>} : memref<2x16384xf32, #tpu.memory_space<vmem>>, vector<1x16xf32>,
      %get3A_443 = vector.shape_cast %get3A_442 : vector<1x16xf32> to vector<16xf32>
      %max3A_444 = arith.maximumf %max3A_404, %get3A_443 : vector<16xf32>
      scf.yield %max3A_414, %max3A_424, %max3A_434, %max3A_444 : vector<16xf32>, vector<16xf32>, vector<16xf32>, vector<16xf32>
    }
    %scan3A_34 = arith.constant 128 : i32
    %add3A_35 = arith.constant 64 : i32
    %add3A_36 = arith.addi %add3A_35, %add3A : i32
    %lt3A_37 = arith.constant 392 : i32
    %lt3A_38 = arith.cmpi slt, %add3A_36, %lt3A_37 : i32
    %select_n3A_39 = arith.select %lt3A_38, %add3A_36, %add3A : i32
    %mul3A_40 = arith.constant 2 : i32
    %mul3A_41 = arith.muli %select_n3A_39, %mul3A_40 : i32
    %dma_start3A_42 = arith.constant 0 : i32
    %dma_start3A_43 = tpu.memref_slice %arg2[%mul3A_41, %dma_start3A_42] : memref<784x16384xf32, #tpu.memory_space<hbm>> -> memref<2x16384xf32, #tpu.memory_space<hbm>>
    %dma_start3A_44 = arith.constant 0 : i32
    %dma_start3A_45 = tpu.memref_slice %arg2[%mul3A_41, %dma_start3A_44] : memref<784x16384xf32, #tpu.memory_space<hbm>> -> memref<2x16384xf32, #tpu.memory_space<hbm>>
    tpu.enqueue_dma source(%dma_start3A_45 : memref<2x16384xf32, #tpu.memory_space<hbm>>) target(%arg4 : memref<2x16384xf32, #tpu.memory_space<vmem>>) target_semaphore(%arg7 : memref<!tpu.dma_semaphore, #tpu.memory_space<semaphore_mem>>)
    %dma_wait3A_46 = arith.constant 0 : i32
    %dma_wait3A_47 = tpu.memref_slice %arg2[%mul3A_22, %dma_wait3A_46] : memref<784x16384xf32, #tpu.memory_space<hbm>> -> memref<2x16384xf32, #tpu.memory_space<hbm>>
    %dma_wait3A_48 = arith.constant 0 : i32
    %dma_wait3A_49 = tpu.memref_slice %arg2[%mul3A_22, %dma_wait3A_48] : memref<784x16384xf32, #tpu.memory_space<hbm>> -> memref<2x16384xf32, #tpu.memory_space<hbm>>
    tpu.wait_dma2 semaphore(%arg8 : memref<!tpu.dma_semaphore, #tpu.memory_space<semaphore_mem>>) src(%dma_wait3A_49 : memref<2x16384xf32, #tpu.memory_space<hbm>>) dst(%arg5 : memref<2x16384xf32, #tpu.memory_space<vmem>>)
    %scan3A_50 = arith.constant 0 : i32
    %scan3A_51 = arith.constant 128 : i32
    %scan3A_52 = arith.addi %scan3A_50, %scan3A_51 : i32
    %scan3A_53 = arith.constant 1 : i32
    %scan3A_54:4 = scf.for %scan3A_281 = %scan3A_50 to %scan3A_52 step %scan3A_53 iter_args(%scan3A_282 = %scan3A_33#0, %scan3A_283 = %scan3A_33#1, %scan3A_284 = %scan3A_33#2, %scan3A_285 = %scan3A_33#3) -> (vector<16xf32>, vector<16xf32>, vector<16xf32>, vector<16xf32>)  : i32 {
      %mul3A_286 = arith.constant 128 : i32
      %mul3A_287 = arith.muli %scan3A_281, %mul3A_286 : i32
      %add3A_288 = arith.constant 0 : i32
      %add3A_289 = arith.addi %mul3A_287, %add3A_288 : i32
      %get3A = arith.constant 0 : i32
      %get3A_290 = arith.index_cast %get3A : i32 to index
      %get3A_291 = arith.index_cast %add3A_289 : i32 to index
      %get3A_292 = tpu.vector_load %arg5[%get3A_290, %get3A_291] {strides = array<i32>} : memref<2x16384xf32, #tpu.memory_space<vmem>>, vector<1x16xf32>,
      %get3A_293 = vector.shape_cast %get3A_292 : vector<1x16xf32> to vector<16xf32>
      %max3A_294 = arith.maximumf %scan3A_282, %get3A_293 : vector<16xf32>
      %mul3A_295 = arith.constant 128 : i32
      %mul3A_296 = arith.muli %scan3A_281, %mul3A_295 : i32
      %add3A_297 = arith.constant 16 : i32
      %add3A_298 = arith.addi %mul3A_296, %add3A_297 : i32
      %get3A_299 = arith.constant 0 : i32
      %get3A_300 = arith.index_cast %get3A_299 : i32 to index
      %get3A_301 = arith.index_cast %add3A_298 : i32 to index
      %get3A_302 = tpu.vector_load %arg5[%get3A_300, %get3A_301] {strides = array<i32>} : memref<2x16384xf32, #tpu.memory_space<vmem>>, vector<1x16xf32>,
      %get3A_303 = vector.shape_cast %get3A_302 : vector<1x16xf32> to vector<16xf32>
      %max3A_304 = arith.maximumf %scan3A_283, %get3A_303 : vector<16xf32>
      %mul3A_305 = arith.constant 128 : i32
      %mul3A_306 = arith.muli %scan3A_281, %mul3A_305 : i32
      %add3A_307 = arith.constant 32 : i32
      %add3A_308 = arith.addi %mul3A_306, %add3A_307 : i32
      %get3A_309 = arith.constant 0 : i32
      %get3A_310 = arith.index_cast %get3A_309 : i32 to index
      %get3A_311 = arith.index_cast %add3A_308 : i32 to index
      %get3A_312 = tpu.vector_load %arg5[%get3A_310, %get3A_311] {strides = array<i32>} : memref<2x16384xf32, #tpu.memory_space<vmem>>, vector<1x16xf32>,
      %get3A_313 = vector.shape_cast %get3A_312 : vector<1x16xf32> to vector<16xf32>
      %max3A_314 = arith.maximumf %scan3A_284, %get3A_313 : vector<16xf32>
      %mul3A_315 = arith.constant 128 : i32
      %mul3A_316 = arith.muli %scan3A_281, %mul3A_315 : i32
      %add3A_317 = arith.constant 48 : i32
      %add3A_318 = arith.addi %mul3A_316, %add3A_317 : i32
      %get3A_319 = arith.constant 0 : i32
      %get3A_320 = arith.index_cast %get3A_319 : i32 to index
      %get3A_321 = arith.index_cast %add3A_318 : i32 to index
      %get3A_322 = tpu.vector_load %arg5[%get3A_320, %get3A_321] {strides = array<i32>} : memref<2x16384xf32, #tpu.memory_space<vmem>>, vector<1x16xf32>,
      %get3A_323 = vector.shape_cast %get3A_322 : vector<1x16xf32> to vector<16xf32>
      %max3A_324 = arith.maximumf %scan3A_285, %get3A_323 : vector<16xf32>
      %mul3A_325 = arith.constant 128 : i32
      %mul3A_326 = arith.muli %scan3A_281, %mul3A_325 : i32
      %add3A_327 = arith.constant 64 : i32
      %add3A_328 = arith.addi %mul3A_326, %add3A_327 : i32
      %get3A_329 = arith.constant 0 : i32
      %get3A_330 = arith.index_cast %get3A_329 : i32 to index
      %get3A_331 = arith.index_cast %add3A_328 : i32 to index
      %get3A_332 = tpu.vector_load %arg5[%get3A_330, %get3A_331] {strides = array<i32>} : memref<2x16384xf32, #tpu.memory_space<vmem>>, vector<1x16xf32>,
      %get3A_333 = vector.shape_cast %get3A_332 : vector<1x16xf32> to vector<16xf32>
      %max3A_334 = arith.maximumf %max3A_294, %get3A_333 : vector<16xf32>
      %mul3A_335 = arith.constant 128 : i32
      %mul3A_336 = arith.muli %scan3A_281, %mul3A_335 : i32
      %add3A_337 = arith.constant 80 : i32
      %add3A_338 = arith.addi %mul3A_336, %add3A_337 : i32
      %get3A_339 = arith.constant 0 : i32
      %get3A_340 = arith.index_cast %get3A_339 : i32 to index
      %get3A_341 = arith.index_cast %add3A_338 : i32 to index
      %get3A_342 = tpu.vector_load %arg5[%get3A_340, %get3A_341] {strides = array<i32>} : memref<2x16384xf32, #tpu.memory_space<vmem>>, vector<1x16xf32>,
      %get3A_343 = vector.shape_cast %get3A_342 : vector<1x16xf32> to vector<16xf32>
      %max3A_344 = arith.maximumf %max3A_304, %get3A_343 : vector<16xf32>
      %mul3A_345 = arith.constant 128 : i32
      %mul3A_346 = arith.muli %scan3A_281, %mul3A_345 : i32
      %add3A_347 = arith.constant 96 : i32
      %add3A_348 = arith.addi %mul3A_346, %add3A_347 : i32
      %get3A_349 = arith.constant 0 : i32
      %get3A_350 = arith.index_cast %get3A_349 : i32 to index
      %get3A_351 = arith.index_cast %add3A_348 : i32 to index
      %get3A_352 = tpu.vector_load %arg5[%get3A_350, %get3A_351] {strides = array<i32>} : memref<2x16384xf32, #tpu.memory_space<vmem>>, vector<1x16xf32>,
      %get3A_353 = vector.shape_cast %get3A_352 : vector<1x16xf32> to vector<16xf32>
      %max3A_354 = arith.maximumf %max3A_314, %get3A_353 : vector<16xf32>
      %mul3A_355 = arith.constant 128 : i32
      %mul3A_356 = arith.muli %scan3A_281, %mul3A_355 : i32
      %add3A_357 = arith.constant 112 : i32
      %add3A_358 = arith.addi %mul3A_356, %add3A_357 : i32
      %get3A_359 = arith.constant 0 : i32
      %get3A_360 = arith.index_cast %get3A_359 : i32 to index
      %get3A_361 = arith.index_cast %add3A_358 : i32 to index
      %get3A_362 = tpu.vector_load %arg5[%get3A_360, %get3A_361] {strides = array<i32>} : memref<2x16384xf32, #tpu.memory_space<vmem>>, vector<1x16xf32>,
      %get3A_363 = vector.shape_cast %get3A_362 : vector<1x16xf32> to vector<16xf32>
      %max3A_364 = arith.maximumf %max3A_324, %get3A_363 : vector<16xf32>
      %mul3A_365 = arith.constant 128 : i32
      %mul3A_366 = arith.muli %scan3A_281, %mul3A_365 : i32
      %add3A_367 = arith.constant 0 : i32
      %add3A_368 = arith.addi %mul3A_366, %add3A_367 : i32
      %get3A_369 = arith.constant 1 : i32
      %get3A_370 = arith.index_cast %get3A_369 : i32 to index
      %get3A_371 = arith.index_cast %add3A_368 : i32 to index
      %get3A_372 = tpu.vector_load %arg5[%get3A_370, %get3A_371] {strides = array<i32>} : memref<2x16384xf32, #tpu.memory_space<vmem>>, vector<1x16xf32>,
      %get3A_373 = vector.shape_cast %get3A_372 : vector<1x16xf32> to vector<16xf32>
      %max3A_374 = arith.maximumf %max3A_334, %get3A_373 : vector<16xf32>
      %mul3A_375 = arith.constant 128 : i32
      %mul3A_376 = arith.muli %scan3A_281, %mul3A_375 : i32
      %add3A_377 = arith.constant 16 : i32
      %add3A_378 = arith.addi %mul3A_376, %add3A_377 : i32
      %get3A_379 = arith.constant 1 : i32
      %get3A_380 = arith.index_cast %get3A_379 : i32 to index
      %get3A_381 = arith.index_cast %add3A_378 : i32 to index
      %get3A_382 = tpu.vector_load %arg5[%get3A_380, %get3A_381] {strides = array<i32>} : memref<2x16384xf32, #tpu.memory_space<vmem>>, vector<1x16xf32>,
      %get3A_383 = vector.shape_cast %get3A_382 : vector<1x16xf32> to vector<16xf32>
      %max3A_384 = arith.maximumf %max3A_344, %get3A_383 : vector<16xf32>
      %mul3A_385 = arith.constant 128 : i32
      %mul3A_386 = arith.muli %scan3A_281, %mul3A_385 : i32
      %add3A_387 = arith.constant 32 : i32
      %add3A_388 = arith.addi %mul3A_386, %add3A_387 : i32
      %get3A_389 = arith.constant 1 : i32
      %get3A_390 = arith.index_cast %get3A_389 : i32 to index
      %get3A_391 = arith.index_cast %add3A_388 : i32 to index
      %get3A_392 = tpu.vector_load %arg5[%get3A_390, %get3A_391] {strides = array<i32>} : memref<2x16384xf32, #tpu.memory_space<vmem>>, vector<1x16xf32>,
      %get3A_393 = vector.shape_cast %get3A_392 : vector<1x16xf32> to vector<16xf32>
      %max3A_394 = arith.maximumf %max3A_354, %get3A_393 : vector<16xf32>
      %mul3A_395 = arith.constant 128 : i32
      %mul3A_396 = arith.muli %scan3A_281, %mul3A_395 : i32
      %add3A_397 = arith.constant 48 : i32
      %add3A_398 = arith.addi %mul3A_396, %add3A_397 : i32
      %get3A_399 = arith.constant 1 : i32
      %get3A_400 = arith.index_cast %get3A_399 : i32 to index
      %get3A_401 = arith.index_cast %add3A_398 : i32 to index
      %get3A_402 = tpu.vector_load %arg5[%get3A_400, %get3A_401] {strides = array<i32>} : memref<2x16384xf32, #tpu.memory_space<vmem>>, vector<1x16xf32>,
      %get3A_403 = vector.shape_cast %get3A_402 : vector<1x16xf32> to vector<16xf32>
      %max3A_404 = arith.maximumf %max3A_364, %get3A_403 : vector<16xf32>
      %mul3A_405 = arith.constant 128 : i32
      %mul3A_406 = arith.muli %scan3A_281, %mul3A_405 : i32
      %add3A_407 = arith.constant 64 : i32
      %add3A_408 = arith.addi %mul3A_406, %add3A_407 : i32
      %get3A_409 = arith.constant 1 : i32
      %get3A_410 = arith.index_cast %get3A_409 : i32 to index
      %get3A_411 = arith.index_cast %add3A_408 : i32 to index
      %get3A_412 = tpu.vector_load %arg5[%get3A_410, %get3A_411] {strides = array<i32>} : memref<2x16384xf32, #tpu.memory_space<vmem>>, vector<1x16xf32>,
      %get3A_413 = vector.shape_cast %get3A_412 : vector<1x16xf32> to vector<16xf32>
      %max3A_414 = arith.maximumf %max3A_374, %get3A_413 : vector<16xf32>
      %mul3A_415 = arith.constant 128 : i32
      %mul3A_416 = arith.muli %scan3A_281, %mul3A_415 : i32
      %add3A_417 = arith.constant 80 : i32
      %add3A_418 = arith.addi %mul3A_416, %add3A_417 : i32
      %get3A_419 = arith.constant 1 : i32
      %get3A_420 = arith.index_cast %get3A_419 : i32 to index
      %get3A_421 = arith.index_cast %add3A_418 : i32 to index
      %get3A_422 = tpu.vector_load %arg5[%get3A_420, %get3A_421] {strides = array<i32>} : memref<2x16384xf32, #tpu.memory_space<vmem>>, vector<1x16xf32>,
      %get3A_423 = vector.shape_cast %get3A_422 : vector<1x16xf32> to vector<16xf32>
      %max3A_424 = arith.maximumf %max3A_384, %get3A_423 : vector<16xf32>
      %mul3A_425 = arith.constant 128 : i32
      %mul3A_426 = arith.muli %scan3A_281, %mul3A_425 : i32
      %add3A_427 = arith.constant 96 : i32
      %add3A_428 = arith.addi %mul3A_426, %add3A_427 : i32
      %get3A_429 = arith.constant 1 : i32
      %get3A_430 = arith.index_cast %get3A_429 : i32 to index
      %get3A_431 = arith.index_cast %add3A_428 : i32 to index
      %get3A_432 = tpu.vector_load %arg5[%get3A_430, %get3A_431] {strides = array<i32>} : memref<2x16384xf32, #tpu.memory_space<vmem>>, vector<1x16xf32>,
      %get3A_433 = vector.shape_cast %get3A_432 : vector<1x16xf32> to vector<16xf32>
      %max3A_434 = arith.maximumf %max3A_394, %get3A_433 : vector<16xf32>
      %mul3A_435 = arith.constant 128 : i32
      %mul3A_436 = arith.muli %scan3A_281, %mul3A_435 : i32
      %add3A_437 = arith.constant 112 : i32
      %add3A_438 = arith.addi %mul3A_436, %add3A_437 : i32
      %get3A_439 = arith.constant 1 : i32
      %get3A_440 = arith.index_cast %get3A_439 : i32 to index
      %get3A_441 = arith.index_cast %add3A_438 : i32 to index
      %get3A_442 = tpu.vector_load %arg5[%get3A_440, %get3A_441] {strides = array<i32>} : memref<2x16384xf32, #tpu.memory_space<vmem>>, vector<1x16xf32>,
      %get3A_443 = vector.shape_cast %get3A_442 : vector<1x16xf32> to vector<16xf32>
      %max3A_444 = arith.maximumf %max3A_404, %get3A_443 : vector<16xf32>
      scf.yield %max3A_414, %max3A_424, %max3A_434, %max3A_444 : vector<16xf32>, vector<16xf32>, vector<16xf32>, vector<16xf32>
    }
    %scan3A_55 = arith.constant 128 : i32
    %add3A_56 = arith.constant 96 : i32
    %add3A_57 = arith.addi %add3A_56, %add3A : i32
    %lt3A_58 = arith.constant 392 : i32
    %lt3A_59 = arith.cmpi slt, %add3A_57, %lt3A_58 : i32
    %select_n3A_60 = arith.select %lt3A_59, %add3A_57, %add3A : i32
    %mul3A_61 = arith.constant 2 : i32
    %mul3A_62 = arith.muli %select_n3A_60, %mul3A_61 : i32
    %dma_start3A_63 = arith.constant 0 : i32
    %dma_start3A_64 = tpu.memref_slice %arg2[%mul3A_62, %dma_start3A_63] : memref<784x16384xf32, #tpu.memory_space<hbm>> -> memref<2x16384xf32, #tpu.memory_space<hbm>>
    %dma_start3A_65 = arith.constant 0 : i32
    %dma_start3A_66 = tpu.memref_slice %arg2[%mul3A_62, %dma_start3A_65] : memref<784x16384xf32, #tpu.memory_space<hbm>> -> memref<2x16384xf32, #tpu.memory_space<hbm>>
    tpu.enqueue_dma source(%dma_start3A_66 : memref<2x16384xf32, #tpu.memory_space<hbm>>) target(%arg5 : memref<2x16384xf32, #tpu.memory_space<vmem>>) target_semaphore(%arg8 : memref<!tpu.dma_semaphore, #tpu.memory_space<semaphore_mem>>)
    %dma_wait3A_67 = arith.constant 0 : i32
    %dma_wait3A_68 = tpu.memref_slice %arg2[%mul3A_41, %dma_wait3A_67] : memref<784x16384xf32, #tpu.memory_space<hbm>> -> memref<2x16384xf32, #tpu.memory_space<hbm>>
    %dma_wait3A_69 = arith.constant 0 : i32
    %dma_wait3A_70 = tpu.memref_slice %arg2[%mul3A_41, %dma_wait3A_69] : memref<784x16384xf32, #tpu.memory_space<hbm>> -> memref<2x16384xf32, #tpu.memory_space<hbm>>
    tpu.wait_dma2 semaphore(%arg7 : memref<!tpu.dma_semaphore, #tpu.memory_space<semaphore_mem>>) src(%dma_wait3A_70 : memref<2x16384xf32, #tpu.memory_space<hbm>>) dst(%arg4 : memref<2x16384xf32, #tpu.memory_space<vmem>>)
    %scan3A_71 = arith.constant 0 : i32
    %scan3A_72 = arith.constant 128 : i32
    %scan3A_73 = arith.addi %scan3A_71, %scan3A_72 : i32
    %scan3A_74 = arith.constant 1 : i32
    %scan3A_75:4 = scf.for %scan3A_281 = %scan3A_71 to %scan3A_73 step %scan3A_74 iter_args(%scan3A_282 = %scan3A_54#0, %scan3A_283 = %scan3A_54#1, %scan3A_284 = %scan3A_54#2, %scan3A_285 = %scan3A_54#3) -> (vector<16xf32>, vector<16xf32>, vector<16xf32>, vector<16xf32>)  : i32 {
      %mul3A_286 = arith.constant 128 : i32
      %mul3A_287 = arith.muli %scan3A_281, %mul3A_286 : i32
      %add3A_288 = arith.constant 0 : i32
      %add3A_289 = arith.addi %mul3A_287, %add3A_288 : i32
      %get3A = arith.constant 0 : i32
      %get3A_290 = arith.index_cast %get3A : i32 to index
      %get3A_291 = arith.index_cast %add3A_289 : i32 to index
      %get3A_292 = tpu.vector_load %arg4[%get3A_290, %get3A_291] {strides = array<i32>} : memref<2x16384xf32, #tpu.memory_space<vmem>>, vector<1x16xf32>,
      %get3A_293 = vector.shape_cast %get3A_292 : vector<1x16xf32> to vector<16xf32>
      %max3A_294 = arith.maximumf %scan3A_282, %get3A_293 : vector<16xf32>
      %mul3A_295 = arith.constant 128 : i32
      %mul3A_296 = arith.muli %scan3A_281, %mul3A_295 : i32
      %add3A_297 = arith.constant 16 : i32
      %add3A_298 = arith.addi %mul3A_296, %add3A_297 : i32
      %get3A_299 = arith.constant 0 : i32
      %get3A_300 = arith.index_cast %get3A_299 : i32 to index
      %get3A_301 = arith.index_cast %add3A_298 : i32 to index
      %get3A_302 = tpu.vector_load %arg4[%get3A_300, %get3A_301] {strides = array<i32>} : memref<2x16384xf32, #tpu.memory_space<vmem>>, vector<1x16xf32>,
      %get3A_303 = vector.shape_cast %get3A_302 : vector<1x16xf32> to vector<16xf32>
      %max3A_304 = arith.maximumf %scan3A_283, %get3A_303 : vector<16xf32>
      %mul3A_305 = arith.constant 128 : i32
      %mul3A_306 = arith.muli %scan3A_281, %mul3A_305 : i32
      %add3A_307 = arith.constant 32 : i32
      %add3A_308 = arith.addi %mul3A_306, %add3A_307 : i32
      %get3A_309 = arith.constant 0 : i32
      %get3A_310 = arith.index_cast %get3A_309 : i32 to index
      %get3A_311 = arith.index_cast %add3A_308 : i32 to index
      %get3A_312 = tpu.vector_load %arg4[%get3A_310, %get3A_311] {strides = array<i32>} : memref<2x16384xf32, #tpu.memory_space<vmem>>, vector<1x16xf32>,
      %get3A_313 = vector.shape_cast %get3A_312 : vector<1x16xf32> to vector<16xf32>
      %max3A_314 = arith.maximumf %scan3A_284, %get3A_313 : vector<16xf32>
      %mul3A_315 = arith.constant 128 : i32
      %mul3A_316 = arith.muli %scan3A_281, %mul3A_315 : i32
      %add3A_317 = arith.constant 48 : i32
      %add3A_318 = arith.addi %mul3A_316, %add3A_317 : i32
      %get3A_319 = arith.constant 0 : i32
      %get3A_320 = arith.index_cast %get3A_319 : i32 to index
      %get3A_321 = arith.index_cast %add3A_318 : i32 to index
      %get3A_322 = tpu.vector_load %arg4[%get3A_320, %get3A_321] {strides = array<i32>} : memref<2x16384xf32, #tpu.memory_space<vmem>>, vector<1x16xf32>,
      %get3A_323 = vector.shape_cast %get3A_322 : vector<1x16xf32> to vector<16xf32>
      %max3A_324 = arith.maximumf %scan3A_285, %get3A_323 : vector<16xf32>
      %mul3A_325 = arith.constant 128 : i32
      %mul3A_326 = arith.muli %scan3A_281, %mul3A_325 : i32
      %add3A_327 = arith.constant 64 : i32
      %add3A_328 = arith.addi %mul3A_326, %add3A_327 : i32
      %get3A_329 = arith.constant 0 : i32
      %get3A_330 = arith.index_cast %get3A_329 : i32 to index
      %get3A_331 = arith.index_cast %add3A_328 : i32 to index
      %get3A_332 = tpu.vector_load %arg4[%get3A_330, %get3A_331] {strides = array<i32>} : memref<2x16384xf32, #tpu.memory_space<vmem>>, vector<1x16xf32>,
      %get3A_333 = vector.shape_cast %get3A_332 : vector<1x16xf32> to vector<16xf32>
      %max3A_334 = arith.maximumf %max3A_294, %get3A_333 : vector<16xf32>
      %mul3A_335 = arith.constant 128 : i32
      %mul3A_336 = arith.muli %scan3A_281, %mul3A_335 : i32
      %add3A_337 = arith.constant 80 : i32
      %add3A_338 = arith.addi %mul3A_336, %add3A_337 : i32
      %get3A_339 = arith.constant 0 : i32
      %get3A_340 = arith.index_cast %get3A_339 : i32 to index
      %get3A_341 = arith.index_cast %add3A_338 : i32 to index
      %get3A_342 = tpu.vector_load %arg4[%get3A_340, %get3A_341] {strides = array<i32>} : memref<2x16384xf32, #tpu.memory_space<vmem>>, vector<1x16xf32>,
      %get3A_343 = vector.shape_cast %get3A_342 : vector<1x16xf32> to vector<16xf32>
      %max3A_344 = arith.maximumf %max3A_304, %get3A_343 : vector<16xf32>
      %mul3A_345 = arith.constant 128 : i32
      %mul3A_346 = arith.muli %scan3A_281, %mul3A_345 : i32
      %add3A_347 = arith.constant 96 : i32
      %add3A_348 = arith.addi %mul3A_346, %add3A_347 : i32
      %get3A_349 = arith.constant 0 : i32
      %get3A_350 = arith.index_cast %get3A_349 : i32 to index
      %get3A_351 = arith.index_cast %add3A_348 : i32 to index
      %get3A_352 = tpu.vector_load %arg4[%get3A_350, %get3A_351] {strides = array<i32>} : memref<2x16384xf32, #tpu.memory_space<vmem>>, vector<1x16xf32>,
      %get3A_353 = vector.shape_cast %get3A_352 : vector<1x16xf32> to vector<16xf32>
      %max3A_354 = arith.maximumf %max3A_314, %get3A_353 : vector<16xf32>
      %mul3A_355 = arith.constant 128 : i32
      %mul3A_356 = arith.muli %scan3A_281, %mul3A_355 : i32
      %add3A_357 = arith.constant 112 : i32
      %add3A_358 = arith.addi %mul3A_356, %add3A_357 : i32
      %get3A_359 = arith.constant 0 : i32
      %get3A_360 = arith.index_cast %get3A_359 : i32 to index
      %get3A_361 = arith.index_cast %add3A_358 : i32 to index
      %get3A_362 = tpu.vector_load %arg4[%get3A_360, %get3A_361] {strides = array<i32>} : memref<2x16384xf32, #tpu.memory_space<vmem>>, vector<1x16xf32>,
      %get3A_363 = vector.shape_cast %get3A_362 : vector<1x16xf32> to vector<16xf32>
      %max3A_364 = arith.maximumf %max3A_324, %get3A_363 : vector<16xf32>
      %mul3A_365 = arith.constant 128 : i32
      %mul3A_366 = arith.muli %scan3A_281, %mul3A_365 : i32
      %add3A_367 = arith.constant 0 : i32
      %add3A_368 = arith.addi %mul3A_366, %add3A_367 : i32
      %get3A_369 = arith.constant 1 : i32
      %get3A_370 = arith.index_cast %get3A_369 : i32 to index
      %get3A_371 = arith.index_cast %add3A_368 : i32 to index
      %get3A_372 = tpu.vector_load %arg4[%get3A_370, %get3A_371] {strides = array<i32>} : memref<2x16384xf32, #tpu.memory_space<vmem>>, vector<1x16xf32>,
      %get3A_373 = vector.shape_cast %get3A_372 : vector<1x16xf32> to vector<16xf32>
      %max3A_374 = arith.maximumf %max3A_334, %get3A_373 : vector<16xf32>
      %mul3A_375 = arith.constant 128 : i32
      %mul3A_376 = arith.muli %scan3A_281, %mul3A_375 : i32
      %add3A_377 = arith.constant 16 : i32
      %add3A_378 = arith.addi %mul3A_376, %add3A_377 : i32
      %get3A_379 = arith.constant 1 : i32
      %get3A_380 = arith.index_cast %get3A_379 : i32 to index
      %get3A_381 = arith.index_cast %add3A_378 : i32 to index
      %get3A_382 = tpu.vector_load %arg4[%get3A_380, %get3A_381] {strides = array<i32>} : memref<2x16384xf32, #tpu.memory_space<vmem>>, vector<1x16xf32>,
      %get3A_383 = vector.shape_cast %get3A_382 : vector<1x16xf32> to vector<16xf32>
      %max3A_384 = arith.maximumf %max3A_344, %get3A_383 : vector<16xf32>
      %mul3A_385 = arith.constant 128 : i32
      %mul3A_386 = arith.muli %scan3A_281, %mul3A_385 : i32
      %add3A_387 = arith.constant 32 : i32
      %add3A_388 = arith.addi %mul3A_386, %add3A_387 : i32
      %get3A_389 = arith.constant 1 : i32
      %get3A_390 = arith.index_cast %get3A_389 : i32 to index
      %get3A_391 = arith.index_cast %add3A_388 : i32 to index
      %get3A_392 = tpu.vector_load %arg4[%get3A_390, %get3A_391] {strides = array<i32>} : memref<2x16384xf32, #tpu.memory_space<vmem>>, vector<1x16xf32>,
      %get3A_393 = vector.shape_cast %get3A_392 : vector<1x16xf32> to vector<16xf32>
      %max3A_394 = arith.maximumf %max3A_354, %get3A_393 : vector<16xf32>
      %mul3A_395 = arith.constant 128 : i32
      %mul3A_396 = arith.muli %scan3A_281, %mul3A_395 : i32
      %add3A_397 = arith.constant 48 : i32
      %add3A_398 = arith.addi %mul3A_396, %add3A_397 : i32
      %get3A_399 = arith.constant 1 : i32
      %get3A_400 = arith.index_cast %get3A_399 : i32 to index
      %get3A_401 = arith.index_cast %add3A_398 : i32 to index
      %get3A_402 = tpu.vector_load %arg4[%get3A_400, %get3A_401] {strides = array<i32>} : memref<2x16384xf32, #tpu.memory_space<vmem>>, vector<1x16xf32>,
      %get3A_403 = vector.shape_cast %get3A_402 : vector<1x16xf32> to vector<16xf32>
      %max3A_404 = arith.maximumf %max3A_364, %get3A_403 : vector<16xf32>
      %mul3A_405 = arith.constant 128 : i32
      %mul3A_406 = arith.muli %scan3A_281, %mul3A_405 : i32
      %add3A_407 = arith.constant 64 : i32
      %add3A_408 = arith.addi %mul3A_406, %add3A_407 : i32
      %get3A_409 = arith.constant 1 : i32
      %get3A_410 = arith.index_cast %get3A_409 : i32 to index
      %get3A_411 = arith.index_cast %add3A_408 : i32 to index
      %get3A_412 = tpu.vector_load %arg4[%get3A_410, %get3A_411] {strides = array<i32>} : memref<2x16384xf32, #tpu.memory_space<vmem>>, vector<1x16xf32>,
      %get3A_413 = vector.shape_cast %get3A_412 : vector<1x16xf32> to vector<16xf32>
      %max3A_414 = arith.maximumf %max3A_374, %get3A_413 : vector<16xf32>
      %mul3A_415 = arith.constant 128 : i32
      %mul3A_416 = arith.muli %scan3A_281, %mul3A_415 : i32
      %add3A_417 = arith.constant 80 : i32
      %add3A_418 = arith.addi %mul3A_416, %add3A_417 : i32
      %get3A_419 = arith.constant 1 : i32
      %get3A_420 = arith.index_cast %get3A_419 : i32 to index
      %get3A_421 = arith.index_cast %add3A_418 : i32 to index
      %get3A_422 = tpu.vector_load %arg4[%get3A_420, %get3A_421] {strides = array<i32>} : memref<2x16384xf32, #tpu.memory_space<vmem>>, vector<1x16xf32>,
      %get3A_423 = vector.shape_cast %get3A_422 : vector<1x16xf32> to vector<16xf32>
      %max3A_424 = arith.maximumf %max3A_384, %get3A_423 : vector<16xf32>
      %mul3A_425 = arith.constant 128 : i32
      %mul3A_426 = arith.muli %scan3A_281, %mul3A_425 : i32
      %add3A_427 = arith.constant 96 : i32
      %add3A_428 = arith.addi %mul3A_426, %add3A_427 : i32
      %get3A_429 = arith.constant 1 : i32
      %get3A_430 = arith.index_cast %get3A_429 : i32 to index
      %get3A_431 = arith.index_cast %add3A_428 : i32 to index
      %get3A_432 = tpu.vector_load %arg4[%get3A_430, %get3A_431] {strides = array<i32>} : memref<2x16384xf32, #tpu.memory_space<vmem>>, vector<1x16xf32>,
      %get3A_433 = vector.shape_cast %get3A_432 : vector<1x16xf32> to vector<16xf32>
      %max3A_434 = arith.maximumf %max3A_394, %get3A_433 : vector<16xf32>
      %mul3A_435 = arith.constant 128 : i32
      %mul3A_436 = arith.muli %scan3A_281, %mul3A_435 : i32
      %add3A_437 = arith.constant 112 : i32
      %add3A_438 = arith.addi %mul3A_436, %add3A_437 : i32
      %get3A_439 = arith.constant 1 : i32
      %get3A_440 = arith.index_cast %get3A_439 : i32 to index
      %get3A_441 = arith.index_cast %add3A_438 : i32 to index
      %get3A_442 = tpu.vector_load %arg4[%get3A_440, %get3A_441] {strides = array<i32>} : memref<2x16384xf32, #tpu.memory_space<vmem>>, vector<1x16xf32>,
      %get3A_443 = vector.shape_cast %get3A_442 : vector<1x16xf32> to vector<16xf32>
      %max3A_444 = arith.maximumf %max3A_404, %get3A_443 : vector<16xf32>
      scf.yield %max3A_414, %max3A_424, %max3A_434, %max3A_444 : vector<16xf32>, vector<16xf32>, vector<16xf32>, vector<16xf32>
    }
    %scan3A_76 = arith.constant 128 : i32
    %add3A_77 = arith.constant 128 : i32
    %add3A_78 = arith.addi %add3A_77, %add3A : i32
    %lt3A_79 = arith.constant 392 : i32
    %lt3A_80 = arith.cmpi slt, %add3A_78, %lt3A_79 : i32
    %select_n3A_81 = arith.select %lt3A_80, %add3A_78, %add3A : i32
    %mul3A_82 = arith.constant 2 : i32
    %mul3A_83 = arith.muli %select_n3A_81, %mul3A_82 : i32
    %dma_start3A_84 = arith.constant 0 : i32
    %dma_start3A_85 = tpu.memref_slice %arg2[%mul3A_83, %dma_start3A_84] : memref<784x16384xf32, #tpu.memory_space<hbm>> -> memref<2x16384xf32, #tpu.memory_space<hbm>>
    %dma_start3A_86 = arith.constant 0 : i32
    %dma_start3A_87 = tpu.memref_slice %arg2[%mul3A_83, %dma_start3A_86] : memref<784x16384xf32, #tpu.memory_space<hbm>> -> memref<2x16384xf32, #tpu.memory_space<hbm>>
    tpu.enqueue_dma source(%dma_start3A_87 : memref<2x16384xf32, #tpu.memory_space<hbm>>) target(%arg4 : memref<2x16384xf32, #tpu.memory_space<vmem>>) target_semaphore(%arg7 : memref<!tpu.dma_semaphore, #tpu.memory_space<semaphore_mem>>)
    %dma_wait3A_88 = arith.constant 0 : i32
    %dma_wait3A_89 = tpu.memref_slice %arg2[%mul3A_62, %dma_wait3A_88] : memref<784x16384xf32, #tpu.memory_space<hbm>> -> memref<2x16384xf32, #tpu.memory_space<hbm>>
    %dma_wait3A_90 = arith.constant 0 : i32
    %dma_wait3A_91 = tpu.memref_slice %arg2[%mul3A_62, %dma_wait3A_90] : memref<784x16384xf32, #tpu.memory_space<hbm>> -> memref<2x16384xf32, #tpu.memory_space<hbm>>
    tpu.wait_dma2 semaphore(%arg8 : memref<!tpu.dma_semaphore, #tpu.memory_space<semaphore_mem>>) src(%dma_wait3A_91 : memref<2x16384xf32, #tpu.memory_space<hbm>>) dst(%arg5 : memref<2x16384xf32, #tpu.memory_space<vmem>>)
    %scan3A_92 = arith.constant 0 : i32
    %scan3A_93 = arith.constant 128 : i32
    %scan3A_94 = arith.addi %scan3A_92, %scan3A_93 : i32
    %scan3A_95 = arith.constant 1 : i32
    %scan3A_96:4 = scf.for %scan3A_281 = %scan3A_92 to %scan3A_94 step %scan3A_95 iter_args(%scan3A_282 = %scan3A_75#0, %scan3A_283 = %scan3A_75#1, %scan3A_284 = %scan3A_75#2, %scan3A_285 = %scan3A_75#3) -> (vector<16xf32>, vector<16xf32>, vector<16xf32>, vector<16xf32>)  : i32 {
      %mul3A_286 = arith.constant 128 : i32
      %mul3A_287 = arith.muli %scan3A_281, %mul3A_286 : i32
      %add3A_288 = arith.constant 0 : i32
      %add3A_289 = arith.addi %mul3A_287, %add3A_288 : i32
      %get3A = arith.constant 0 : i32
      %get3A_290 = arith.index_cast %get3A : i32 to index
      %get3A_291 = arith.index_cast %add3A_289 : i32 to index
      %get3A_292 = tpu.vector_load %arg5[%get3A_290, %get3A_291] {strides = array<i32>} : memref<2x16384xf32, #tpu.memory_space<vmem>>, vector<1x16xf32>,
      %get3A_293 = vector.shape_cast %get3A_292 : vector<1x16xf32> to vector<16xf32>
      %max3A_294 = arith.maximumf %scan3A_282, %get3A_293 : vector<16xf32>
      %mul3A_295 = arith.constant 128 : i32
      %mul3A_296 = arith.muli %scan3A_281, %mul3A_295 : i32
      %add3A_297 = arith.constant 16 : i32
      %add3A_298 = arith.addi %mul3A_296, %add3A_297 : i32
      %get3A_299 = arith.constant 0 : i32
      %get3A_300 = arith.index_cast %get3A_299 : i32 to index
      %get3A_301 = arith.index_cast %add3A_298 : i32 to index
      %get3A_302 = tpu.vector_load %arg5[%get3A_300, %get3A_301] {strides = array<i32>} : memref<2x16384xf32, #tpu.memory_space<vmem>>, vector<1x16xf32>,
      %get3A_303 = vector.shape_cast %get3A_302 : vector<1x16xf32> to vector<16xf32>
      %max3A_304 = arith.maximumf %scan3A_283, %get3A_303 : vector<16xf32>
      %mul3A_305 = arith.constant 128 : i32
      %mul3A_306 = arith.muli %scan3A_281, %mul3A_305 : i32
      %add3A_307 = arith.constant 32 : i32
      %add3A_308 = arith.addi %mul3A_306, %add3A_307 : i32
      %get3A_309 = arith.constant 0 : i32
      %get3A_310 = arith.index_cast %get3A_309 : i32 to index
      %get3A_311 = arith.index_cast %add3A_308 : i32 to index
      %get3A_312 = tpu.vector_load %arg5[%get3A_310, %get3A_311] {strides = array<i32>} : memref<2x16384xf32, #tpu.memory_space<vmem>>, vector<1x16xf32>,
      %get3A_313 = vector.shape_cast %get3A_312 : vector<1x16xf32> to vector<16xf32>
      %max3A_314 = arith.maximumf %scan3A_284, %get3A_313 : vector<16xf32>
      %mul3A_315 = arith.constant 128 : i32
      %mul3A_316 = arith.muli %scan3A_281, %mul3A_315 : i32
      %add3A_317 = arith.constant 48 : i32
      %add3A_318 = arith.addi %mul3A_316, %add3A_317 : i32
      %get3A_319 = arith.constant 0 : i32
      %get3A_320 = arith.index_cast %get3A_319 : i32 to index
      %get3A_321 = arith.index_cast %add3A_318 : i32 to index
      %get3A_322 = tpu.vector_load %arg5[%get3A_320, %get3A_321] {strides = array<i32>} : memref<2x16384xf32, #tpu.memory_space<vmem>>, vector<1x16xf32>,
      %get3A_323 = vector.shape_cast %get3A_322 : vector<1x16xf32> to vector<16xf32>
      %max3A_324 = arith.maximumf %scan3A_285, %get3A_323 : vector<16xf32>
      %mul3A_325 = arith.constant 128 : i32
      %mul3A_326 = arith.muli %scan3A_281, %mul3A_325 : i32
      %add3A_327 = arith.constant 64 : i32
      %add3A_328 = arith.addi %mul3A_326, %add3A_327 : i32
      %get3A_329 = arith.constant 0 : i32
      %get3A_330 = arith.index_cast %get3A_329 : i32 to index
      %get3A_331 = arith.index_cast %add3A_328 : i32 to index
      %get3A_332 = tpu.vector_load %arg5[%get3A_330, %get3A_331] {strides = array<i32>} : memref<2x16384xf32, #tpu.memory_space<vmem>>, vector<1x16xf32>,
      %get3A_333 = vector.shape_cast %get3A_332 : vector<1x16xf32> to vector<16xf32>
      %max3A_334 = arith.maximumf %max3A_294, %get3A_333 : vector<16xf32>
      %mul3A_335 = arith.constant 128 : i32
      %mul3A_336 = arith.muli %scan3A_281, %mul3A_335 : i32
      %add3A_337 = arith.constant 80 : i32
      %add3A_338 = arith.addi %mul3A_336, %add3A_337 : i32
      %get3A_339 = arith.constant 0 : i32
      %get3A_340 = arith.index_cast %get3A_339 : i32 to index
      %get3A_341 = arith.index_cast %add3A_338 : i32 to index
      %get3A_342 = tpu.vector_load %arg5[%get3A_340, %get3A_341] {strides = array<i32>} : memref<2x16384xf32, #tpu.memory_space<vmem>>, vector<1x16xf32>,
      %get3A_343 = vector.shape_cast %get3A_342 : vector<1x16xf32> to vector<16xf32>
      %max3A_344 = arith.maximumf %max3A_304, %get3A_343 : vector<16xf32>
      %mul3A_345 = arith.constant 128 : i32
      %mul3A_346 = arith.muli %scan3A_281, %mul3A_345 : i32
      %add3A_347 = arith.constant 96 : i32
      %add3A_348 = arith.addi %mul3A_346, %add3A_347 : i32
      %get3A_349 = arith.constant 0 : i32
      %get3A_350 = arith.index_cast %get3A_349 : i32 to index
      %get3A_351 = arith.index_cast %add3A_348 : i32 to index
      %get3A_352 = tpu.vector_load %arg5[%get3A_350, %get3A_351] {strides = array<i32>} : memref<2x16384xf32, #tpu.memory_space<vmem>>, vector<1x16xf32>,
      %get3A_353 = vector.shape_cast %get3A_352 : vector<1x16xf32> to vector<16xf32>
      %max3A_354 = arith.maximumf %max3A_314, %get3A_353 : vector<16xf32>
      %mul3A_355 = arith.constant 128 : i32
      %mul3A_356 = arith.muli %scan3A_281, %mul3A_355 : i32
      %add3A_357 = arith.constant 112 : i32
      %add3A_358 = arith.addi %mul3A_356, %add3A_357 : i32
      %get3A_359 = arith.constant 0 : i32
      %get3A_360 = arith.index_cast %get3A_359 : i32 to index
      %get3A_361 = arith.index_cast %add3A_358 : i32 to index
      %get3A_362 = tpu.vector_load %arg5[%get3A_360, %get3A_361] {strides = array<i32>} : memref<2x16384xf32, #tpu.memory_space<vmem>>, vector<1x16xf32>,
      %get3A_363 = vector.shape_cast %get3A_362 : vector<1x16xf32> to vector<16xf32>
      %max3A_364 = arith.maximumf %max3A_324, %get3A_363 : vector<16xf32>
      %mul3A_365 = arith.constant 128 : i32
      %mul3A_366 = arith.muli %scan3A_281, %mul3A_365 : i32
      %add3A_367 = arith.constant 0 : i32
      %add3A_368 = arith.addi %mul3A_366, %add3A_367 : i32
      %get3A_369 = arith.constant 1 : i32
      %get3A_370 = arith.index_cast %get3A_369 : i32 to index
      %get3A_371 = arith.index_cast %add3A_368 : i32 to index
      %get3A_372 = tpu.vector_load %arg5[%get3A_370, %get3A_371] {strides = array<i32>} : memref<2x16384xf32, #tpu.memory_space<vmem>>, vector<1x16xf32>,
      %get3A_373 = vector.shape_cast %get3A_372 : vector<1x16xf32> to vector<16xf32>
      %max3A_374 = arith.maximumf %max3A_334, %get3A_373 : vector<16xf32>
      %mul3A_375 = arith.constant 128 : i32
      %mul3A_376 = arith.muli %scan3A_281, %mul3A_375 : i32
      %add3A_377 = arith.constant 16 : i32
      %add3A_378 = arith.addi %mul3A_376, %add3A_377 : i32
      %get3A_379 = arith.constant 1 : i32
      %get3A_380 = arith.index_cast %get3A_379 : i32 to index
      %get3A_381 = arith.index_cast %add3A_378 : i32 to index
      %get3A_382 = tpu.vector_load %arg5[%get3A_380, %get3A_381] {strides = array<i32>} : memref<2x16384xf32, #tpu.memory_space<vmem>>, vector<1x16xf32>,
      %get3A_383 = vector.shape_cast %get3A_382 : vector<1x16xf32> to vector<16xf32>
      %max3A_384 = arith.maximumf %max3A_344, %get3A_383 : vector<16xf32>
      %mul3A_385 = arith.constant 128 : i32
      %mul3A_386 = arith.muli %scan3A_281, %mul3A_385 : i32
      %add3A_387 = arith.constant 32 : i32
      %add3A_388 = arith.addi %mul3A_386, %add3A_387 : i32
      %get3A_389 = arith.constant 1 : i32
      %get3A_390 = arith.index_cast %get3A_389 : i32 to index
      %get3A_391 = arith.index_cast %add3A_388 : i32 to index
      %get3A_392 = tpu.vector_load %arg5[%get3A_390, %get3A_391] {strides = array<i32>} : memref<2x16384xf32, #tpu.memory_space<vmem>>, vector<1x16xf32>,
      %get3A_393 = vector.shape_cast %get3A_392 : vector<1x16xf32> to vector<16xf32>
      %max3A_394 = arith.maximumf %max3A_354, %get3A_393 : vector<16xf32>
      %mul3A_395 = arith.constant 128 : i32
      %mul3A_396 = arith.muli %scan3A_281, %mul3A_395 : i32
      %add3A_397 = arith.constant 48 : i32
      %add3A_398 = arith.addi %mul3A_396, %add3A_397 : i32
      %get3A_399 = arith.constant 1 : i32
      %get3A_400 = arith.index_cast %get3A_399 : i32 to index
      %get3A_401 = arith.index_cast %add3A_398 : i32 to index
      %get3A_402 = tpu.vector_load %arg5[%get3A_400, %get3A_401] {strides = array<i32>} : memref<2x16384xf32, #tpu.memory_space<vmem>>, vector<1x16xf32>,
      %get3A_403 = vector.shape_cast %get3A_402 : vector<1x16xf32> to vector<16xf32>
      %max3A_404 = arith.maximumf %max3A_364, %get3A_403 : vector<16xf32>
      %mul3A_405 = arith.constant 128 : i32
      %mul3A_406 = arith.muli %scan3A_281, %mul3A_405 : i32
      %add3A_407 = arith.constant 64 : i32
      %add3A_408 = arith.addi %mul3A_406, %add3A_407 : i32
      %get3A_409 = arith.constant 1 : i32
      %get3A_410 = arith.index_cast %get3A_409 : i32 to index
      %get3A_411 = arith.index_cast %add3A_408 : i32 to index
      %get3A_412 = tpu.vector_load %arg5[%get3A_410, %get3A_411] {strides = array<i32>} : memref<2x16384xf32, #tpu.memory_space<vmem>>, vector<1x16xf32>,
      %get3A_413 = vector.shape_cast %get3A_412 : vector<1x16xf32> to vector<16xf32>
      %max3A_414 = arith.maximumf %max3A_374, %get3A_413 : vector<16xf32>
      %mul3A_415 = arith.constant 128 : i32
      %mul3A_416 = arith.muli %scan3A_281, %mul3A_415 : i32
      %add3A_417 = arith.constant 80 : i32
      %add3A_418 = arith.addi %mul3A_416, %add3A_417 : i32
      %get3A_419 = arith.constant 1 : i32
      %get3A_420 = arith.index_cast %get3A_419 : i32 to index
      %get3A_421 = arith.index_cast %add3A_418 : i32 to index
      %get3A_422 = tpu.vector_load %arg5[%get3A_420, %get3A_421] {strides = array<i32>} : memref<2x16384xf32, #tpu.memory_space<vmem>>, vector<1x16xf32>,
      %get3A_423 = vector.shape_cast %get3A_422 : vector<1x16xf32> to vector<16xf32>
      %max3A_424 = arith.maximumf %max3A_384, %get3A_423 : vector<16xf32>
      %mul3A_425 = arith.constant 128 : i32
      %mul3A_426 = arith.muli %scan3A_281, %mul3A_425 : i32
      %add3A_427 = arith.constant 96 : i32
      %add3A_428 = arith.addi %mul3A_426, %add3A_427 : i32
      %get3A_429 = arith.constant 1 : i32
      %get3A_430 = arith.index_cast %get3A_429 : i32 to index
      %get3A_431 = arith.index_cast %add3A_428 : i32 to index
      %get3A_432 = tpu.vector_load %arg5[%get3A_430, %get3A_431] {strides = array<i32>} : memref<2x16384xf32, #tpu.memory_space<vmem>>, vector<1x16xf32>,
      %get3A_433 = vector.shape_cast %get3A_432 : vector<1x16xf32> to vector<16xf32>
      %max3A_434 = arith.maximumf %max3A_394, %get3A_433 : vector<16xf32>
      %mul3A_435 = arith.constant 128 : i32
      %mul3A_436 = arith.muli %scan3A_281, %mul3A_435 : i32
      %add3A_437 = arith.constant 112 : i32
      %add3A_438 = arith.addi %mul3A_436, %add3A_437 : i32
      %get3A_439 = arith.constant 1 : i32
      %get3A_440 = arith.index_cast %get3A_439 : i32 to index
      %get3A_441 = arith.index_cast %add3A_438 : i32 to index
      %get3A_442 = tpu.vector_load %arg5[%get3A_440, %get3A_441] {strides = array<i32>} : memref<2x16384xf32, #tpu.memory_space<vmem>>, vector<1x16xf32>,
      %get3A_443 = vector.shape_cast %get3A_442 : vector<1x16xf32> to vector<16xf32>
      %max3A_444 = arith.maximumf %max3A_404, %get3A_443 : vector<16xf32>
      scf.yield %max3A_414, %max3A_424, %max3A_434, %max3A_444 : vector<16xf32>, vector<16xf32>, vector<16xf32>, vector<16xf32>
    }
    %scan3A_97 = arith.constant 128 : i32
    %add3A_98 = arith.constant 160 : i32
    %add3A_99 = arith.addi %add3A_98, %add3A : i32
    %lt3A_100 = arith.constant 392 : i32
    %lt3A_101 = arith.cmpi slt, %add3A_99, %lt3A_100 : i32
    %select_n3A_102 = arith.select %lt3A_101, %add3A_99, %add3A : i32
    %mul3A_103 = arith.constant 2 : i32
    %mul3A_104 = arith.muli %select_n3A_102, %mul3A_103 : i32
    %dma_start3A_105 = arith.constant 0 : i32
    %dma_start3A_106 = tpu.memref_slice %arg2[%mul3A_104, %dma_start3A_105] : memref<784x16384xf32, #tpu.memory_space<hbm>> -> memref<2x16384xf32, #tpu.memory_space<hbm>>
    %dma_start3A_107 = arith.constant 0 : i32
    %dma_start3A_108 = tpu.memref_slice %arg2[%mul3A_104, %dma_start3A_107] : memref<784x16384xf32, #tpu.memory_space<hbm>> -> memref<2x16384xf32, #tpu.memory_space<hbm>>
    tpu.enqueue_dma source(%dma_start3A_108 : memref<2x16384xf32, #tpu.memory_space<hbm>>) target(%arg5 : memref<2x16384xf32, #tpu.memory_space<vmem>>) target_semaphore(%arg8 : memref<!tpu.dma_semaphore, #tpu.memory_space<semaphore_mem>>)
    %dma_wait3A_109 = arith.constant 0 : i32
    %dma_wait3A_110 = tpu.memref_slice %arg2[%mul3A_83, %dma_wait3A_109] : memref<784x16384xf32, #tpu.memory_space<hbm>> -> memref<2x16384xf32, #tpu.memory_space<hbm>>
    %dma_wait3A_111 = arith.constant 0 : i32
    %dma_wait3A_112 = tpu.memref_slice %arg2[%mul3A_83, %dma_wait3A_111] : memref<784x16384xf32, #tpu.memory_space<hbm>> -> memref<2x16384xf32, #tpu.memory_space<hbm>>
    tpu.wait_dma2 semaphore(%arg7 : memref<!tpu.dma_semaphore, #tpu.memory_space<semaphore_mem>>) src(%dma_wait3A_112 : memref<2x16384xf32, #tpu.memory_space<hbm>>) dst(%arg4 : memref<2x16384xf32, #tpu.memory_space<vmem>>)
    %scan3A_113 = arith.constant 0 : i32
    %scan3A_114 = arith.constant 128 : i32
    %scan3A_115 = arith.addi %scan3A_113, %scan3A_114 : i32
    %scan3A_116 = arith.constant 1 : i32
    %scan3A_117:4 = scf.for %scan3A_281 = %scan3A_113 to %scan3A_115 step %scan3A_116 iter_args(%scan3A_282 = %scan3A_96#0, %scan3A_283 = %scan3A_96#1, %scan3A_284 = %scan3A_96#2, %scan3A_285 = %scan3A_96#3) -> (vector<16xf32>, vector<16xf32>, vector<16xf32>, vector<16xf32>)  : i32 {
      %mul3A_286 = arith.constant 128 : i32
      %mul3A_287 = arith.muli %scan3A_281, %mul3A_286 : i32
      %add3A_288 = arith.constant 0 : i32
      %add3A_289 = arith.addi %mul3A_287, %add3A_288 : i32
      %get3A = arith.constant 0 : i32
      %get3A_290 = arith.index_cast %get3A : i32 to index
      %get3A_291 = arith.index_cast %add3A_289 : i32 to index
      %get3A_292 = tpu.vector_load %arg4[%get3A_290, %get3A_291] {strides = array<i32>} : memref<2x16384xf32, #tpu.memory_space<vmem>>, vector<1x16xf32>,
      %get3A_293 = vector.shape_cast %get3A_292 : vector<1x16xf32> to vector<16xf32>
      %max3A_294 = arith.maximumf %scan3A_282, %get3A_293 : vector<16xf32>
      %mul3A_295 = arith.constant 128 : i32
      %mul3A_296 = arith.muli %scan3A_281, %mul3A_295 : i32
      %add3A_297 = arith.constant 16 : i32
      %add3A_298 = arith.addi %mul3A_296, %add3A_297 : i32
      %get3A_299 = arith.constant 0 : i32
      %get3A_300 = arith.index_cast %get3A_299 : i32 to index
      %get3A_301 = arith.index_cast %add3A_298 : i32 to index
      %get3A_302 = tpu.vector_load %arg4[%get3A_300, %get3A_301] {strides = array<i32>} : memref<2x16384xf32, #tpu.memory_space<vmem>>, vector<1x16xf32>,
      %get3A_303 = vector.shape_cast %get3A_302 : vector<1x16xf32> to vector<16xf32>
      %max3A_304 = arith.maximumf %scan3A_283, %get3A_303 : vector<16xf32>
      %mul3A_305 = arith.constant 128 : i32
      %mul3A_306 = arith.muli %scan3A_281, %mul3A_305 : i32
      %add3A_307 = arith.constant 32 : i32
      %add3A_308 = arith.addi %mul3A_306, %add3A_307 : i32
      %get3A_309 = arith.constant 0 : i32
      %get3A_310 = arith.index_cast %get3A_309 : i32 to index
      %get3A_311 = arith.index_cast %add3A_308 : i32 to index
      %get3A_312 = tpu.vector_load %arg4[%get3A_310, %get3A_311] {strides = array<i32>} : memref<2x16384xf32, #tpu.memory_space<vmem>>, vector<1x16xf32>,
      %get3A_313 = vector.shape_cast %get3A_312 : vector<1x16xf32> to vector<16xf32>
      %max3A_314 = arith.maximumf %scan3A_284, %get3A_313 : vector<16xf32>
      %mul3A_315 = arith.constant 128 : i32
      %mul3A_316 = arith.muli %scan3A_281, %mul3A_315 : i32
      %add3A_317 = arith.constant 48 : i32
      %add3A_318 = arith.addi %mul3A_316, %add3A_317 : i32
      %get3A_319 = arith.constant 0 : i32
      %get3A_320 = arith.index_cast %get3A_319 : i32 to index
      %get3A_321 = arith.index_cast %add3A_318 : i32 to index
      %get3A_322 = tpu.vector_load %arg4[%get3A_320, %get3A_321] {strides = array<i32>} : memref<2x16384xf32, #tpu.memory_space<vmem>>, vector<1x16xf32>,
      %get3A_323 = vector.shape_cast %get3A_322 : vector<1x16xf32> to vector<16xf32>
      %max3A_324 = arith.maximumf %scan3A_285, %get3A_323 : vector<16xf32>
      %mul3A_325 = arith.constant 128 : i32
      %mul3A_326 = arith.muli %scan3A_281, %mul3A_325 : i32
      %add3A_327 = arith.constant 64 : i32
      %add3A_328 = arith.addi %mul3A_326, %add3A_327 : i32
      %get3A_329 = arith.constant 0 : i32
      %get3A_330 = arith.index_cast %get3A_329 : i32 to index
      %get3A_331 = arith.index_cast %add3A_328 : i32 to index
      %get3A_332 = tpu.vector_load %arg4[%get3A_330, %get3A_331] {strides = array<i32>} : memref<2x16384xf32, #tpu.memory_space<vmem>>, vector<1x16xf32>,
      %get3A_333 = vector.shape_cast %get3A_332 : vector<1x16xf32> to vector<16xf32>
      %max3A_334 = arith.maximumf %max3A_294, %get3A_333 : vector<16xf32>
      %mul3A_335 = arith.constant 128 : i32
      %mul3A_336 = arith.muli %scan3A_281, %mul3A_335 : i32
      %add3A_337 = arith.constant 80 : i32
      %add3A_338 = arith.addi %mul3A_336, %add3A_337 : i32
      %get3A_339 = arith.constant 0 : i32
      %get3A_340 = arith.index_cast %get3A_339 : i32 to index
      %get3A_341 = arith.index_cast %add3A_338 : i32 to index
      %get3A_342 = tpu.vector_load %arg4[%get3A_340, %get3A_341] {strides = array<i32>} : memref<2x16384xf32, #tpu.memory_space<vmem>>, vector<1x16xf32>,
      %get3A_343 = vector.shape_cast %get3A_342 : vector<1x16xf32> to vector<16xf32>
      %max3A_344 = arith.maximumf %max3A_304, %get3A_343 : vector<16xf32>
      %mul3A_345 = arith.constant 128 : i32
      %mul3A_346 = arith.muli %scan3A_281, %mul3A_345 : i32
      %add3A_347 = arith.constant 96 : i32
      %add3A_348 = arith.addi %mul3A_346, %add3A_347 : i32
      %get3A_349 = arith.constant 0 : i32
      %get3A_350 = arith.index_cast %get3A_349 : i32 to index
      %get3A_351 = arith.index_cast %add3A_348 : i32 to index
      %get3A_352 = tpu.vector_load %arg4[%get3A_350, %get3A_351] {strides = array<i32>} : memref<2x16384xf32, #tpu.memory_space<vmem>>, vector<1x16xf32>,
      %get3A_353 = vector.shape_cast %get3A_352 : vector<1x16xf32> to vector<16xf32>
      %max3A_354 = arith.maximumf %max3A_314, %get3A_353 : vector<16xf32>
      %mul3A_355 = arith.constant 128 : i32
      %mul3A_356 = arith.muli %scan3A_281, %mul3A_355 : i32
      %add3A_357 = arith.constant 112 : i32
      %add3A_358 = arith.addi %mul3A_356, %add3A_357 : i32
      %get3A_359 = arith.constant 0 : i32
      %get3A_360 = arith.index_cast %get3A_359 : i32 to index
      %get3A_361 = arith.index_cast %add3A_358 : i32 to index
      %get3A_362 = tpu.vector_load %arg4[%get3A_360, %get3A_361] {strides = array<i32>} : memref<2x16384xf32, #tpu.memory_space<vmem>>, vector<1x16xf32>,
      %get3A_363 = vector.shape_cast %get3A_362 : vector<1x16xf32> to vector<16xf32>
      %max3A_364 = arith.maximumf %max3A_324, %get3A_363 : vector<16xf32>
      %mul3A_365 = arith.constant 128 : i32
      %mul3A_366 = arith.muli %scan3A_281, %mul3A_365 : i32
      %add3A_367 = arith.constant 0 : i32
      %add3A_368 = arith.addi %mul3A_366, %add3A_367 : i32
      %get3A_369 = arith.constant 1 : i32
      %get3A_370 = arith.index_cast %get3A_369 : i32 to index
      %get3A_371 = arith.index_cast %add3A_368 : i32 to index
      %get3A_372 = tpu.vector_load %arg4[%get3A_370, %get3A_371] {strides = array<i32>} : memref<2x16384xf32, #tpu.memory_space<vmem>>, vector<1x16xf32>,
      %get3A_373 = vector.shape_cast %get3A_372 : vector<1x16xf32> to vector<16xf32>
      %max3A_374 = arith.maximumf %max3A_334, %get3A_373 : vector<16xf32>
      %mul3A_375 = arith.constant 128 : i32
      %mul3A_376 = arith.muli %scan3A_281, %mul3A_375 : i32
      %add3A_377 = arith.constant 16 : i32
      %add3A_378 = arith.addi %mul3A_376, %add3A_377 : i32
      %get3A_379 = arith.constant 1 : i32
      %get3A_380 = arith.index_cast %get3A_379 : i32 to index
      %get3A_381 = arith.index_cast %add3A_378 : i32 to index
      %get3A_382 = tpu.vector_load %arg4[%get3A_380, %get3A_381] {strides = array<i32>} : memref<2x16384xf32, #tpu.memory_space<vmem>>, vector<1x16xf32>,
      %get3A_383 = vector.shape_cast %get3A_382 : vector<1x16xf32> to vector<16xf32>
      %max3A_384 = arith.maximumf %max3A_344, %get3A_383 : vector<16xf32>
      %mul3A_385 = arith.constant 128 : i32
      %mul3A_386 = arith.muli %scan3A_281, %mul3A_385 : i32
      %add3A_387 = arith.constant 32 : i32
      %add3A_388 = arith.addi %mul3A_386, %add3A_387 : i32
      %get3A_389 = arith.constant 1 : i32
      %get3A_390 = arith.index_cast %get3A_389 : i32 to index
      %get3A_391 = arith.index_cast %add3A_388 : i32 to index
      %get3A_392 = tpu.vector_load %arg4[%get3A_390, %get3A_391] {strides = array<i32>} : memref<2x16384xf32, #tpu.memory_space<vmem>>, vector<1x16xf32>,
      %get3A_393 = vector.shape_cast %get3A_392 : vector<1x16xf32> to vector<16xf32>
      %max3A_394 = arith.maximumf %max3A_354, %get3A_393 : vector<16xf32>
      %mul3A_395 = arith.constant 128 : i32
      %mul3A_396 = arith.muli %scan3A_281, %mul3A_395 : i32
      %add3A_397 = arith.constant 48 : i32
      %add3A_398 = arith.addi %mul3A_396, %add3A_397 : i32
      %get3A_399 = arith.constant 1 : i32
      %get3A_400 = arith.index_cast %get3A_399 : i32 to index
      %get3A_401 = arith.index_cast %add3A_398 : i32 to index
      %get3A_402 = tpu.vector_load %arg4[%get3A_400, %get3A_401] {strides = array<i32>} : memref<2x16384xf32, #tpu.memory_space<vmem>>, vector<1x16xf32>,
      %get3A_403 = vector.shape_cast %get3A_402 : vector<1x16xf32> to vector<16xf32>
      %max3A_404 = arith.maximumf %max3A_364, %get3A_403 : vector<16xf32>
      %mul3A_405 = arith.constant 128 : i32
      %mul3A_406 = arith.muli %scan3A_281, %mul3A_405 : i32
      %add3A_407 = arith.constant 64 : i32
      %add3A_408 = arith.addi %mul3A_406, %add3A_407 : i32
      %get3A_409 = arith.constant 1 : i32
      %get3A_410 = arith.index_cast %get3A_409 : i32 to index
      %get3A_411 = arith.index_cast %add3A_408 : i32 to index
      %get3A_412 = tpu.vector_load %arg4[%get3A_410, %get3A_411] {strides = array<i32>} : memref<2x16384xf32, #tpu.memory_space<vmem>>, vector<1x16xf32>,
      %get3A_413 = vector.shape_cast %get3A_412 : vector<1x16xf32> to vector<16xf32>
      %max3A_414 = arith.maximumf %max3A_374, %get3A_413 : vector<16xf32>
      %mul3A_415 = arith.constant 128 : i32
      %mul3A_416 = arith.muli %scan3A_281, %mul3A_415 : i32
      %add3A_417 = arith.constant 80 : i32
      %add3A_418 = arith.addi %mul3A_416, %add3A_417 : i32
      %get3A_419 = arith.constant 1 : i32
      %get3A_420 = arith.index_cast %get3A_419 : i32 to index
      %get3A_421 = arith.index_cast %add3A_418 : i32 to index
      %get3A_422 = tpu.vector_load %arg4[%get3A_420, %get3A_421] {strides = array<i32>} : memref<2x16384xf32, #tpu.memory_space<vmem>>, vector<1x16xf32>,
      %get3A_423 = vector.shape_cast %get3A_422 : vector<1x16xf32> to vector<16xf32>
      %max3A_424 = arith.maximumf %max3A_384, %get3A_423 : vector<16xf32>
      %mul3A_425 = arith.constant 128 : i32
      %mul3A_426 = arith.muli %scan3A_281, %mul3A_425 : i32
      %add3A_427 = arith.constant 96 : i32
      %add3A_428 = arith.addi %mul3A_426, %add3A_427 : i32
      %get3A_429 = arith.constant 1 : i32
      %get3A_430 = arith.index_cast %get3A_429 : i32 to index
      %get3A_431 = arith.index_cast %add3A_428 : i32 to index
      %get3A_432 = tpu.vector_load %arg4[%get3A_430, %get3A_431] {strides = array<i32>} : memref<2x16384xf32, #tpu.memory_space<vmem>>, vector<1x16xf32>,
      %get3A_433 = vector.shape_cast %get3A_432 : vector<1x16xf32> to vector<16xf32>
      %max3A_434 = arith.maximumf %max3A_394, %get3A_433 : vector<16xf32>
      %mul3A_435 = arith.constant 128 : i32
      %mul3A_436 = arith.muli %scan3A_281, %mul3A_435 : i32
      %add3A_437 = arith.constant 112 : i32
      %add3A_438 = arith.addi %mul3A_436, %add3A_437 : i32
      %get3A_439 = arith.constant 1 : i32
      %get3A_440 = arith.index_cast %get3A_439 : i32 to index
      %get3A_441 = arith.index_cast %add3A_438 : i32 to index
      %get3A_442 = tpu.vector_load %arg4[%get3A_440, %get3A_441] {strides = array<i32>} : memref<2x16384xf32, #tpu.memory_space<vmem>>, vector<1x16xf32>,
      %get3A_443 = vector.shape_cast %get3A_442 : vector<1x16xf32> to vector<16xf32>
      %max3A_444 = arith.maximumf %max3A_404, %get3A_443 : vector<16xf32>
      scf.yield %max3A_414, %max3A_424, %max3A_434, %max3A_444 : vector<16xf32>, vector<16xf32>, vector<16xf32>, vector<16xf32>
    }
    %scan3A_118 = arith.constant 128 : i32
    %add3A_119 = arith.constant 192 : i32
    %add3A_120 = arith.addi %add3A_119, %add3A : i32
    %lt3A_121 = arith.constant 392 : i32
    %lt3A_122 = arith.cmpi slt, %add3A_120, %lt3A_121 : i32
    %select_n3A_123 = arith.select %lt3A_122, %add3A_120, %add3A : i32
    %mul3A_124 = arith.constant 2 : i32
    %mul3A_125 = arith.muli %select_n3A_123, %mul3A_124 : i32
    %dma_start3A_126 = arith.constant 0 : i32
    %dma_start3A_127 = tpu.memref_slice %arg2[%mul3A_125, %dma_start3A_126] : memref<784x16384xf32, #tpu.memory_space<hbm>> -> memref<2x16384xf32, #tpu.memory_space<hbm>>
    %dma_start3A_128 = arith.constant 0 : i32
    %dma_start3A_129 = tpu.memref_slice %arg2[%mul3A_125, %dma_start3A_128] : memref<784x16384xf32, #tpu.memory_space<hbm>> -> memref<2x16384xf32, #tpu.memory_space<hbm>>
    tpu.enqueue_dma source(%dma_start3A_129 : memref<2x16384xf32, #tpu.memory_space<hbm>>) target(%arg4 : memref<2x16384xf32, #tpu.memory_space<vmem>>) target_semaphore(%arg7 : memref<!tpu.dma_semaphore, #tpu.memory_space<semaphore_mem>>)
    %dma_wait3A_130 = arith.constant 0 : i32
    %dma_wait3A_131 = tpu.memref_slice %arg2[%mul3A_104, %dma_wait3A_130] : memref<784x16384xf32, #tpu.memory_space<hbm>> -> memref<2x16384xf32, #tpu.memory_space<hbm>>
    %dma_wait3A_132 = arith.constant 0 : i32
    %dma_wait3A_133 = tpu.memref_slice %arg2[%mul3A_104, %dma_wait3A_132] : memref<784x16384xf32, #tpu.memory_space<hbm>> -> memref<2x16384xf32, #tpu.memory_space<hbm>>
    tpu.wait_dma2 semaphore(%arg8 : memref<!tpu.dma_semaphore, #tpu.memory_space<semaphore_mem>>) src(%dma_wait3A_133 : memref<2x16384xf32, #tpu.memory_space<hbm>>) dst(%arg5 : memref<2x16384xf32, #tpu.memory_space<vmem>>)
    %scan3A_134 = arith.constant 0 : i32
    %scan3A_135 = arith.constant 128 : i32
    %scan3A_136 = arith.addi %scan3A_134, %scan3A_135 : i32
    %scan3A_137 = arith.constant 1 : i32
    %scan3A_138:4 = scf.for %scan3A_281 = %scan3A_134 to %scan3A_136 step %scan3A_137 iter_args(%scan3A_282 = %scan3A_117#0, %scan3A_283 = %scan3A_117#1, %scan3A_284 = %scan3A_117#2, %scan3A_285 = %scan3A_117#3) -> (vector<16xf32>, vector<16xf32>, vector<16xf32>, vector<16xf32>)  : i32 {
      %mul3A_286 = arith.constant 128 : i32
      %mul3A_287 = arith.muli %scan3A_281, %mul3A_286 : i32
      %add3A_288 = arith.constant 0 : i32
      %add3A_289 = arith.addi %mul3A_287, %add3A_288 : i32
      %get3A = arith.constant 0 : i32
      %get3A_290 = arith.index_cast %get3A : i32 to index
      %get3A_291 = arith.index_cast %add3A_289 : i32 to index
      %get3A_292 = tpu.vector_load %arg5[%get3A_290, %get3A_291] {strides = array<i32>} : memref<2x16384xf32, #tpu.memory_space<vmem>>, vector<1x16xf32>,
      %get3A_293 = vector.shape_cast %get3A_292 : vector<1x16xf32> to vector<16xf32>
      %max3A_294 = arith.maximumf %scan3A_282, %get3A_293 : vector<16xf32>
      %mul3A_295 = arith.constant 128 : i32
      %mul3A_296 = arith.muli %scan3A_281, %mul3A_295 : i32
      %add3A_297 = arith.constant 16 : i32
      %add3A_298 = arith.addi %mul3A_296, %add3A_297 : i32
      %get3A_299 = arith.constant 0 : i32
      %get3A_300 = arith.index_cast %get3A_299 : i32 to index
      %get3A_301 = arith.index_cast %add3A_298 : i32 to index
      %get3A_302 = tpu.vector_load %arg5[%get3A_300, %get3A_301] {strides = array<i32>} : memref<2x16384xf32, #tpu.memory_space<vmem>>, vector<1x16xf32>,
      %get3A_303 = vector.shape_cast %get3A_302 : vector<1x16xf32> to vector<16xf32>
      %max3A_304 = arith.maximumf %scan3A_283, %get3A_303 : vector<16xf32>
      %mul3A_305 = arith.constant 128 : i32
      %mul3A_306 = arith.muli %scan3A_281, %mul3A_305 : i32
      %add3A_307 = arith.constant 32 : i32
      %add3A_308 = arith.addi %mul3A_306, %add3A_307 : i32
      %get3A_309 = arith.constant 0 : i32
      %get3A_310 = arith.index_cast %get3A_309 : i32 to index
      %get3A_311 = arith.index_cast %add3A_308 : i32 to index
      %get3A_312 = tpu.vector_load %arg5[%get3A_310, %get3A_311] {strides = array<i32>} : memref<2x16384xf32, #tpu.memory_space<vmem>>, vector<1x16xf32>,
      %get3A_313 = vector.shape_cast %get3A_312 : vector<1x16xf32> to vector<16xf32>
      %max3A_314 = arith.maximumf %scan3A_284, %get3A_313 : vector<16xf32>
      %mul3A_315 = arith.constant 128 : i32
      %mul3A_316 = arith.muli %scan3A_281, %mul3A_315 : i32
      %add3A_317 = arith.constant 48 : i32
      %add3A_318 = arith.addi %mul3A_316, %add3A_317 : i32
      %get3A_319 = arith.constant 0 : i32
      %get3A_320 = arith.index_cast %get3A_319 : i32 to index
      %get3A_321 = arith.index_cast %add3A_318 : i32 to index
      %get3A_322 = tpu.vector_load %arg5[%get3A_320, %get3A_321] {strides = array<i32>} : memref<2x16384xf32, #tpu.memory_space<vmem>>, vector<1x16xf32>,
      %get3A_323 = vector.shape_cast %get3A_322 : vector<1x16xf32> to vector<16xf32>
      %max3A_324 = arith.maximumf %scan3A_285, %get3A_323 : vector<16xf32>
      %mul3A_325 = arith.constant 128 : i32
      %mul3A_326 = arith.muli %scan3A_281, %mul3A_325 : i32
      %add3A_327 = arith.constant 64 : i32
      %add3A_328 = arith.addi %mul3A_326, %add3A_327 : i32
      %get3A_329 = arith.constant 0 : i32
      %get3A_330 = arith.index_cast %get3A_329 : i32 to index
      %get3A_331 = arith.index_cast %add3A_328 : i32 to index
      %get3A_332 = tpu.vector_load %arg5[%get3A_330, %get3A_331] {strides = array<i32>} : memref<2x16384xf32, #tpu.memory_space<vmem>>, vector<1x16xf32>,
      %get3A_333 = vector.shape_cast %get3A_332 : vector<1x16xf32> to vector<16xf32>
      %max3A_334 = arith.maximumf %max3A_294, %get3A_333 : vector<16xf32>
      %mul3A_335 = arith.constant 128 : i32
      %mul3A_336 = arith.muli %scan3A_281, %mul3A_335 : i32
      %add3A_337 = arith.constant 80 : i32
      %add3A_338 = arith.addi %mul3A_336, %add3A_337 : i32
      %get3A_339 = arith.constant 0 : i32
      %get3A_340 = arith.index_cast %get3A_339 : i32 to index
      %get3A_341 = arith.index_cast %add3A_338 : i32 to index
      %get3A_342 = tpu.vector_load %arg5[%get3A_340, %get3A_341] {strides = array<i32>} : memref<2x16384xf32, #tpu.memory_space<vmem>>, vector<1x16xf32>,
      %get3A_343 = vector.shape_cast %get3A_342 : vector<1x16xf32> to vector<16xf32>
      %max3A_344 = arith.maximumf %max3A_304, %get3A_343 : vector<16xf32>
      %mul3A_345 = arith.constant 128 : i32
      %mul3A_346 = arith.muli %scan3A_281, %mul3A_345 : i32
      %add3A_347 = arith.constant 96 : i32
      %add3A_348 = arith.addi %mul3A_346, %add3A_347 : i32
      %get3A_349 = arith.constant 0 : i32
      %get3A_350 = arith.index_cast %get3A_349 : i32 to index
      %get3A_351 = arith.index_cast %add3A_348 : i32 to index
      %get3A_352 = tpu.vector_load %arg5[%get3A_350, %get3A_351] {strides = array<i32>} : memref<2x16384xf32, #tpu.memory_space<vmem>>, vector<1x16xf32>,
      %get3A_353 = vector.shape_cast %get3A_352 : vector<1x16xf32> to vector<16xf32>
      %max3A_354 = arith.maximumf %max3A_314, %get3A_353 : vector<16xf32>
      %mul3A_355 = arith.constant 128 : i32
      %mul3A_356 = arith.muli %scan3A_281, %mul3A_355 : i32
      %add3A_357 = arith.constant 112 : i32
      %add3A_358 = arith.addi %mul3A_356, %add3A_357 : i32
      %get3A_359 = arith.constant 0 : i32
      %get3A_360 = arith.index_cast %get3A_359 : i32 to index
      %get3A_361 = arith.index_cast %add3A_358 : i32 to index
      %get3A_362 = tpu.vector_load %arg5[%get3A_360, %get3A_361] {strides = array<i32>} : memref<2x16384xf32, #tpu.memory_space<vmem>>, vector<1x16xf32>,
      %get3A_363 = vector.shape_cast %get3A_362 : vector<1x16xf32> to vector<16xf32>
      %max3A_364 = arith.maximumf %max3A_324, %get3A_363 : vector<16xf32>
      %mul3A_365 = arith.constant 128 : i32
      %mul3A_366 = arith.muli %scan3A_281, %mul3A_365 : i32
      %add3A_367 = arith.constant 0 : i32
      %add3A_368 = arith.addi %mul3A_366, %add3A_367 : i32
      %get3A_369 = arith.constant 1 : i32
      %get3A_370 = arith.index_cast %get3A_369 : i32 to index
      %get3A_371 = arith.index_cast %add3A_368 : i32 to index
      %get3A_372 = tpu.vector_load %arg5[%get3A_370, %get3A_371] {strides = array<i32>} : memref<2x16384xf32, #tpu.memory_space<vmem>>, vector<1x16xf32>,
      %get3A_373 = vector.shape_cast %get3A_372 : vector<1x16xf32> to vector<16xf32>
      %max3A_374 = arith.maximumf %max3A_334, %get3A_373 : vector<16xf32>
      %mul3A_375 = arith.constant 128 : i32
      %mul3A_376 = arith.muli %scan3A_281, %mul3A_375 : i32
      %add3A_377 = arith.constant 16 : i32
      %add3A_378 = arith.addi %mul3A_376, %add3A_377 : i32
      %get3A_379 = arith.constant 1 : i32
      %get3A_380 = arith.index_cast %get3A_379 : i32 to index
      %get3A_381 = arith.index_cast %add3A_378 : i32 to index
      %get3A_382 = tpu.vector_load %arg5[%get3A_380, %get3A_381] {strides = array<i32>} : memref<2x16384xf32, #tpu.memory_space<vmem>>, vector<1x16xf32>,
      %get3A_383 = vector.shape_cast %get3A_382 : vector<1x16xf32> to vector<16xf32>
      %max3A_384 = arith.maximumf %max3A_344, %get3A_383 : vector<16xf32>
      %mul3A_385 = arith.constant 128 : i32
      %mul3A_386 = arith.muli %scan3A_281, %mul3A_385 : i32
      %add3A_387 = arith.constant 32 : i32
      %add3A_388 = arith.addi %mul3A_386, %add3A_387 : i32
      %get3A_389 = arith.constant 1 : i32
      %get3A_390 = arith.index_cast %get3A_389 : i32 to index
      %get3A_391 = arith.index_cast %add3A_388 : i32 to index
      %get3A_392 = tpu.vector_load %arg5[%get3A_390, %get3A_391] {strides = array<i32>} : memref<2x16384xf32, #tpu.memory_space<vmem>>, vector<1x16xf32>,
      %get3A_393 = vector.shape_cast %get3A_392 : vector<1x16xf32> to vector<16xf32>
      %max3A_394 = arith.maximumf %max3A_354, %get3A_393 : vector<16xf32>
      %mul3A_395 = arith.constant 128 : i32
      %mul3A_396 = arith.muli %scan3A_281, %mul3A_395 : i32
      %add3A_397 = arith.constant 48 : i32
      %add3A_398 = arith.addi %mul3A_396, %add3A_397 : i32
      %get3A_399 = arith.constant 1 : i32
      %get3A_400 = arith.index_cast %get3A_399 : i32 to index
      %get3A_401 = arith.index_cast %add3A_398 : i32 to index
      %get3A_402 = tpu.vector_load %arg5[%get3A_400, %get3A_401] {strides = array<i32>} : memref<2x16384xf32, #tpu.memory_space<vmem>>, vector<1x16xf32>,
      %get3A_403 = vector.shape_cast %get3A_402 : vector<1x16xf32> to vector<16xf32>
      %max3A_404 = arith.maximumf %max3A_364, %get3A_403 : vector<16xf32>
      %mul3A_405 = arith.constant 128 : i32
      %mul3A_406 = arith.muli %scan3A_281, %mul3A_405 : i32
      %add3A_407 = arith.constant 64 : i32
      %add3A_408 = arith.addi %mul3A_406, %add3A_407 : i32
      %get3A_409 = arith.constant 1 : i32
      %get3A_410 = arith.index_cast %get3A_409 : i32 to index
      %get3A_411 = arith.index_cast %add3A_408 : i32 to index
      %get3A_412 = tpu.vector_load %arg5[%get3A_410, %get3A_411] {strides = array<i32>} : memref<2x16384xf32, #tpu.memory_space<vmem>>, vector<1x16xf32>,
      %get3A_413 = vector.shape_cast %get3A_412 : vector<1x16xf32> to vector<16xf32>
      %max3A_414 = arith.maximumf %max3A_374, %get3A_413 : vector<16xf32>
      %mul3A_415 = arith.constant 128 : i32
      %mul3A_416 = arith.muli %scan3A_281, %mul3A_415 : i32
      %add3A_417 = arith.constant 80 : i32
      %add3A_418 = arith.addi %mul3A_416, %add3A_417 : i32
      %get3A_419 = arith.constant 1 : i32
      %get3A_420 = arith.index_cast %get3A_419 : i32 to index
      %get3A_421 = arith.index_cast %add3A_418 : i32 to index
      %get3A_422 = tpu.vector_load %arg5[%get3A_420, %get3A_421] {strides = array<i32>} : memref<2x16384xf32, #tpu.memory_space<vmem>>, vector<1x16xf32>,
      %get3A_423 = vector.shape_cast %get3A_422 : vector<1x16xf32> to vector<16xf32>
      %max3A_424 = arith.maximumf %max3A_384, %get3A_423 : vector<16xf32>
      %mul3A_425 = arith.constant 128 : i32
      %mul3A_426 = arith.muli %scan3A_281, %mul3A_425 : i32
      %add3A_427 = arith.constant 96 : i32
      %add3A_428 = arith.addi %mul3A_426, %add3A_427 : i32
      %get3A_429 = arith.constant 1 : i32
      %get3A_430 = arith.index_cast %get3A_429 : i32 to index
      %get3A_431 = arith.index_cast %add3A_428 : i32 to index
      %get3A_432 = tpu.vector_load %arg5[%get3A_430, %get3A_431] {strides = array<i32>} : memref<2x16384xf32, #tpu.memory_space<vmem>>, vector<1x16xf32>,
      %get3A_433 = vector.shape_cast %get3A_432 : vector<1x16xf32> to vector<16xf32>
      %max3A_434 = arith.maximumf %max3A_394, %get3A_433 : vector<16xf32>
      %mul3A_435 = arith.constant 128 : i32
      %mul3A_436 = arith.muli %scan3A_281, %mul3A_435 : i32
      %add3A_437 = arith.constant 112 : i32
      %add3A_438 = arith.addi %mul3A_436, %add3A_437 : i32
      %get3A_439 = arith.constant 1 : i32
      %get3A_440 = arith.index_cast %get3A_439 : i32 to index
      %get3A_441 = arith.index_cast %add3A_438 : i32 to index
      %get3A_442 = tpu.vector_load %arg5[%get3A_440, %get3A_441] {strides = array<i32>} : memref<2x16384xf32, #tpu.memory_space<vmem>>, vector<1x16xf32>,
      %get3A_443 = vector.shape_cast %get3A_442 : vector<1x16xf32> to vector<16xf32>
      %max3A_444 = arith.maximumf %max3A_404, %get3A_443 : vector<16xf32>
      scf.yield %max3A_414, %max3A_424, %max3A_434, %max3A_444 : vector<16xf32>, vector<16xf32>, vector<16xf32>, vector<16xf32>
    }
    %scan3A_139 = arith.constant 128 : i32
    %add3A_140 = arith.constant 224 : i32
    %add3A_141 = arith.addi %add3A_140, %add3A : i32
    %lt3A_142 = arith.constant 392 : i32
    %lt3A_143 = arith.cmpi slt, %add3A_141, %lt3A_142 : i32
    %select_n3A_144 = arith.select %lt3A_143, %add3A_141, %add3A : i32
    %mul3A_145 = arith.constant 2 : i32
    %mul3A_146 = arith.muli %select_n3A_144, %mul3A_145 : i32
    %dma_start3A_147 = arith.constant 0 : i32
    %dma_start3A_148 = tpu.memref_slice %arg2[%mul3A_146, %dma_start3A_147] : memref<784x16384xf32, #tpu.memory_space<hbm>> -> memref<2x16384xf32, #tpu.memory_space<hbm>>
    %dma_start3A_149 = arith.constant 0 : i32
    %dma_start3A_150 = tpu.memref_slice %arg2[%mul3A_146, %dma_start3A_149] : memref<784x16384xf32, #tpu.memory_space<hbm>> -> memref<2x16384xf32, #tpu.memory_space<hbm>>
    tpu.enqueue_dma source(%dma_start3A_150 : memref<2x16384xf32, #tpu.memory_space<hbm>>) target(%arg5 : memref<2x16384xf32, #tpu.memory_space<vmem>>) target_semaphore(%arg8 : memref<!tpu.dma_semaphore, #tpu.memory_space<semaphore_mem>>)
    %dma_wait3A_151 = arith.constant 0 : i32
    %dma_wait3A_152 = tpu.memref_slice %arg2[%mul3A_125, %dma_wait3A_151] : memref<784x16384xf32, #tpu.memory_space<hbm>> -> memref<2x16384xf32, #tpu.memory_space<hbm>>
    %dma_wait3A_153 = arith.constant 0 : i32
    %dma_wait3A_154 = tpu.memref_slice %arg2[%mul3A_125, %dma_wait3A_153] : memref<784x16384xf32, #tpu.memory_space<hbm>> -> memref<2x16384xf32, #tpu.memory_space<hbm>>
    tpu.wait_dma2 semaphore(%arg7 : memref<!tpu.dma_semaphore, #tpu.memory_space<semaphore_mem>>) src(%dma_wait3A_154 : memref<2x16384xf32, #tpu.memory_space<hbm>>) dst(%arg4 : memref<2x16384xf32, #tpu.memory_space<vmem>>)
    %scan3A_155 = arith.constant 0 : i32
    %scan3A_156 = arith.constant 128 : i32
    %scan3A_157 = arith.addi %scan3A_155, %scan3A_156 : i32
    %scan3A_158 = arith.constant 1 : i32
    %scan3A_159:4 = scf.for %scan3A_281 = %scan3A_155 to %scan3A_157 step %scan3A_158 iter_args(%scan3A_282 = %scan3A_138#0, %scan3A_283 = %scan3A_138#1, %scan3A_284 = %scan3A_138#2, %scan3A_285 = %scan3A_138#3) -> (vector<16xf32>, vector<16xf32>, vector<16xf32>, vector<16xf32>)  : i32 {
      %mul3A_286 = arith.constant 128 : i32
      %mul3A_287 = arith.muli %scan3A_281, %mul3A_286 : i32
      %add3A_288 = arith.constant 0 : i32
      %add3A_289 = arith.addi %mul3A_287, %add3A_288 : i32
      %get3A = arith.constant 0 : i32
      %get3A_290 = arith.index_cast %get3A : i32 to index
      %get3A_291 = arith.index_cast %add3A_289 : i32 to index
      %get3A_292 = tpu.vector_load %arg4[%get3A_290, %get3A_291] {strides = array<i32>} : memref<2x16384xf32, #tpu.memory_space<vmem>>, vector<1x16xf32>,
      %get3A_293 = vector.shape_cast %get3A_292 : vector<1x16xf32> to vector<16xf32>
      %max3A_294 = arith.maximumf %scan3A_282, %get3A_293 : vector<16xf32>
      %mul3A_295 = arith.constant 128 : i32
      %mul3A_296 = arith.muli %scan3A_281, %mul3A_295 : i32
      %add3A_297 = arith.constant 16 : i32
      %add3A_298 = arith.addi %mul3A_296, %add3A_297 : i32
      %get3A_299 = arith.constant 0 : i32
      %get3A_300 = arith.index_cast %get3A_299 : i32 to index
      %get3A_301 = arith.index_cast %add3A_298 : i32 to index
      %get3A_302 = tpu.vector_load %arg4[%get3A_300, %get3A_301] {strides = array<i32>} : memref<2x16384xf32, #tpu.memory_space<vmem>>, vector<1x16xf32>,
      %get3A_303 = vector.shape_cast %get3A_302 : vector<1x16xf32> to vector<16xf32>
      %max3A_304 = arith.maximumf %scan3A_283, %get3A_303 : vector<16xf32>
      %mul3A_305 = arith.constant 128 : i32
      %mul3A_306 = arith.muli %scan3A_281, %mul3A_305 : i32
      %add3A_307 = arith.constant 32 : i32
      %add3A_308 = arith.addi %mul3A_306, %add3A_307 : i32
      %get3A_309 = arith.constant 0 : i32
      %get3A_310 = arith.index_cast %get3A_309 : i32 to index
      %get3A_311 = arith.index_cast %add3A_308 : i32 to index
      %get3A_312 = tpu.vector_load %arg4[%get3A_310, %get3A_311] {strides = array<i32>} : memref<2x16384xf32, #tpu.memory_space<vmem>>, vector<1x16xf32>,
      %get3A_313 = vector.shape_cast %get3A_312 : vector<1x16xf32> to vector<16xf32>
      %max3A_314 = arith.maximumf %scan3A_284, %get3A_313 : vector<16xf32>
      %mul3A_315 = arith.constant 128 : i32
      %mul3A_316 = arith.muli %scan3A_281, %mul3A_315 : i32
      %add3A_317 = arith.constant 48 : i32
      %add3A_318 = arith.addi %mul3A_316, %add3A_317 : i32
      %get3A_319 = arith.constant 0 : i32
      %get3A_320 = arith.index_cast %get3A_319 : i32 to index
      %get3A_321 = arith.index_cast %add3A_318 : i32 to index
      %get3A_322 = tpu.vector_load %arg4[%get3A_320, %get3A_321] {strides = array<i32>} : memref<2x16384xf32, #tpu.memory_space<vmem>>, vector<1x16xf32>,
      %get3A_323 = vector.shape_cast %get3A_322 : vector<1x16xf32> to vector<16xf32>
      %max3A_324 = arith.maximumf %scan3A_285, %get3A_323 : vector<16xf32>
      %mul3A_325 = arith.constant 128 : i32
      %mul3A_326 = arith.muli %scan3A_281, %mul3A_325 : i32
      %add3A_327 = arith.constant 64 : i32
      %add3A_328 = arith.addi %mul3A_326, %add3A_327 : i32
      %get3A_329 = arith.constant 0 : i32
      %get3A_330 = arith.index_cast %get3A_329 : i32 to index
      %get3A_331 = arith.index_cast %add3A_328 : i32 to index
      %get3A_332 = tpu.vector_load %arg4[%get3A_330, %get3A_331] {strides = array<i32>} : memref<2x16384xf32, #tpu.memory_space<vmem>>, vector<1x16xf32>,
      %get3A_333 = vector.shape_cast %get3A_332 : vector<1x16xf32> to vector<16xf32>
      %max3A_334 = arith.maximumf %max3A_294, %get3A_333 : vector<16xf32>
      %mul3A_335 = arith.constant 128 : i32
      %mul3A_336 = arith.muli %scan3A_281, %mul3A_335 : i32
      %add3A_337 = arith.constant 80 : i32
      %add3A_338 = arith.addi %mul3A_336, %add3A_337 : i32
      %get3A_339 = arith.constant 0 : i32
      %get3A_340 = arith.index_cast %get3A_339 : i32 to index
      %get3A_341 = arith.index_cast %add3A_338 : i32 to index
      %get3A_342 = tpu.vector_load %arg4[%get3A_340, %get3A_341] {strides = array<i32>} : memref<2x16384xf32, #tpu.memory_space<vmem>>, vector<1x16xf32>,
      %get3A_343 = vector.shape_cast %get3A_342 : vector<1x16xf32> to vector<16xf32>
      %max3A_344 = arith.maximumf %max3A_304, %get3A_343 : vector<16xf32>
      %mul3A_345 = arith.constant 128 : i32
      %mul3A_346 = arith.muli %scan3A_281, %mul3A_345 : i32
      %add3A_347 = arith.constant 96 : i32
      %add3A_348 = arith.addi %mul3A_346, %add3A_347 : i32
      %get3A_349 = arith.constant 0 : i32
      %get3A_350 = arith.index_cast %get3A_349 : i32 to index
      %get3A_351 = arith.index_cast %add3A_348 : i32 to index
      %get3A_352 = tpu.vector_load %arg4[%get3A_350, %get3A_351] {strides = array<i32>} : memref<2x16384xf32, #tpu.memory_space<vmem>>, vector<1x16xf32>,
      %get3A_353 = vector.shape_cast %get3A_352 : vector<1x16xf32> to vector<16xf32>
      %max3A_354 = arith.maximumf %max3A_314, %get3A_353 : vector<16xf32>
      %mul3A_355 = arith.constant 128 : i32
      %mul3A_356 = arith.muli %scan3A_281, %mul3A_355 : i32
      %add3A_357 = arith.constant 112 : i32
      %add3A_358 = arith.addi %mul3A_356, %add3A_357 : i32
      %get3A_359 = arith.constant 0 : i32
      %get3A_360 = arith.index_cast %get3A_359 : i32 to index
      %get3A_361 = arith.index_cast %add3A_358 : i32 to index
      %get3A_362 = tpu.vector_load %arg4[%get3A_360, %get3A_361] {strides = array<i32>} : memref<2x16384xf32, #tpu.memory_space<vmem>>, vector<1x16xf32>,
      %get3A_363 = vector.shape_cast %get3A_362 : vector<1x16xf32> to vector<16xf32>
      %max3A_364 = arith.maximumf %max3A_324, %get3A_363 : vector<16xf32>
      %mul3A_365 = arith.constant 128 : i32
      %mul3A_366 = arith.muli %scan3A_281, %mul3A_365 : i32
      %add3A_367 = arith.constant 0 : i32
      %add3A_368 = arith.addi %mul3A_366, %add3A_367 : i32
      %get3A_369 = arith.constant 1 : i32
      %get3A_370 = arith.index_cast %get3A_369 : i32 to index
      %get3A_371 = arith.index_cast %add3A_368 : i32 to index
      %get3A_372 = tpu.vector_load %arg4[%get3A_370, %get3A_371] {strides = array<i32>} : memref<2x16384xf32, #tpu.memory_space<vmem>>, vector<1x16xf32>,
      %get3A_373 = vector.shape_cast %get3A_372 : vector<1x16xf32> to vector<16xf32>
      %max3A_374 = arith.maximumf %max3A_334, %get3A_373 : vector<16xf32>
      %mul3A_375 = arith.constant 128 : i32
      %mul3A_376 = arith.muli %scan3A_281, %mul3A_375 : i32
      %add3A_377 = arith.constant 16 : i32
      %add3A_378 = arith.addi %mul3A_376, %add3A_377 : i32
      %get3A_379 = arith.constant 1 : i32
      %get3A_380 = arith.index_cast %get3A_379 : i32 to index
      %get3A_381 = arith.index_cast %add3A_378 : i32 to index
      %get3A_382 = tpu.vector_load %arg4[%get3A_380, %get3A_381] {strides = array<i32>} : memref<2x16384xf32, #tpu.memory_space<vmem>>, vector<1x16xf32>,
      %get3A_383 = vector.shape_cast %get3A_382 : vector<1x16xf32> to vector<16xf32>
      %max3A_384 = arith.maximumf %max3A_344, %get3A_383 : vector<16xf32>
      %mul3A_385 = arith.constant 128 : i32
      %mul3A_386 = arith.muli %scan3A_281, %mul3A_385 : i32
      %add3A_387 = arith.constant 32 : i32
      %add3A_388 = arith.addi %mul3A_386, %add3A_387 : i32
      %get3A_389 = arith.constant 1 : i32
      %get3A_390 = arith.index_cast %get3A_389 : i32 to index
      %get3A_391 = arith.index_cast %add3A_388 : i32 to index
      %get3A_392 = tpu.vector_load %arg4[%get3A_390, %get3A_391] {strides = array<i32>} : memref<2x16384xf32, #tpu.memory_space<vmem>>, vector<1x16xf32>,
      %get3A_393 = vector.shape_cast %get3A_392 : vector<1x16xf32> to vector<16xf32>
      %max3A_394 = arith.maximumf %max3A_354, %get3A_393 : vector<16xf32>
      %mul3A_395 = arith.constant 128 : i32
      %mul3A_396 = arith.muli %scan3A_281, %mul3A_395 : i32
      %add3A_397 = arith.constant 48 : i32
      %add3A_398 = arith.addi %mul3A_396, %add3A_397 : i32
      %get3A_399 = arith.constant 1 : i32
      %get3A_400 = arith.index_cast %get3A_399 : i32 to index
      %get3A_401 = arith.index_cast %add3A_398 : i32 to index
      %get3A_402 = tpu.vector_load %arg4[%get3A_400, %get3A_401] {strides = array<i32>} : memref<2x16384xf32, #tpu.memory_space<vmem>>, vector<1x16xf32>,
      %get3A_403 = vector.shape_cast %get3A_402 : vector<1x16xf32> to vector<16xf32>
      %max3A_404 = arith.maximumf %max3A_364, %get3A_403 : vector<16xf32>
      %mul3A_405 = arith.constant 128 : i32
      %mul3A_406 = arith.muli %scan3A_281, %mul3A_405 : i32
      %add3A_407 = arith.constant 64 : i32
      %add3A_408 = arith.addi %mul3A_406, %add3A_407 : i32
      %get3A_409 = arith.constant 1 : i32
      %get3A_410 = arith.index_cast %get3A_409 : i32 to index
      %get3A_411 = arith.index_cast %add3A_408 : i32 to index
      %get3A_412 = tpu.vector_load %arg4[%get3A_410, %get3A_411] {strides = array<i32>} : memref<2x16384xf32, #tpu.memory_space<vmem>>, vector<1x16xf32>,
      %get3A_413 = vector.shape_cast %get3A_412 : vector<1x16xf32> to vector<16xf32>
      %max3A_414 = arith.maximumf %max3A_374, %get3A_413 : vector<16xf32>
      %mul3A_415 = arith.constant 128 : i32
      %mul3A_416 = arith.muli %scan3A_281, %mul3A_415 : i32
      %add3A_417 = arith.constant 80 : i32
      %add3A_418 = arith.addi %mul3A_416, %add3A_417 : i32
      %get3A_419 = arith.constant 1 : i32
      %get3A_420 = arith.index_cast %get3A_419 : i32 to index
      %get3A_421 = arith.index_cast %add3A_418 : i32 to index
      %get3A_422 = tpu.vector_load %arg4[%get3A_420, %get3A_421] {strides = array<i32>} : memref<2x16384xf32, #tpu.memory_space<vmem>>, vector<1x16xf32>,
      %get3A_423 = vector.shape_cast %get3A_422 : vector<1x16xf32> to vector<16xf32>
      %max3A_424 = arith.maximumf %max3A_384, %get3A_423 : vector<16xf32>
      %mul3A_425 = arith.constant 128 : i32
      %mul3A_426 = arith.muli %scan3A_281, %mul3A_425 : i32
      %add3A_427 = arith.constant 96 : i32
      %add3A_428 = arith.addi %mul3A_426, %add3A_427 : i32
      %get3A_429 = arith.constant 1 : i32
      %get3A_430 = arith.index_cast %get3A_429 : i32 to index
      %get3A_431 = arith.index_cast %add3A_428 : i32 to index
      %get3A_432 = tpu.vector_load %arg4[%get3A_430, %get3A_431] {strides = array<i32>} : memref<2x16384xf32, #tpu.memory_space<vmem>>, vector<1x16xf32>,
      %get3A_433 = vector.shape_cast %get3A_432 : vector<1x16xf32> to vector<16xf32>
      %max3A_434 = arith.maximumf %max3A_394, %get3A_433 : vector<16xf32>
      %mul3A_435 = arith.constant 128 : i32
      %mul3A_436 = arith.muli %scan3A_281, %mul3A_435 : i32
      %add3A_437 = arith.constant 112 : i32
      %add3A_438 = arith.addi %mul3A_436, %add3A_437 : i32
      %get3A_439 = arith.constant 1 : i32
      %get3A_440 = arith.index_cast %get3A_439 : i32 to index
      %get3A_441 = arith.index_cast %add3A_438 : i32 to index
      %get3A_442 = tpu.vector_load %arg4[%get3A_440, %get3A_441] {strides = array<i32>} : memref<2x16384xf32, #tpu.memory_space<vmem>>, vector<1x16xf32>,
      %get3A_443 = vector.shape_cast %get3A_442 : vector<1x16xf32> to vector<16xf32>
      %max3A_444 = arith.maximumf %max3A_404, %get3A_443 : vector<16xf32>
      scf.yield %max3A_414, %max3A_424, %max3A_434, %max3A_444 : vector<16xf32>, vector<16xf32>, vector<16xf32>, vector<16xf32>
    }
    %scan3A_160 = arith.constant 128 : i32
    %add3A_161 = arith.constant 256 : i32
    %add3A_162 = arith.addi %add3A_161, %add3A : i32
    %lt3A_163 = arith.constant 392 : i32
    %lt3A_164 = arith.cmpi slt, %add3A_162, %lt3A_163 : i32
    %select_n3A_165 = arith.select %lt3A_164, %add3A_162, %add3A : i32
    %mul3A_166 = arith.constant 2 : i32
    %mul3A_167 = arith.muli %select_n3A_165, %mul3A_166 : i32
    %dma_start3A_168 = arith.constant 0 : i32
    %dma_start3A_169 = tpu.memref_slice %arg2[%mul3A_167, %dma_start3A_168] : memref<784x16384xf32, #tpu.memory_space<hbm>> -> memref<2x16384xf32, #tpu.memory_space<hbm>>
    %dma_start3A_170 = arith.constant 0 : i32
    %dma_start3A_171 = tpu.memref_slice %arg2[%mul3A_167, %dma_start3A_170] : memref<784x16384xf32, #tpu.memory_space<hbm>> -> memref<2x16384xf32, #tpu.memory_space<hbm>>
    tpu.enqueue_dma source(%dma_start3A_171 : memref<2x16384xf32, #tpu.memory_space<hbm>>) target(%arg4 : memref<2x16384xf32, #tpu.memory_space<vmem>>) target_semaphore(%arg7 : memref<!tpu.dma_semaphore, #tpu.memory_space<semaphore_mem>>)
    %dma_wait3A_172 = arith.constant 0 : i32
    %dma_wait3A_173 = tpu.memref_slice %arg2[%mul3A_146, %dma_wait3A_172] : memref<784x16384xf32, #tpu.memory_space<hbm>> -> memref<2x16384xf32, #tpu.memory_space<hbm>>
    %dma_wait3A_174 = arith.constant 0 : i32
    %dma_wait3A_175 = tpu.memref_slice %arg2[%mul3A_146, %dma_wait3A_174] : memref<784x16384xf32, #tpu.memory_space<hbm>> -> memref<2x16384xf32, #tpu.memory_space<hbm>>
    tpu.wait_dma2 semaphore(%arg8 : memref<!tpu.dma_semaphore, #tpu.memory_space<semaphore_mem>>) src(%dma_wait3A_175 : memref<2x16384xf32, #tpu.memory_space<hbm>>) dst(%arg5 : memref<2x16384xf32, #tpu.memory_space<vmem>>)
    %scan3A_176 = arith.constant 0 : i32
    %scan3A_177 = arith.constant 128 : i32
    %scan3A_178 = arith.addi %scan3A_176, %scan3A_177 : i32
    %scan3A_179 = arith.constant 1 : i32
    %scan3A_180:4 = scf.for %scan3A_281 = %scan3A_176 to %scan3A_178 step %scan3A_179 iter_args(%scan3A_282 = %scan3A_159#0, %scan3A_283 = %scan3A_159#1, %scan3A_284 = %scan3A_159#2, %scan3A_285 = %scan3A_159#3) -> (vector<16xf32>, vector<16xf32>, vector<16xf32>, vector<16xf32>)  : i32 {
      %mul3A_286 = arith.constant 128 : i32
      %mul3A_287 = arith.muli %scan3A_281, %mul3A_286 : i32
      %add3A_288 = arith.constant 0 : i32
      %add3A_289 = arith.addi %mul3A_287, %add3A_288 : i32
      %get3A = arith.constant 0 : i32
      %get3A_290 = arith.index_cast %get3A : i32 to index
      %get3A_291 = arith.index_cast %add3A_289 : i32 to index
      %get3A_292 = tpu.vector_load %arg5[%get3A_290, %get3A_291] {strides = array<i32>} : memref<2x16384xf32, #tpu.memory_space<vmem>>, vector<1x16xf32>,
      %get3A_293 = vector.shape_cast %get3A_292 : vector<1x16xf32> to vector<16xf32>
      %max3A_294 = arith.maximumf %scan3A_282, %get3A_293 : vector<16xf32>
      %mul3A_295 = arith.constant 128 : i32
      %mul3A_296 = arith.muli %scan3A_281, %mul3A_295 : i32
      %add3A_297 = arith.constant 16 : i32
      %add3A_298 = arith.addi %mul3A_296, %add3A_297 : i32
      %get3A_299 = arith.constant 0 : i32
      %get3A_300 = arith.index_cast %get3A_299 : i32 to index
      %get3A_301 = arith.index_cast %add3A_298 : i32 to index
      %get3A_302 = tpu.vector_load %arg5[%get3A_300, %get3A_301] {strides = array<i32>} : memref<2x16384xf32, #tpu.memory_space<vmem>>, vector<1x16xf32>,
      %get3A_303 = vector.shape_cast %get3A_302 : vector<1x16xf32> to vector<16xf32>
      %max3A_304 = arith.maximumf %scan3A_283, %get3A_303 : vector<16xf32>
      %mul3A_305 = arith.constant 128 : i32
      %mul3A_306 = arith.muli %scan3A_281, %mul3A_305 : i32
      %add3A_307 = arith.constant 32 : i32
      %add3A_308 = arith.addi %mul3A_306, %add3A_307 : i32
      %get3A_309 = arith.constant 0 : i32
      %get3A_310 = arith.index_cast %get3A_309 : i32 to index
      %get3A_311 = arith.index_cast %add3A_308 : i32 to index
      %get3A_312 = tpu.vector_load %arg5[%get3A_310, %get3A_311] {strides = array<i32>} : memref<2x16384xf32, #tpu.memory_space<vmem>>, vector<1x16xf32>,
      %get3A_313 = vector.shape_cast %get3A_312 : vector<1x16xf32> to vector<16xf32>
      %max3A_314 = arith.maximumf %scan3A_284, %get3A_313 : vector<16xf32>
      %mul3A_315 = arith.constant 128 : i32
      %mul3A_316 = arith.muli %scan3A_281, %mul3A_315 : i32
      %add3A_317 = arith.constant 48 : i32
      %add3A_318 = arith.addi %mul3A_316, %add3A_317 : i32
      %get3A_319 = arith.constant 0 : i32
      %get3A_320 = arith.index_cast %get3A_319 : i32 to index
      %get3A_321 = arith.index_cast %add3A_318 : i32 to index
      %get3A_322 = tpu.vector_load %arg5[%get3A_320, %get3A_321] {strides = array<i32>} : memref<2x16384xf32, #tpu.memory_space<vmem>>, vector<1x16xf32>,
      %get3A_323 = vector.shape_cast %get3A_322 : vector<1x16xf32> to vector<16xf32>
      %max3A_324 = arith.maximumf %scan3A_285, %get3A_323 : vector<16xf32>
      %mul3A_325 = arith.constant 128 : i32
      %mul3A_326 = arith.muli %scan3A_281, %mul3A_325 : i32
      %add3A_327 = arith.constant 64 : i32
      %add3A_328 = arith.addi %mul3A_326, %add3A_327 : i32
      %get3A_329 = arith.constant 0 : i32
      %get3A_330 = arith.index_cast %get3A_329 : i32 to index
      %get3A_331 = arith.index_cast %add3A_328 : i32 to index
      %get3A_332 = tpu.vector_load %arg5[%get3A_330, %get3A_331] {strides = array<i32>} : memref<2x16384xf32, #tpu.memory_space<vmem>>, vector<1x16xf32>,
      %get3A_333 = vector.shape_cast %get3A_332 : vector<1x16xf32> to vector<16xf32>
      %max3A_334 = arith.maximumf %max3A_294, %get3A_333 : vector<16xf32>
      %mul3A_335 = arith.constant 128 : i32
      %mul3A_336 = arith.muli %scan3A_281, %mul3A_335 : i32
      %add3A_337 = arith.constant 80 : i32
      %add3A_338 = arith.addi %mul3A_336, %add3A_337 : i32
      %get3A_339 = arith.constant 0 : i32
      %get3A_340 = arith.index_cast %get3A_339 : i32 to index
      %get3A_341 = arith.index_cast %add3A_338 : i32 to index
      %get3A_342 = tpu.vector_load %arg5[%get3A_340, %get3A_341] {strides = array<i32>} : memref<2x16384xf32, #tpu.memory_space<vmem>>, vector<1x16xf32>,
      %get3A_343 = vector.shape_cast %get3A_342 : vector<1x16xf32> to vector<16xf32>
      %max3A_344 = arith.maximumf %max3A_304, %get3A_343 : vector<16xf32>
      %mul3A_345 = arith.constant 128 : i32
      %mul3A_346 = arith.muli %scan3A_281, %mul3A_345 : i32
      %add3A_347 = arith.constant 96 : i32
      %add3A_348 = arith.addi %mul3A_346, %add3A_347 : i32
      %get3A_349 = arith.constant 0 : i32
      %get3A_350 = arith.index_cast %get3A_349 : i32 to index
      %get3A_351 = arith.index_cast %add3A_348 : i32 to index
      %get3A_352 = tpu.vector_load %arg5[%get3A_350, %get3A_351] {strides = array<i32>} : memref<2x16384xf32, #tpu.memory_space<vmem>>, vector<1x16xf32>,
      %get3A_353 = vector.shape_cast %get3A_352 : vector<1x16xf32> to vector<16xf32>
      %max3A_354 = arith.maximumf %max3A_314, %get3A_353 : vector<16xf32>
      %mul3A_355 = arith.constant 128 : i32
      %mul3A_356 = arith.muli %scan3A_281, %mul3A_355 : i32
      %add3A_357 = arith.constant 112 : i32
      %add3A_358 = arith.addi %mul3A_356, %add3A_357 : i32
      %get3A_359 = arith.constant 0 : i32
      %get3A_360 = arith.index_cast %get3A_359 : i32 to index
      %get3A_361 = arith.index_cast %add3A_358 : i32 to index
      %get3A_362 = tpu.vector_load %arg5[%get3A_360, %get3A_361] {strides = array<i32>} : memref<2x16384xf32, #tpu.memory_space<vmem>>, vector<1x16xf32>,
      %get3A_363 = vector.shape_cast %get3A_362 : vector<1x16xf32> to vector<16xf32>
      %max3A_364 = arith.maximumf %max3A_324, %get3A_363 : vector<16xf32>
      %mul3A_365 = arith.constant 128 : i32
      %mul3A_366 = arith.muli %scan3A_281, %mul3A_365 : i32
      %add3A_367 = arith.constant 0 : i32
      %add3A_368 = arith.addi %mul3A_366, %add3A_367 : i32
      %get3A_369 = arith.constant 1 : i32
      %get3A_370 = arith.index_cast %get3A_369 : i32 to index
      %get3A_371 = arith.index_cast %add3A_368 : i32 to index
      %get3A_372 = tpu.vector_load %arg5[%get3A_370, %get3A_371] {strides = array<i32>} : memref<2x16384xf32, #tpu.memory_space<vmem>>, vector<1x16xf32>,
      %get3A_373 = vector.shape_cast %get3A_372 : vector<1x16xf32> to vector<16xf32>
      %max3A_374 = arith.maximumf %max3A_334, %get3A_373 : vector<16xf32>
      %mul3A_375 = arith.constant 128 : i32
      %mul3A_376 = arith.muli %scan3A_281, %mul3A_375 : i32
      %add3A_377 = arith.constant 16 : i32
      %add3A_378 = arith.addi %mul3A_376, %add3A_377 : i32
      %get3A_379 = arith.constant 1 : i32
      %get3A_380 = arith.index_cast %get3A_379 : i32 to index
      %get3A_381 = arith.index_cast %add3A_378 : i32 to index
      %get3A_382 = tpu.vector_load %arg5[%get3A_380, %get3A_381] {strides = array<i32>} : memref<2x16384xf32, #tpu.memory_space<vmem>>, vector<1x16xf32>,
      %get3A_383 = vector.shape_cast %get3A_382 : vector<1x16xf32> to vector<16xf32>
      %max3A_384 = arith.maximumf %max3A_344, %get3A_383 : vector<16xf32>
      %mul3A_385 = arith.constant 128 : i32
      %mul3A_386 = arith.muli %scan3A_281, %mul3A_385 : i32
      %add3A_387 = arith.constant 32 : i32
      %add3A_388 = arith.addi %mul3A_386, %add3A_387 : i32
      %get3A_389 = arith.constant 1 : i32
      %get3A_390 = arith.index_cast %get3A_389 : i32 to index
      %get3A_391 = arith.index_cast %add3A_388 : i32 to index
      %get3A_392 = tpu.vector_load %arg5[%get3A_390, %get3A_391] {strides = array<i32>} : memref<2x16384xf32, #tpu.memory_space<vmem>>, vector<1x16xf32>,
      %get3A_393 = vector.shape_cast %get3A_392 : vector<1x16xf32> to vector<16xf32>
      %max3A_394 = arith.maximumf %max3A_354, %get3A_393 : vector<16xf32>
      %mul3A_395 = arith.constant 128 : i32
      %mul3A_396 = arith.muli %scan3A_281, %mul3A_395 : i32
      %add3A_397 = arith.constant 48 : i32
      %add3A_398 = arith.addi %mul3A_396, %add3A_397 : i32
      %get3A_399 = arith.constant 1 : i32
      %get3A_400 = arith.index_cast %get3A_399 : i32 to index
      %get3A_401 = arith.index_cast %add3A_398 : i32 to index
      %get3A_402 = tpu.vector_load %arg5[%get3A_400, %get3A_401] {strides = array<i32>} : memref<2x16384xf32, #tpu.memory_space<vmem>>, vector<1x16xf32>,
      %get3A_403 = vector.shape_cast %get3A_402 : vector<1x16xf32> to vector<16xf32>
      %max3A_404 = arith.maximumf %max3A_364, %get3A_403 : vector<16xf32>
      %mul3A_405 = arith.constant 128 : i32
      %mul3A_406 = arith.muli %scan3A_281, %mul3A_405 : i32
      %add3A_407 = arith.constant 64 : i32
      %add3A_408 = arith.addi %mul3A_406, %add3A_407 : i32
      %get3A_409 = arith.constant 1 : i32
      %get3A_410 = arith.index_cast %get3A_409 : i32 to index
      %get3A_411 = arith.index_cast %add3A_408 : i32 to index
      %get3A_412 = tpu.vector_load %arg5[%get3A_410, %get3A_411] {strides = array<i32>} : memref<2x16384xf32, #tpu.memory_space<vmem>>, vector<1x16xf32>,
      %get3A_413 = vector.shape_cast %get3A_412 : vector<1x16xf32> to vector<16xf32>
      %max3A_414 = arith.maximumf %max3A_374, %get3A_413 : vector<16xf32>
      %mul3A_415 = arith.constant 128 : i32
      %mul3A_416 = arith.muli %scan3A_281, %mul3A_415 : i32
      %add3A_417 = arith.constant 80 : i32
      %add3A_418 = arith.addi %mul3A_416, %add3A_417 : i32
      %get3A_419 = arith.constant 1 : i32
      %get3A_420 = arith.index_cast %get3A_419 : i32 to index
      %get3A_421 = arith.index_cast %add3A_418 : i32 to index
      %get3A_422 = tpu.vector_load %arg5[%get3A_420, %get3A_421] {strides = array<i32>} : memref<2x16384xf32, #tpu.memory_space<vmem>>, vector<1x16xf32>,
      %get3A_423 = vector.shape_cast %get3A_422 : vector<1x16xf32> to vector<16xf32>
      %max3A_424 = arith.maximumf %max3A_384, %get3A_423 : vector<16xf32>
      %mul3A_425 = arith.constant 128 : i32
      %mul3A_426 = arith.muli %scan3A_281, %mul3A_425 : i32
      %add3A_427 = arith.constant 96 : i32
      %add3A_428 = arith.addi %mul3A_426, %add3A_427 : i32
      %get3A_429 = arith.constant 1 : i32
      %get3A_430 = arith.index_cast %get3A_429 : i32 to index
      %get3A_431 = arith.index_cast %add3A_428 : i32 to index
      %get3A_432 = tpu.vector_load %arg5[%get3A_430, %get3A_431] {strides = array<i32>} : memref<2x16384xf32, #tpu.memory_space<vmem>>, vector<1x16xf32>,
      %get3A_433 = vector.shape_cast %get3A_432 : vector<1x16xf32> to vector<16xf32>
      %max3A_434 = arith.maximumf %max3A_394, %get3A_433 : vector<16xf32>
      %mul3A_435 = arith.constant 128 : i32
      %mul3A_436 = arith.muli %scan3A_281, %mul3A_435 : i32
      %add3A_437 = arith.constant 112 : i32
      %add3A_438 = arith.addi %mul3A_436, %add3A_437 : i32
      %get3A_439 = arith.constant 1 : i32
      %get3A_440 = arith.index_cast %get3A_439 : i32 to index
      %get3A_441 = arith.index_cast %add3A_438 : i32 to index
      %get3A_442 = tpu.vector_load %arg5[%get3A_440, %get3A_441] {strides = array<i32>} : memref<2x16384xf32, #tpu.memory_space<vmem>>, vector<1x16xf32>,
      %get3A_443 = vector.shape_cast %get3A_442 : vector<1x16xf32> to vector<16xf32>
      %max3A_444 = arith.maximumf %max3A_404, %get3A_443 : vector<16xf32>
      scf.yield %max3A_414, %max3A_424, %max3A_434, %max3A_444 : vector<16xf32>, vector<16xf32>, vector<16xf32>, vector<16xf32>
    }
    %scan3A_181 = arith.constant 128 : i32
    %add3A_182 = arith.constant 288 : i32
    %add3A_183 = arith.addi %add3A_182, %add3A : i32
    %lt3A_184 = arith.constant 392 : i32
    %lt3A_185 = arith.cmpi slt, %add3A_183, %lt3A_184 : i32
    %select_n3A_186 = arith.select %lt3A_185, %add3A_183, %add3A : i32
    %mul3A_187 = arith.constant 2 : i32
    %mul3A_188 = arith.muli %select_n3A_186, %mul3A_187 : i32
    %dma_start3A_189 = arith.constant 0 : i32
    %dma_start3A_190 = tpu.memref_slice %arg2[%mul3A_188, %dma_start3A_189] : memref<784x16384xf32, #tpu.memory_space<hbm>> -> memref<2x16384xf32, #tpu.memory_space<hbm>>
    %dma_start3A_191 = arith.constant 0 : i32
    %dma_start3A_192 = tpu.memref_slice %arg2[%mul3A_188, %dma_start3A_191] : memref<784x16384xf32, #tpu.memory_space<hbm>> -> memref<2x16384xf32, #tpu.memory_space<hbm>>
    tpu.enqueue_dma source(%dma_start3A_192 : memref<2x16384xf32, #tpu.memory_space<hbm>>) target(%arg5 : memref<2x16384xf32, #tpu.memory_space<vmem>>) target_semaphore(%arg8 : memref<!tpu.dma_semaphore, #tpu.memory_space<semaphore_mem>>)
    %dma_wait3A_193 = arith.constant 0 : i32
    %dma_wait3A_194 = tpu.memref_slice %arg2[%mul3A_167, %dma_wait3A_193] : memref<784x16384xf32, #tpu.memory_space<hbm>> -> memref<2x16384xf32, #tpu.memory_space<hbm>>
    %dma_wait3A_195 = arith.constant 0 : i32
    %dma_wait3A_196 = tpu.memref_slice %arg2[%mul3A_167, %dma_wait3A_195] : memref<784x16384xf32, #tpu.memory_space<hbm>> -> memref<2x16384xf32, #tpu.memory_space<hbm>>
    tpu.wait_dma2 semaphore(%arg7 : memref<!tpu.dma_semaphore, #tpu.memory_space<semaphore_mem>>) src(%dma_wait3A_196 : memref<2x16384xf32, #tpu.memory_space<hbm>>) dst(%arg4 : memref<2x16384xf32, #tpu.memory_space<vmem>>)
    %scan3A_197 = arith.constant 0 : i32
    %scan3A_198 = arith.constant 128 : i32
    %scan3A_199 = arith.addi %scan3A_197, %scan3A_198 : i32
    %scan3A_200 = arith.constant 1 : i32
    %scan3A_201:4 = scf.for %scan3A_281 = %scan3A_197 to %scan3A_199 step %scan3A_200 iter_args(%scan3A_282 = %scan3A_180#0, %scan3A_283 = %scan3A_180#1, %scan3A_284 = %scan3A_180#2, %scan3A_285 = %scan3A_180#3) -> (vector<16xf32>, vector<16xf32>, vector<16xf32>, vector<16xf32>)  : i32 {
      %mul3A_286 = arith.constant 128 : i32
      %mul3A_287 = arith.muli %scan3A_281, %mul3A_286 : i32
      %add3A_288 = arith.constant 0 : i32
      %add3A_289 = arith.addi %mul3A_287, %add3A_288 : i32
      %get3A = arith.constant 0 : i32
      %get3A_290 = arith.index_cast %get3A : i32 to index
      %get3A_291 = arith.index_cast %add3A_289 : i32 to index
      %get3A_292 = tpu.vector_load %arg4[%get3A_290, %get3A_291] {strides = array<i32>} : memref<2x16384xf32, #tpu.memory_space<vmem>>, vector<1x16xf32>,
      %get3A_293 = vector.shape_cast %get3A_292 : vector<1x16xf32> to vector<16xf32>
      %max3A_294 = arith.maximumf %scan3A_282, %get3A_293 : vector<16xf32>
      %mul3A_295 = arith.constant 128 : i32
      %mul3A_296 = arith.muli %scan3A_281, %mul3A_295 : i32
      %add3A_297 = arith.constant 16 : i32
      %add3A_298 = arith.addi %mul3A_296, %add3A_297 : i32
      %get3A_299 = arith.constant 0 : i32
      %get3A_300 = arith.index_cast %get3A_299 : i32 to index
      %get3A_301 = arith.index_cast %add3A_298 : i32 to index
      %get3A_302 = tpu.vector_load %arg4[%get3A_300, %get3A_301] {strides = array<i32>} : memref<2x16384xf32, #tpu.memory_space<vmem>>, vector<1x16xf32>,
      %get3A_303 = vector.shape_cast %get3A_302 : vector<1x16xf32> to vector<16xf32>
      %max3A_304 = arith.maximumf %scan3A_283, %get3A_303 : vector<16xf32>
      %mul3A_305 = arith.constant 128 : i32
      %mul3A_306 = arith.muli %scan3A_281, %mul3A_305 : i32
      %add3A_307 = arith.constant 32 : i32
      %add3A_308 = arith.addi %mul3A_306, %add3A_307 : i32
      %get3A_309 = arith.constant 0 : i32
      %get3A_310 = arith.index_cast %get3A_309 : i32 to index
      %get3A_311 = arith.index_cast %add3A_308 : i32 to index
      %get3A_312 = tpu.vector_load %arg4[%get3A_310, %get3A_311] {strides = array<i32>} : memref<2x16384xf32, #tpu.memory_space<vmem>>, vector<1x16xf32>,
      %get3A_313 = vector.shape_cast %get3A_312 : vector<1x16xf32> to vector<16xf32>
      %max3A_314 = arith.maximumf %scan3A_284, %get3A_313 : vector<16xf32>
      %mul3A_315 = arith.constant 128 : i32
      %mul3A_316 = arith.muli %scan3A_281, %mul3A_315 : i32
      %add3A_317 = arith.constant 48 : i32
      %add3A_318 = arith.addi %mul3A_316, %add3A_317 : i32
      %get3A_319 = arith.constant 0 : i32
      %get3A_320 = arith.index_cast %get3A_319 : i32 to index
      %get3A_321 = arith.index_cast %add3A_318 : i32 to index
      %get3A_322 = tpu.vector_load %arg4[%get3A_320, %get3A_321] {strides = array<i32>} : memref<2x16384xf32, #tpu.memory_space<vmem>>, vector<1x16xf32>,
      %get3A_323 = vector.shape_cast %get3A_322 : vector<1x16xf32> to vector<16xf32>
      %max3A_324 = arith.maximumf %scan3A_285, %get3A_323 : vector<16xf32>
      %mul3A_325 = arith.constant 128 : i32
      %mul3A_326 = arith.muli %scan3A_281, %mul3A_325 : i32
      %add3A_327 = arith.constant 64 : i32
      %add3A_328 = arith.addi %mul3A_326, %add3A_327 : i32
      %get3A_329 = arith.constant 0 : i32
      %get3A_330 = arith.index_cast %get3A_329 : i32 to index
      %get3A_331 = arith.index_cast %add3A_328 : i32 to index
      %get3A_332 = tpu.vector_load %arg4[%get3A_330, %get3A_331] {strides = array<i32>} : memref<2x16384xf32, #tpu.memory_space<vmem>>, vector<1x16xf32>,
      %get3A_333 = vector.shape_cast %get3A_332 : vector<1x16xf32> to vector<16xf32>
      %max3A_334 = arith.maximumf %max3A_294, %get3A_333 : vector<16xf32>
      %mul3A_335 = arith.constant 128 : i32
      %mul3A_336 = arith.muli %scan3A_281, %mul3A_335 : i32
      %add3A_337 = arith.constant 80 : i32
      %add3A_338 = arith.addi %mul3A_336, %add3A_337 : i32
      %get3A_339 = arith.constant 0 : i32
      %get3A_340 = arith.index_cast %get3A_339 : i32 to index
      %get3A_341 = arith.index_cast %add3A_338 : i32 to index
      %get3A_342 = tpu.vector_load %arg4[%get3A_340, %get3A_341] {strides = array<i32>} : memref<2x16384xf32, #tpu.memory_space<vmem>>, vector<1x16xf32>,
      %get3A_343 = vector.shape_cast %get3A_342 : vector<1x16xf32> to vector<16xf32>
      %max3A_344 = arith.maximumf %max3A_304, %get3A_343 : vector<16xf32>
      %mul3A_345 = arith.constant 128 : i32
      %mul3A_346 = arith.muli %scan3A_281, %mul3A_345 : i32
      %add3A_347 = arith.constant 96 : i32
      %add3A_348 = arith.addi %mul3A_346, %add3A_347 : i32
      %get3A_349 = arith.constant 0 : i32
      %get3A_350 = arith.index_cast %get3A_349 : i32 to index
      %get3A_351 = arith.index_cast %add3A_348 : i32 to index
      %get3A_352 = tpu.vector_load %arg4[%get3A_350, %get3A_351] {strides = array<i32>} : memref<2x16384xf32, #tpu.memory_space<vmem>>, vector<1x16xf32>,
      %get3A_353 = vector.shape_cast %get3A_352 : vector<1x16xf32> to vector<16xf32>
      %max3A_354 = arith.maximumf %max3A_314, %get3A_353 : vector<16xf32>
      %mul3A_355 = arith.constant 128 : i32
      %mul3A_356 = arith.muli %scan3A_281, %mul3A_355 : i32
      %add3A_357 = arith.constant 112 : i32
      %add3A_358 = arith.addi %mul3A_356, %add3A_357 : i32
      %get3A_359 = arith.constant 0 : i32
      %get3A_360 = arith.index_cast %get3A_359 : i32 to index
      %get3A_361 = arith.index_cast %add3A_358 : i32 to index
      %get3A_362 = tpu.vector_load %arg4[%get3A_360, %get3A_361] {strides = array<i32>} : memref<2x16384xf32, #tpu.memory_space<vmem>>, vector<1x16xf32>,
      %get3A_363 = vector.shape_cast %get3A_362 : vector<1x16xf32> to vector<16xf32>
      %max3A_364 = arith.maximumf %max3A_324, %get3A_363 : vector<16xf32>
      %mul3A_365 = arith.constant 128 : i32
      %mul3A_366 = arith.muli %scan3A_281, %mul3A_365 : i32
      %add3A_367 = arith.constant 0 : i32
      %add3A_368 = arith.addi %mul3A_366, %add3A_367 : i32
      %get3A_369 = arith.constant 1 : i32
      %get3A_370 = arith.index_cast %get3A_369 : i32 to index
      %get3A_371 = arith.index_cast %add3A_368 : i32 to index
      %get3A_372 = tpu.vector_load %arg4[%get3A_370, %get3A_371] {strides = array<i32>} : memref<2x16384xf32, #tpu.memory_space<vmem>>, vector<1x16xf32>,
      %get3A_373 = vector.shape_cast %get3A_372 : vector<1x16xf32> to vector<16xf32>
      %max3A_374 = arith.maximumf %max3A_334, %get3A_373 : vector<16xf32>
      %mul3A_375 = arith.constant 128 : i32
      %mul3A_376 = arith.muli %scan3A_281, %mul3A_375 : i32
      %add3A_377 = arith.constant 16 : i32
      %add3A_378 = arith.addi %mul3A_376, %add3A_377 : i32
      %get3A_379 = arith.constant 1 : i32
      %get3A_380 = arith.index_cast %get3A_379 : i32 to index
      %get3A_381 = arith.index_cast %add3A_378 : i32 to index
      %get3A_382 = tpu.vector_load %arg4[%get3A_380, %get3A_381] {strides = array<i32>} : memref<2x16384xf32, #tpu.memory_space<vmem>>, vector<1x16xf32>,
      %get3A_383 = vector.shape_cast %get3A_382 : vector<1x16xf32> to vector<16xf32>
      %max3A_384 = arith.maximumf %max3A_344, %get3A_383 : vector<16xf32>
      %mul3A_385 = arith.constant 128 : i32
      %mul3A_386 = arith.muli %scan3A_281, %mul3A_385 : i32
      %add3A_387 = arith.constant 32 : i32
      %add3A_388 = arith.addi %mul3A_386, %add3A_387 : i32
      %get3A_389 = arith.constant 1 : i32
      %get3A_390 = arith.index_cast %get3A_389 : i32 to index
      %get3A_391 = arith.index_cast %add3A_388 : i32 to index
      %get3A_392 = tpu.vector_load %arg4[%get3A_390, %get3A_391] {strides = array<i32>} : memref<2x16384xf32, #tpu.memory_space<vmem>>, vector<1x16xf32>,
      %get3A_393 = vector.shape_cast %get3A_392 : vector<1x16xf32> to vector<16xf32>
      %max3A_394 = arith.maximumf %max3A_354, %get3A_393 : vector<16xf32>
      %mul3A_395 = arith.constant 128 : i32
      %mul3A_396 = arith.muli %scan3A_281, %mul3A_395 : i32
      %add3A_397 = arith.constant 48 : i32
      %add3A_398 = arith.addi %mul3A_396, %add3A_397 : i32
      %get3A_399 = arith.constant 1 : i32
      %get3A_400 = arith.index_cast %get3A_399 : i32 to index
      %get3A_401 = arith.index_cast %add3A_398 : i32 to index
      %get3A_402 = tpu.vector_load %arg4[%get3A_400, %get3A_401] {strides = array<i32>} : memref<2x16384xf32, #tpu.memory_space<vmem>>, vector<1x16xf32>,
      %get3A_403 = vector.shape_cast %get3A_402 : vector<1x16xf32> to vector<16xf32>
      %max3A_404 = arith.maximumf %max3A_364, %get3A_403 : vector<16xf32>
      %mul3A_405 = arith.constant 128 : i32
      %mul3A_406 = arith.muli %scan3A_281, %mul3A_405 : i32
      %add3A_407 = arith.constant 64 : i32
      %add3A_408 = arith.addi %mul3A_406, %add3A_407 : i32
      %get3A_409 = arith.constant 1 : i32
      %get3A_410 = arith.index_cast %get3A_409 : i32 to index
      %get3A_411 = arith.index_cast %add3A_408 : i32 to index
      %get3A_412 = tpu.vector_load %arg4[%get3A_410, %get3A_411] {strides = array<i32>} : memref<2x16384xf32, #tpu.memory_space<vmem>>, vector<1x16xf32>,
      %get3A_413 = vector.shape_cast %get3A_412 : vector<1x16xf32> to vector<16xf32>
      %max3A_414 = arith.maximumf %max3A_374, %get3A_413 : vector<16xf32>
      %mul3A_415 = arith.constant 128 : i32
      %mul3A_416 = arith.muli %scan3A_281, %mul3A_415 : i32
      %add3A_417 = arith.constant 80 : i32
      %add3A_418 = arith.addi %mul3A_416, %add3A_417 : i32
      %get3A_419 = arith.constant 1 : i32
      %get3A_420 = arith.index_cast %get3A_419 : i32 to index
      %get3A_421 = arith.index_cast %add3A_418 : i32 to index
      %get3A_422 = tpu.vector_load %arg4[%get3A_420, %get3A_421] {strides = array<i32>} : memref<2x16384xf32, #tpu.memory_space<vmem>>, vector<1x16xf32>,
      %get3A_423 = vector.shape_cast %get3A_422 : vector<1x16xf32> to vector<16xf32>
      %max3A_424 = arith.maximumf %max3A_384, %get3A_423 : vector<16xf32>
      %mul3A_425 = arith.constant 128 : i32
      %mul3A_426 = arith.muli %scan3A_281, %mul3A_425 : i32
      %add3A_427 = arith.constant 96 : i32
      %add3A_428 = arith.addi %mul3A_426, %add3A_427 : i32
      %get3A_429 = arith.constant 1 : i32
      %get3A_430 = arith.index_cast %get3A_429 : i32 to index
      %get3A_431 = arith.index_cast %add3A_428 : i32 to index
      %get3A_432 = tpu.vector_load %arg4[%get3A_430, %get3A_431] {strides = array<i32>} : memref<2x16384xf32, #tpu.memory_space<vmem>>, vector<1x16xf32>,
      %get3A_433 = vector.shape_cast %get3A_432 : vector<1x16xf32> to vector<16xf32>
      %max3A_434 = arith.maximumf %max3A_394, %get3A_433 : vector<16xf32>
      %mul3A_435 = arith.constant 128 : i32
      %mul3A_436 = arith.muli %scan3A_281, %mul3A_435 : i32
      %add3A_437 = arith.constant 112 : i32
      %add3A_438 = arith.addi %mul3A_436, %add3A_437 : i32
      %get3A_439 = arith.constant 1 : i32
      %get3A_440 = arith.index_cast %get3A_439 : i32 to index
      %get3A_441 = arith.index_cast %add3A_438 : i32 to index
      %get3A_442 = tpu.vector_load %arg4[%get3A_440, %get3A_441] {strides = array<i32>} : memref<2x16384xf32, #tpu.memory_space<vmem>>, vector<1x16xf32>,
      %get3A_443 = vector.shape_cast %get3A_442 : vector<1x16xf32> to vector<16xf32>
      %max3A_444 = arith.maximumf %max3A_404, %get3A_443 : vector<16xf32>
      scf.yield %max3A_414, %max3A_424, %max3A_434, %max3A_444 : vector<16xf32>, vector<16xf32>, vector<16xf32>, vector<16xf32>
    }
    %scan3A_202 = arith.constant 128 : i32
    %add3A_203 = arith.constant 320 : i32
    %add3A_204 = arith.addi %add3A_203, %add3A : i32
    %lt3A_205 = arith.constant 392 : i32
    %lt3A_206 = arith.cmpi slt, %add3A_204, %lt3A_205 : i32
    %select_n3A_207 = arith.select %lt3A_206, %add3A_204, %add3A : i32
    %mul3A_208 = arith.constant 2 : i32
    %mul3A_209 = arith.muli %select_n3A_207, %mul3A_208 : i32
    %dma_start3A_210 = arith.constant 0 : i32
    %dma_start3A_211 = tpu.memref_slice %arg2[%mul3A_209, %dma_start3A_210] : memref<784x16384xf32, #tpu.memory_space<hbm>> -> memref<2x16384xf32, #tpu.memory_space<hbm>>
    %dma_start3A_212 = arith.constant 0 : i32
    %dma_start3A_213 = tpu.memref_slice %arg2[%mul3A_209, %dma_start3A_212] : memref<784x16384xf32, #tpu.memory_space<hbm>> -> memref<2x16384xf32, #tpu.memory_space<hbm>>
    tpu.enqueue_dma source(%dma_start3A_213 : memref<2x16384xf32, #tpu.memory_space<hbm>>) target(%arg4 : memref<2x16384xf32, #tpu.memory_space<vmem>>) target_semaphore(%arg7 : memref<!tpu.dma_semaphore, #tpu.memory_space<semaphore_mem>>)
    %dma_wait3A_214 = arith.constant 0 : i32
    %dma_wait3A_215 = tpu.memref_slice %arg2[%mul3A_188, %dma_wait3A_214] : memref<784x16384xf32, #tpu.memory_space<hbm>> -> memref<2x16384xf32, #tpu.memory_space<hbm>>
    %dma_wait3A_216 = arith.constant 0 : i32
    %dma_wait3A_217 = tpu.memref_slice %arg2[%mul3A_188, %dma_wait3A_216] : memref<784x16384xf32, #tpu.memory_space<hbm>> -> memref<2x16384xf32, #tpu.memory_space<hbm>>
    tpu.wait_dma2 semaphore(%arg8 : memref<!tpu.dma_semaphore, #tpu.memory_space<semaphore_mem>>) src(%dma_wait3A_217 : memref<2x16384xf32, #tpu.memory_space<hbm>>) dst(%arg5 : memref<2x16384xf32, #tpu.memory_space<vmem>>)
    %scan3A_218 = arith.constant 0 : i32
    %scan3A_219 = arith.constant 128 : i32
    %scan3A_220 = arith.addi %scan3A_218, %scan3A_219 : i32
    %scan3A_221 = arith.constant 1 : i32
    %scan3A_222:4 = scf.for %scan3A_281 = %scan3A_218 to %scan3A_220 step %scan3A_221 iter_args(%scan3A_282 = %scan3A_201#0, %scan3A_283 = %scan3A_201#1, %scan3A_284 = %scan3A_201#2, %scan3A_285 = %scan3A_201#3) -> (vector<16xf32>, vector<16xf32>, vector<16xf32>, vector<16xf32>)  : i32 {
      %mul3A_286 = arith.constant 128 : i32
      %mul3A_287 = arith.muli %scan3A_281, %mul3A_286 : i32
      %add3A_288 = arith.constant 0 : i32
      %add3A_289 = arith.addi %mul3A_287, %add3A_288 : i32
      %get3A = arith.constant 0 : i32
      %get3A_290 = arith.index_cast %get3A : i32 to index
      %get3A_291 = arith.index_cast %add3A_289 : i32 to index
      %get3A_292 = tpu.vector_load %arg5[%get3A_290, %get3A_291] {strides = array<i32>} : memref<2x16384xf32, #tpu.memory_space<vmem>>, vector<1x16xf32>,
      %get3A_293 = vector.shape_cast %get3A_292 : vector<1x16xf32> to vector<16xf32>
      %max3A_294 = arith.maximumf %scan3A_282, %get3A_293 : vector<16xf32>
      %mul3A_295 = arith.constant 128 : i32
      %mul3A_296 = arith.muli %scan3A_281, %mul3A_295 : i32
      %add3A_297 = arith.constant 16 : i32
      %add3A_298 = arith.addi %mul3A_296, %add3A_297 : i32
      %get3A_299 = arith.constant 0 : i32
      %get3A_300 = arith.index_cast %get3A_299 : i32 to index
      %get3A_301 = arith.index_cast %add3A_298 : i32 to index
      %get3A_302 = tpu.vector_load %arg5[%get3A_300, %get3A_301] {strides = array<i32>} : memref<2x16384xf32, #tpu.memory_space<vmem>>, vector<1x16xf32>,
      %get3A_303 = vector.shape_cast %get3A_302 : vector<1x16xf32> to vector<16xf32>
      %max3A_304 = arith.maximumf %scan3A_283, %get3A_303 : vector<16xf32>
      %mul3A_305 = arith.constant 128 : i32
      %mul3A_306 = arith.muli %scan3A_281, %mul3A_305 : i32
      %add3A_307 = arith.constant 32 : i32
      %add3A_308 = arith.addi %mul3A_306, %add3A_307 : i32
      %get3A_309 = arith.constant 0 : i32
      %get3A_310 = arith.index_cast %get3A_309 : i32 to index
      %get3A_311 = arith.index_cast %add3A_308 : i32 to index
      %get3A_312 = tpu.vector_load %arg5[%get3A_310, %get3A_311] {strides = array<i32>} : memref<2x16384xf32, #tpu.memory_space<vmem>>, vector<1x16xf32>,
      %get3A_313 = vector.shape_cast %get3A_312 : vector<1x16xf32> to vector<16xf32>
      %max3A_314 = arith.maximumf %scan3A_284, %get3A_313 : vector<16xf32>
      %mul3A_315 = arith.constant 128 : i32
      %mul3A_316 = arith.muli %scan3A_281, %mul3A_315 : i32
      %add3A_317 = arith.constant 48 : i32
      %add3A_318 = arith.addi %mul3A_316, %add3A_317 : i32
      %get3A_319 = arith.constant 0 : i32
      %get3A_320 = arith.index_cast %get3A_319 : i32 to index
      %get3A_321 = arith.index_cast %add3A_318 : i32 to index
      %get3A_322 = tpu.vector_load %arg5[%get3A_320, %get3A_321] {strides = array<i32>} : memref<2x16384xf32, #tpu.memory_space<vmem>>, vector<1x16xf32>,
      %get3A_323 = vector.shape_cast %get3A_322 : vector<1x16xf32> to vector<16xf32>
      %max3A_324 = arith.maximumf %scan3A_285, %get3A_323 : vector<16xf32>
      %mul3A_325 = arith.constant 128 : i32
      %mul3A_326 = arith.muli %scan3A_281, %mul3A_325 : i32
      %add3A_327 = arith.constant 64 : i32
      %add3A_328 = arith.addi %mul3A_326, %add3A_327 : i32
      %get3A_329 = arith.constant 0 : i32
      %get3A_330 = arith.index_cast %get3A_329 : i32 to index
      %get3A_331 = arith.index_cast %add3A_328 : i32 to index
      %get3A_332 = tpu.vector_load %arg5[%get3A_330, %get3A_331] {strides = array<i32>} : memref<2x16384xf32, #tpu.memory_space<vmem>>, vector<1x16xf32>,
      %get3A_333 = vector.shape_cast %get3A_332 : vector<1x16xf32> to vector<16xf32>
      %max3A_334 = arith.maximumf %max3A_294, %get3A_333 : vector<16xf32>
      %mul3A_335 = arith.constant 128 : i32
      %mul3A_336 = arith.muli %scan3A_281, %mul3A_335 : i32
      %add3A_337 = arith.constant 80 : i32
      %add3A_338 = arith.addi %mul3A_336, %add3A_337 : i32
      %get3A_339 = arith.constant 0 : i32
      %get3A_340 = arith.index_cast %get3A_339 : i32 to index
      %get3A_341 = arith.index_cast %add3A_338 : i32 to index
      %get3A_342 = tpu.vector_load %arg5[%get3A_340, %get3A_341] {strides = array<i32>} : memref<2x16384xf32, #tpu.memory_space<vmem>>, vector<1x16xf32>,
      %get3A_343 = vector.shape_cast %get3A_342 : vector<1x16xf32> to vector<16xf32>
      %max3A_344 = arith.maximumf %max3A_304, %get3A_343 : vector<16xf32>
      %mul3A_345 = arith.constant 128 : i32
      %mul3A_346 = arith.muli %scan3A_281, %mul3A_345 : i32
      %add3A_347 = arith.constant 96 : i32
      %add3A_348 = arith.addi %mul3A_346, %add3A_347 : i32
      %get3A_349 = arith.constant 0 : i32
      %get3A_350 = arith.index_cast %get3A_349 : i32 to index
      %get3A_351 = arith.index_cast %add3A_348 : i32 to index
      %get3A_352 = tpu.vector_load %arg5[%get3A_350, %get3A_351] {strides = array<i32>} : memref<2x16384xf32, #tpu.memory_space<vmem>>, vector<1x16xf32>,
      %get3A_353 = vector.shape_cast %get3A_352 : vector<1x16xf32> to vector<16xf32>
      %max3A_354 = arith.maximumf %max3A_314, %get3A_353 : vector<16xf32>
      %mul3A_355 = arith.constant 128 : i32
      %mul3A_356 = arith.muli %scan3A_281, %mul3A_355 : i32
      %add3A_357 = arith.constant 112 : i32
      %add3A_358 = arith.addi %mul3A_356, %add3A_357 : i32
      %get3A_359 = arith.constant 0 : i32
      %get3A_360 = arith.index_cast %get3A_359 : i32 to index
      %get3A_361 = arith.index_cast %add3A_358 : i32 to index
      %get3A_362 = tpu.vector_load %arg5[%get3A_360, %get3A_361] {strides = array<i32>} : memref<2x16384xf32, #tpu.memory_space<vmem>>, vector<1x16xf32>,
      %get3A_363 = vector.shape_cast %get3A_362 : vector<1x16xf32> to vector<16xf32>
      %max3A_364 = arith.maximumf %max3A_324, %get3A_363 : vector<16xf32>
      %mul3A_365 = arith.constant 128 : i32
      %mul3A_366 = arith.muli %scan3A_281, %mul3A_365 : i32
      %add3A_367 = arith.constant 0 : i32
      %add3A_368 = arith.addi %mul3A_366, %add3A_367 : i32
      %get3A_369 = arith.constant 1 : i32
      %get3A_370 = arith.index_cast %get3A_369 : i32 to index
      %get3A_371 = arith.index_cast %add3A_368 : i32 to index
      %get3A_372 = tpu.vector_load %arg5[%get3A_370, %get3A_371] {strides = array<i32>} : memref<2x16384xf32, #tpu.memory_space<vmem>>, vector<1x16xf32>,
      %get3A_373 = vector.shape_cast %get3A_372 : vector<1x16xf32> to vector<16xf32>
      %max3A_374 = arith.maximumf %max3A_334, %get3A_373 : vector<16xf32>
      %mul3A_375 = arith.constant 128 : i32
      %mul3A_376 = arith.muli %scan3A_281, %mul3A_375 : i32
      %add3A_377 = arith.constant 16 : i32
      %add3A_378 = arith.addi %mul3A_376, %add3A_377 : i32
      %get3A_379 = arith.constant 1 : i32
      %get3A_380 = arith.index_cast %get3A_379 : i32 to index
      %get3A_381 = arith.index_cast %add3A_378 : i32 to index
      %get3A_382 = tpu.vector_load %arg5[%get3A_380, %get3A_381] {strides = array<i32>} : memref<2x16384xf32, #tpu.memory_space<vmem>>, vector<1x16xf32>,
      %get3A_383 = vector.shape_cast %get3A_382 : vector<1x16xf32> to vector<16xf32>
      %max3A_384 = arith.maximumf %max3A_344, %get3A_383 : vector<16xf32>
      %mul3A_385 = arith.constant 128 : i32
      %mul3A_386 = arith.muli %scan3A_281, %mul3A_385 : i32
      %add3A_387 = arith.constant 32 : i32
      %add3A_388 = arith.addi %mul3A_386, %add3A_387 : i32
      %get3A_389 = arith.constant 1 : i32
      %get3A_390 = arith.index_cast %get3A_389 : i32 to index
      %get3A_391 = arith.index_cast %add3A_388 : i32 to index
      %get3A_392 = tpu.vector_load %arg5[%get3A_390, %get3A_391] {strides = array<i32>} : memref<2x16384xf32, #tpu.memory_space<vmem>>, vector<1x16xf32>,
      %get3A_393 = vector.shape_cast %get3A_392 : vector<1x16xf32> to vector<16xf32>
      %max3A_394 = arith.maximumf %max3A_354, %get3A_393 : vector<16xf32>
      %mul3A_395 = arith.constant 128 : i32
      %mul3A_396 = arith.muli %scan3A_281, %mul3A_395 : i32
      %add3A_397 = arith.constant 48 : i32
      %add3A_398 = arith.addi %mul3A_396, %add3A_397 : i32
      %get3A_399 = arith.constant 1 : i32
      %get3A_400 = arith.index_cast %get3A_399 : i32 to index
      %get3A_401 = arith.index_cast %add3A_398 : i32 to index
      %get3A_402 = tpu.vector_load %arg5[%get3A_400, %get3A_401] {strides = array<i32>} : memref<2x16384xf32, #tpu.memory_space<vmem>>, vector<1x16xf32>,
      %get3A_403 = vector.shape_cast %get3A_402 : vector<1x16xf32> to vector<16xf32>
      %max3A_404 = arith.maximumf %max3A_364, %get3A_403 : vector<16xf32>
      %mul3A_405 = arith.constant 128 : i32
      %mul3A_406 = arith.muli %scan3A_281, %mul3A_405 : i32
      %add3A_407 = arith.constant 64 : i32
      %add3A_408 = arith.addi %mul3A_406, %add3A_407 : i32
      %get3A_409 = arith.constant 1 : i32
      %get3A_410 = arith.index_cast %get3A_409 : i32 to index
      %get3A_411 = arith.index_cast %add3A_408 : i32 to index
      %get3A_412 = tpu.vector_load %arg5[%get3A_410, %get3A_411] {strides = array<i32>} : memref<2x16384xf32, #tpu.memory_space<vmem>>, vector<1x16xf32>,
      %get3A_413 = vector.shape_cast %get3A_412 : vector<1x16xf32> to vector<16xf32>
      %max3A_414 = arith.maximumf %max3A_374, %get3A_413 : vector<16xf32>
      %mul3A_415 = arith.constant 128 : i32
      %mul3A_416 = arith.muli %scan3A_281, %mul3A_415 : i32
      %add3A_417 = arith.constant 80 : i32
      %add3A_418 = arith.addi %mul3A_416, %add3A_417 : i32
      %get3A_419 = arith.constant 1 : i32
      %get3A_420 = arith.index_cast %get3A_419 : i32 to index
      %get3A_421 = arith.index_cast %add3A_418 : i32 to index
      %get3A_422 = tpu.vector_load %arg5[%get3A_420, %get3A_421] {strides = array<i32>} : memref<2x16384xf32, #tpu.memory_space<vmem>>, vector<1x16xf32>,
      %get3A_423 = vector.shape_cast %get3A_422 : vector<1x16xf32> to vector<16xf32>
      %max3A_424 = arith.maximumf %max3A_384, %get3A_423 : vector<16xf32>
      %mul3A_425 = arith.constant 128 : i32
      %mul3A_426 = arith.muli %scan3A_281, %mul3A_425 : i32
      %add3A_427 = arith.constant 96 : i32
      %add3A_428 = arith.addi %mul3A_426, %add3A_427 : i32
      %get3A_429 = arith.constant 1 : i32
      %get3A_430 = arith.index_cast %get3A_429 : i32 to index
      %get3A_431 = arith.index_cast %add3A_428 : i32 to index
      %get3A_432 = tpu.vector_load %arg5[%get3A_430, %get3A_431] {strides = array<i32>} : memref<2x16384xf32, #tpu.memory_space<vmem>>, vector<1x16xf32>,
      %get3A_433 = vector.shape_cast %get3A_432 : vector<1x16xf32> to vector<16xf32>
      %max3A_434 = arith.maximumf %max3A_394, %get3A_433 : vector<16xf32>
      %mul3A_435 = arith.constant 128 : i32
      %mul3A_436 = arith.muli %scan3A_281, %mul3A_435 : i32
      %add3A_437 = arith.constant 112 : i32
      %add3A_438 = arith.addi %mul3A_436, %add3A_437 : i32
      %get3A_439 = arith.constant 1 : i32
      %get3A_440 = arith.index_cast %get3A_439 : i32 to index
      %get3A_441 = arith.index_cast %add3A_438 : i32 to index
      %get3A_442 = tpu.vector_load %arg5[%get3A_440, %get3A_441] {strides = array<i32>} : memref<2x16384xf32, #tpu.memory_space<vmem>>, vector<1x16xf32>,
      %get3A_443 = vector.shape_cast %get3A_442 : vector<1x16xf32> to vector<16xf32>
      %max3A_444 = arith.maximumf %max3A_404, %get3A_443 : vector<16xf32>
      scf.yield %max3A_414, %max3A_424, %max3A_434, %max3A_444 : vector<16xf32>, vector<16xf32>, vector<16xf32>, vector<16xf32>
    }
    %scan3A_223 = arith.constant 128 : i32
    %add3A_224 = arith.constant 352 : i32
    %add3A_225 = arith.addi %add3A_224, %add3A : i32
    %lt3A_226 = arith.constant 392 : i32
    %lt3A_227 = arith.cmpi slt, %add3A_225, %lt3A_226 : i32
    %select_n3A_228 = arith.select %lt3A_227, %add3A_225, %add3A : i32
    %mul3A_229 = arith.constant 2 : i32
    %mul3A_230 = arith.muli %select_n3A_228, %mul3A_229 : i32
    %dma_start3A_231 = arith.constant 0 : i32
    %dma_start3A_232 = tpu.memref_slice %arg2[%mul3A_230, %dma_start3A_231] : memref<784x16384xf32, #tpu.memory_space<hbm>> -> memref<2x16384xf32, #tpu.memory_space<hbm>>
    %dma_start3A_233 = arith.constant 0 : i32
    %dma_start3A_234 = tpu.memref_slice %arg2[%mul3A_230, %dma_start3A_233] : memref<784x16384xf32, #tpu.memory_space<hbm>> -> memref<2x16384xf32, #tpu.memory_space<hbm>>
    tpu.enqueue_dma source(%dma_start3A_234 : memref<2x16384xf32, #tpu.memory_space<hbm>>) target(%arg5 : memref<2x16384xf32, #tpu.memory_space<vmem>>) target_semaphore(%arg8 : memref<!tpu.dma_semaphore, #tpu.memory_space<semaphore_mem>>)
    %dma_wait3A_235 = arith.constant 0 : i32
    %dma_wait3A_236 = tpu.memref_slice %arg2[%mul3A_209, %dma_wait3A_235] : memref<784x16384xf32, #tpu.memory_space<hbm>> -> memref<2x16384xf32, #tpu.memory_space<hbm>>
    %dma_wait3A_237 = arith.constant 0 : i32
    %dma_wait3A_238 = tpu.memref_slice %arg2[%mul3A_209, %dma_wait3A_237] : memref<784x16384xf32, #tpu.memory_space<hbm>> -> memref<2x16384xf32, #tpu.memory_space<hbm>>
    tpu.wait_dma2 semaphore(%arg7 : memref<!tpu.dma_semaphore, #tpu.memory_space<semaphore_mem>>) src(%dma_wait3A_238 : memref<2x16384xf32, #tpu.memory_space<hbm>>) dst(%arg4 : memref<2x16384xf32, #tpu.memory_space<vmem>>)
    %scan3A_239 = arith.constant 0 : i32
    %scan3A_240 = arith.constant 128 : i32
    %scan3A_241 = arith.addi %scan3A_239, %scan3A_240 : i32
    %scan3A_242 = arith.constant 1 : i32
    %scan3A_243:4 = scf.for %scan3A_281 = %scan3A_239 to %scan3A_241 step %scan3A_242 iter_args(%scan3A_282 = %scan3A_222#0, %scan3A_283 = %scan3A_222#1, %scan3A_284 = %scan3A_222#2, %scan3A_285 = %scan3A_222#3) -> (vector<16xf32>, vector<16xf32>, vector<16xf32>, vector<16xf32>)  : i32 {
      %mul3A_286 = arith.constant 128 : i32
      %mul3A_287 = arith.muli %scan3A_281, %mul3A_286 : i32
      %add3A_288 = arith.constant 0 : i32
      %add3A_289 = arith.addi %mul3A_287, %add3A_288 : i32
      %get3A = arith.constant 0 : i32
      %get3A_290 = arith.index_cast %get3A : i32 to index
      %get3A_291 = arith.index_cast %add3A_289 : i32 to index
      %get3A_292 = tpu.vector_load %arg4[%get3A_290, %get3A_291] {strides = array<i32>} : memref<2x16384xf32, #tpu.memory_space<vmem>>, vector<1x16xf32>,
      %get3A_293 = vector.shape_cast %get3A_292 : vector<1x16xf32> to vector<16xf32>
      %max3A_294 = arith.maximumf %scan3A_282, %get3A_293 : vector<16xf32>
      %mul3A_295 = arith.constant 128 : i32
      %mul3A_296 = arith.muli %scan3A_281, %mul3A_295 : i32
      %add3A_297 = arith.constant 16 : i32
      %add3A_298 = arith.addi %mul3A_296, %add3A_297 : i32
      %get3A_299 = arith.constant 0 : i32
      %get3A_300 = arith.index_cast %get3A_299 : i32 to index
      %get3A_301 = arith.index_cast %add3A_298 : i32 to index
      %get3A_302 = tpu.vector_load %arg4[%get3A_300, %get3A_301] {strides = array<i32>} : memref<2x16384xf32, #tpu.memory_space<vmem>>, vector<1x16xf32>,
      %get3A_303 = vector.shape_cast %get3A_302 : vector<1x16xf32> to vector<16xf32>
      %max3A_304 = arith.maximumf %scan3A_283, %get3A_303 : vector<16xf32>
      %mul3A_305 = arith.constant 128 : i32
      %mul3A_306 = arith.muli %scan3A_281, %mul3A_305 : i32
      %add3A_307 = arith.constant 32 : i32
      %add3A_308 = arith.addi %mul3A_306, %add3A_307 : i32
      %get3A_309 = arith.constant 0 : i32
      %get3A_310 = arith.index_cast %get3A_309 : i32 to index
      %get3A_311 = arith.index_cast %add3A_308 : i32 to index
      %get3A_312 = tpu.vector_load %arg4[%get3A_310, %get3A_311] {strides = array<i32>} : memref<2x16384xf32, #tpu.memory_space<vmem>>, vector<1x16xf32>,
      %get3A_313 = vector.shape_cast %get3A_312 : vector<1x16xf32> to vector<16xf32>
      %max3A_314 = arith.maximumf %scan3A_284, %get3A_313 : vector<16xf32>
      %mul3A_315 = arith.constant 128 : i32
      %mul3A_316 = arith.muli %scan3A_281, %mul3A_315 : i32
      %add3A_317 = arith.constant 48 : i32
      %add3A_318 = arith.addi %mul3A_316, %add3A_317 : i32
      %get3A_319 = arith.constant 0 : i32
      %get3A_320 = arith.index_cast %get3A_319 : i32 to index
      %get3A_321 = arith.index_cast %add3A_318 : i32 to index
      %get3A_322 = tpu.vector_load %arg4[%get3A_320, %get3A_321] {strides = array<i32>} : memref<2x16384xf32, #tpu.memory_space<vmem>>, vector<1x16xf32>,
      %get3A_323 = vector.shape_cast %get3A_322 : vector<1x16xf32> to vector<16xf32>
      %max3A_324 = arith.maximumf %scan3A_285, %get3A_323 : vector<16xf32>
      %mul3A_325 = arith.constant 128 : i32
      %mul3A_326 = arith.muli %scan3A_281, %mul3A_325 : i32
      %add3A_327 = arith.constant 64 : i32
      %add3A_328 = arith.addi %mul3A_326, %add3A_327 : i32
      %get3A_329 = arith.constant 0 : i32
      %get3A_330 = arith.index_cast %get3A_329 : i32 to index
      %get3A_331 = arith.index_cast %add3A_328 : i32 to index
      %get3A_332 = tpu.vector_load %arg4[%get3A_330, %get3A_331] {strides = array<i32>} : memref<2x16384xf32, #tpu.memory_space<vmem>>, vector<1x16xf32>,
      %get3A_333 = vector.shape_cast %get3A_332 : vector<1x16xf32> to vector<16xf32>
      %max3A_334 = arith.maximumf %max3A_294, %get3A_333 : vector<16xf32>
      %mul3A_335 = arith.constant 128 : i32
      %mul3A_336 = arith.muli %scan3A_281, %mul3A_335 : i32
      %add3A_337 = arith.constant 80 : i32
      %add3A_338 = arith.addi %mul3A_336, %add3A_337 : i32
      %get3A_339 = arith.constant 0 : i32
      %get3A_340 = arith.index_cast %get3A_339 : i32 to index
      %get3A_341 = arith.index_cast %add3A_338 : i32 to index
      %get3A_342 = tpu.vector_load %arg4[%get3A_340, %get3A_341] {strides = array<i32>} : memref<2x16384xf32, #tpu.memory_space<vmem>>, vector<1x16xf32>,
      %get3A_343 = vector.shape_cast %get3A_342 : vector<1x16xf32> to vector<16xf32>
      %max3A_344 = arith.maximumf %max3A_304, %get3A_343 : vector<16xf32>
      %mul3A_345 = arith.constant 128 : i32
      %mul3A_346 = arith.muli %scan3A_281, %mul3A_345 : i32
      %add3A_347 = arith.constant 96 : i32
      %add3A_348 = arith.addi %mul3A_346, %add3A_347 : i32
      %get3A_349 = arith.constant 0 : i32
      %get3A_350 = arith.index_cast %get3A_349 : i32 to index
      %get3A_351 = arith.index_cast %add3A_348 : i32 to index
      %get3A_352 = tpu.vector_load %arg4[%get3A_350, %get3A_351] {strides = array<i32>} : memref<2x16384xf32, #tpu.memory_space<vmem>>, vector<1x16xf32>,
      %get3A_353 = vector.shape_cast %get3A_352 : vector<1x16xf32> to vector<16xf32>
      %max3A_354 = arith.maximumf %max3A_314, %get3A_353 : vector<16xf32>
      %mul3A_355 = arith.constant 128 : i32
      %mul3A_356 = arith.muli %scan3A_281, %mul3A_355 : i32
      %add3A_357 = arith.constant 112 : i32
      %add3A_358 = arith.addi %mul3A_356, %add3A_357 : i32
      %get3A_359 = arith.constant 0 : i32
      %get3A_360 = arith.index_cast %get3A_359 : i32 to index
      %get3A_361 = arith.index_cast %add3A_358 : i32 to index
      %get3A_362 = tpu.vector_load %arg4[%get3A_360, %get3A_361] {strides = array<i32>} : memref<2x16384xf32, #tpu.memory_space<vmem>>, vector<1x16xf32>,
      %get3A_363 = vector.shape_cast %get3A_362 : vector<1x16xf32> to vector<16xf32>
      %max3A_364 = arith.maximumf %max3A_324, %get3A_363 : vector<16xf32>
      %mul3A_365 = arith.constant 128 : i32
      %mul3A_366 = arith.muli %scan3A_281, %mul3A_365 : i32
      %add3A_367 = arith.constant 0 : i32
      %add3A_368 = arith.addi %mul3A_366, %add3A_367 : i32
      %get3A_369 = arith.constant 1 : i32
      %get3A_370 = arith.index_cast %get3A_369 : i32 to index
      %get3A_371 = arith.index_cast %add3A_368 : i32 to index
      %get3A_372 = tpu.vector_load %arg4[%get3A_370, %get3A_371] {strides = array<i32>} : memref<2x16384xf32, #tpu.memory_space<vmem>>, vector<1x16xf32>,
      %get3A_373 = vector.shape_cast %get3A_372 : vector<1x16xf32> to vector<16xf32>
      %max3A_374 = arith.maximumf %max3A_334, %get3A_373 : vector<16xf32>
      %mul3A_375 = arith.constant 128 : i32
      %mul3A_376 = arith.muli %scan3A_281, %mul3A_375 : i32
      %add3A_377 = arith.constant 16 : i32
      %add3A_378 = arith.addi %mul3A_376, %add3A_377 : i32
      %get3A_379 = arith.constant 1 : i32
      %get3A_380 = arith.index_cast %get3A_379 : i32 to index
      %get3A_381 = arith.index_cast %add3A_378 : i32 to index
      %get3A_382 = tpu.vector_load %arg4[%get3A_380, %get3A_381] {strides = array<i32>} : memref<2x16384xf32, #tpu.memory_space<vmem>>, vector<1x16xf32>,
      %get3A_383 = vector.shape_cast %get3A_382 : vector<1x16xf32> to vector<16xf32>
      %max3A_384 = arith.maximumf %max3A_344, %get3A_383 : vector<16xf32>
      %mul3A_385 = arith.constant 128 : i32
      %mul3A_386 = arith.muli %scan3A_281, %mul3A_385 : i32
      %add3A_387 = arith.constant 32 : i32
      %add3A_388 = arith.addi %mul3A_386, %add3A_387 : i32
      %get3A_389 = arith.constant 1 : i32
      %get3A_390 = arith.index_cast %get3A_389 : i32 to index
      %get3A_391 = arith.index_cast %add3A_388 : i32 to index
      %get3A_392 = tpu.vector_load %arg4[%get3A_390, %get3A_391] {strides = array<i32>} : memref<2x16384xf32, #tpu.memory_space<vmem>>, vector<1x16xf32>,
      %get3A_393 = vector.shape_cast %get3A_392 : vector<1x16xf32> to vector<16xf32>
      %max3A_394 = arith.maximumf %max3A_354, %get3A_393 : vector<16xf32>
      %mul3A_395 = arith.constant 128 : i32
      %mul3A_396 = arith.muli %scan3A_281, %mul3A_395 : i32
      %add3A_397 = arith.constant 48 : i32
      %add3A_398 = arith.addi %mul3A_396, %add3A_397 : i32
      %get3A_399 = arith.constant 1 : i32
      %get3A_400 = arith.index_cast %get3A_399 : i32 to index
      %get3A_401 = arith.index_cast %add3A_398 : i32 to index
      %get3A_402 = tpu.vector_load %arg4[%get3A_400, %get3A_401] {strides = array<i32>} : memref<2x16384xf32, #tpu.memory_space<vmem>>, vector<1x16xf32>,
      %get3A_403 = vector.shape_cast %get3A_402 : vector<1x16xf32> to vector<16xf32>
      %max3A_404 = arith.maximumf %max3A_364, %get3A_403 : vector<16xf32>
      %mul3A_405 = arith.constant 128 : i32
      %mul3A_406 = arith.muli %scan3A_281, %mul3A_405 : i32
      %add3A_407 = arith.constant 64 : i32
      %add3A_408 = arith.addi %mul3A_406, %add3A_407 : i32
      %get3A_409 = arith.constant 1 : i32
      %get3A_410 = arith.index_cast %get3A_409 : i32 to index
      %get3A_411 = arith.index_cast %add3A_408 : i32 to index
      %get3A_412 = tpu.vector_load %arg4[%get3A_410, %get3A_411] {strides = array<i32>} : memref<2x16384xf32, #tpu.memory_space<vmem>>, vector<1x16xf32>,
      %get3A_413 = vector.shape_cast %get3A_412 : vector<1x16xf32> to vector<16xf32>
      %max3A_414 = arith.maximumf %max3A_374, %get3A_413 : vector<16xf32>
      %mul3A_415 = arith.constant 128 : i32
      %mul3A_416 = arith.muli %scan3A_281, %mul3A_415 : i32
      %add3A_417 = arith.constant 80 : i32
      %add3A_418 = arith.addi %mul3A_416, %add3A_417 : i32
      %get3A_419 = arith.constant 1 : i32
      %get3A_420 = arith.index_cast %get3A_419 : i32 to index
      %get3A_421 = arith.index_cast %add3A_418 : i32 to index
      %get3A_422 = tpu.vector_load %arg4[%get3A_420, %get3A_421] {strides = array<i32>} : memref<2x16384xf32, #tpu.memory_space<vmem>>, vector<1x16xf32>,
      %get3A_423 = vector.shape_cast %get3A_422 : vector<1x16xf32> to vector<16xf32>
      %max3A_424 = arith.maximumf %max3A_384, %get3A_423 : vector<16xf32>
      %mul3A_425 = arith.constant 128 : i32
      %mul3A_426 = arith.muli %scan3A_281, %mul3A_425 : i32
      %add3A_427 = arith.constant 96 : i32
      %add3A_428 = arith.addi %mul3A_426, %add3A_427 : i32
      %get3A_429 = arith.constant 1 : i32
      %get3A_430 = arith.index_cast %get3A_429 : i32 to index
      %get3A_431 = arith.index_cast %add3A_428 : i32 to index
      %get3A_432 = tpu.vector_load %arg4[%get3A_430, %get3A_431] {strides = array<i32>} : memref<2x16384xf32, #tpu.memory_space<vmem>>, vector<1x16xf32>,
      %get3A_433 = vector.shape_cast %get3A_432 : vector<1x16xf32> to vector<16xf32>
      %max3A_434 = arith.maximumf %max3A_394, %get3A_433 : vector<16xf32>
      %mul3A_435 = arith.constant 128 : i32
      %mul3A_436 = arith.muli %scan3A_281, %mul3A_435 : i32
      %add3A_437 = arith.constant 112 : i32
      %add3A_438 = arith.addi %mul3A_436, %add3A_437 : i32
      %get3A_439 = arith.constant 1 : i32
      %get3A_440 = arith.index_cast %get3A_439 : i32 to index
      %get3A_441 = arith.index_cast %add3A_438 : i32 to index
      %get3A_442 = tpu.vector_load %arg4[%get3A_440, %get3A_441] {strides = array<i32>} : memref<2x16384xf32, #tpu.memory_space<vmem>>, vector<1x16xf32>,
      %get3A_443 = vector.shape_cast %get3A_442 : vector<1x16xf32> to vector<16xf32>
      %max3A_444 = arith.maximumf %max3A_404, %get3A_443 : vector<16xf32>
      scf.yield %max3A_414, %max3A_424, %max3A_434, %max3A_444 : vector<16xf32>, vector<16xf32>, vector<16xf32>, vector<16xf32>
    }
    %scan3A_244 = arith.constant 128 : i32
    %add3A_245 = arith.constant 384 : i32
    %add3A_246 = arith.addi %add3A_245, %add3A : i32
    %lt3A_247 = arith.constant 392 : i32
    %lt3A_248 = arith.cmpi slt, %add3A_246, %lt3A_247 : i32
    %select_n3A_249 = arith.select %lt3A_248, %add3A_246, %add3A : i32
    %mul3A_250 = arith.constant 2 : i32
    %mul3A_251 = arith.muli %select_n3A_249, %mul3A_250 : i32
    %dma_start3A_252 = arith.constant 0 : i32
    %dma_start3A_253 = tpu.memref_slice %arg2[%mul3A_251, %dma_start3A_252] : memref<784x16384xf32, #tpu.memory_space<hbm>> -> memref<2x16384xf32, #tpu.memory_space<hbm>>
    %dma_start3A_254 = arith.constant 0 : i32
    %dma_start3A_255 = tpu.memref_slice %arg2[%mul3A_251, %dma_start3A_254] : memref<784x16384xf32, #tpu.memory_space<hbm>> -> memref<2x16384xf32, #tpu.memory_space<hbm>>
    tpu.enqueue_dma source(%dma_start3A_255 : memref<2x16384xf32, #tpu.memory_space<hbm>>) target(%arg4 : memref<2x16384xf32, #tpu.memory_space<vmem>>) target_semaphore(%arg7 : memref<!tpu.dma_semaphore, #tpu.memory_space<semaphore_mem>>)
    %dma_wait3A_256 = arith.constant 0 : i32
    %dma_wait3A_257 = tpu.memref_slice %arg2[%mul3A_230, %dma_wait3A_256] : memref<784x16384xf32, #tpu.memory_space<hbm>> -> memref<2x16384xf32, #tpu.memory_space<hbm>>
    %dma_wait3A_258 = arith.constant 0 : i32
    %dma_wait3A_259 = tpu.memref_slice %arg2[%mul3A_230, %dma_wait3A_258] : memref<784x16384xf32, #tpu.memory_space<hbm>> -> memref<2x16384xf32, #tpu.memory_space<hbm>>
    tpu.wait_dma2 semaphore(%arg8 : memref<!tpu.dma_semaphore, #tpu.memory_space<semaphore_mem>>) src(%dma_wait3A_259 : memref<2x16384xf32, #tpu.memory_space<hbm>>) dst(%arg5 : memref<2x16384xf32, #tpu.memory_space<vmem>>)
    %scan3A_260 = arith.constant 0 : i32
    %scan3A_261 = arith.constant 128 : i32
    %scan3A_262 = arith.addi %scan3A_260, %scan3A_261 : i32
    %scan3A_263 = arith.constant 1 : i32
    %scan3A_264:4 = scf.for %scan3A_281 = %scan3A_260 to %scan3A_262 step %scan3A_263 iter_args(%scan3A_282 = %scan3A_243#0, %scan3A_283 = %scan3A_243#1, %scan3A_284 = %scan3A_243#2, %scan3A_285 = %scan3A_243#3) -> (vector<16xf32>, vector<16xf32>, vector<16xf32>, vector<16xf32>)  : i32 {
      %mul3A_286 = arith.constant 128 : i32
      %mul3A_287 = arith.muli %scan3A_281, %mul3A_286 : i32
      %add3A_288 = arith.constant 0 : i32
      %add3A_289 = arith.addi %mul3A_287, %add3A_288 : i32
      %get3A = arith.constant 0 : i32
      %get3A_290 = arith.index_cast %get3A : i32 to index
      %get3A_291 = arith.index_cast %add3A_289 : i32 to index
      %get3A_292 = tpu.vector_load %arg5[%get3A_290, %get3A_291] {strides = array<i32>} : memref<2x16384xf32, #tpu.memory_space<vmem>>, vector<1x16xf32>,
      %get3A_293 = vector.shape_cast %get3A_292 : vector<1x16xf32> to vector<16xf32>
      %max3A_294 = arith.maximumf %scan3A_282, %get3A_293 : vector<16xf32>
      %mul3A_295 = arith.constant 128 : i32
      %mul3A_296 = arith.muli %scan3A_281, %mul3A_295 : i32
      %add3A_297 = arith.constant 16 : i32
      %add3A_298 = arith.addi %mul3A_296, %add3A_297 : i32
      %get3A_299 = arith.constant 0 : i32
      %get3A_300 = arith.index_cast %get3A_299 : i32 to index
      %get3A_301 = arith.index_cast %add3A_298 : i32 to index
      %get3A_302 = tpu.vector_load %arg5[%get3A_300, %get3A_301] {strides = array<i32>} : memref<2x16384xf32, #tpu.memory_space<vmem>>, vector<1x16xf32>,
      %get3A_303 = vector.shape_cast %get3A_302 : vector<1x16xf32> to vector<16xf32>
      %max3A_304 = arith.maximumf %scan3A_283, %get3A_303 : vector<16xf32>
      %mul3A_305 = arith.constant 128 : i32
      %mul3A_306 = arith.muli %scan3A_281, %mul3A_305 : i32
      %add3A_307 = arith.constant 32 : i32
      %add3A_308 = arith.addi %mul3A_306, %add3A_307 : i32
      %get3A_309 = arith.constant 0 : i32
      %get3A_310 = arith.index_cast %get3A_309 : i32 to index
      %get3A_311 = arith.index_cast %add3A_308 : i32 to index
      %get3A_312 = tpu.vector_load %arg5[%get3A_310, %get3A_311] {strides = array<i32>} : memref<2x16384xf32, #tpu.memory_space<vmem>>, vector<1x16xf32>,
      %get3A_313 = vector.shape_cast %get3A_312 : vector<1x16xf32> to vector<16xf32>
      %max3A_314 = arith.maximumf %scan3A_284, %get3A_313 : vector<16xf32>
      %mul3A_315 = arith.constant 128 : i32
      %mul3A_316 = arith.muli %scan3A_281, %mul3A_315 : i32
      %add3A_317 = arith.constant 48 : i32
      %add3A_318 = arith.addi %mul3A_316, %add3A_317 : i32
      %get3A_319 = arith.constant 0 : i32
      %get3A_320 = arith.index_cast %get3A_319 : i32 to index
      %get3A_321 = arith.index_cast %add3A_318 : i32 to index
      %get3A_322 = tpu.vector_load %arg5[%get3A_320, %get3A_321] {strides = array<i32>} : memref<2x16384xf32, #tpu.memory_space<vmem>>, vector<1x16xf32>,
      %get3A_323 = vector.shape_cast %get3A_322 : vector<1x16xf32> to vector<16xf32>
      %max3A_324 = arith.maximumf %scan3A_285, %get3A_323 : vector<16xf32>
      %mul3A_325 = arith.constant 128 : i32
      %mul3A_326 = arith.muli %scan3A_281, %mul3A_325 : i32
      %add3A_327 = arith.constant 64 : i32
      %add3A_328 = arith.addi %mul3A_326, %add3A_327 : i32
      %get3A_329 = arith.constant 0 : i32
      %get3A_330 = arith.index_cast %get3A_329 : i32 to index
      %get3A_331 = arith.index_cast %add3A_328 : i32 to index
      %get3A_332 = tpu.vector_load %arg5[%get3A_330, %get3A_331] {strides = array<i32>} : memref<2x16384xf32, #tpu.memory_space<vmem>>, vector<1x16xf32>,
      %get3A_333 = vector.shape_cast %get3A_332 : vector<1x16xf32> to vector<16xf32>
      %max3A_334 = arith.maximumf %max3A_294, %get3A_333 : vector<16xf32>
      %mul3A_335 = arith.constant 128 : i32
      %mul3A_336 = arith.muli %scan3A_281, %mul3A_335 : i32
      %add3A_337 = arith.constant 80 : i32
      %add3A_338 = arith.addi %mul3A_336, %add3A_337 : i32
      %get3A_339 = arith.constant 0 : i32
      %get3A_340 = arith.index_cast %get3A_339 : i32 to index
      %get3A_341 = arith.index_cast %add3A_338 : i32 to index
      %get3A_342 = tpu.vector_load %arg5[%get3A_340, %get3A_341] {strides = array<i32>} : memref<2x16384xf32, #tpu.memory_space<vmem>>, vector<1x16xf32>,
      %get3A_343 = vector.shape_cast %get3A_342 : vector<1x16xf32> to vector<16xf32>
      %max3A_344 = arith.maximumf %max3A_304, %get3A_343 : vector<16xf32>
      %mul3A_345 = arith.constant 128 : i32
      %mul3A_346 = arith.muli %scan3A_281, %mul3A_345 : i32
      %add3A_347 = arith.constant 96 : i32
      %add3A_348 = arith.addi %mul3A_346, %add3A_347 : i32
      %get3A_349 = arith.constant 0 : i32
      %get3A_350 = arith.index_cast %get3A_349 : i32 to index
      %get3A_351 = arith.index_cast %add3A_348 : i32 to index
      %get3A_352 = tpu.vector_load %arg5[%get3A_350, %get3A_351] {strides = array<i32>} : memref<2x16384xf32, #tpu.memory_space<vmem>>, vector<1x16xf32>,
      %get3A_353 = vector.shape_cast %get3A_352 : vector<1x16xf32> to vector<16xf32>
      %max3A_354 = arith.maximumf %max3A_314, %get3A_353 : vector<16xf32>
      %mul3A_355 = arith.constant 128 : i32
      %mul3A_356 = arith.muli %scan3A_281, %mul3A_355 : i32
      %add3A_357 = arith.constant 112 : i32
      %add3A_358 = arith.addi %mul3A_356, %add3A_357 : i32
      %get3A_359 = arith.constant 0 : i32
      %get3A_360 = arith.index_cast %get3A_359 : i32 to index
      %get3A_361 = arith.index_cast %add3A_358 : i32 to index
      %get3A_362 = tpu.vector_load %arg5[%get3A_360, %get3A_361] {strides = array<i32>} : memref<2x16384xf32, #tpu.memory_space<vmem>>, vector<1x16xf32>,
      %get3A_363 = vector.shape_cast %get3A_362 : vector<1x16xf32> to vector<16xf32>
      %max3A_364 = arith.maximumf %max3A_324, %get3A_363 : vector<16xf32>
      %mul3A_365 = arith.constant 128 : i32
      %mul3A_366 = arith.muli %scan3A_281, %mul3A_365 : i32
      %add3A_367 = arith.constant 0 : i32
      %add3A_368 = arith.addi %mul3A_366, %add3A_367 : i32
      %get3A_369 = arith.constant 1 : i32
      %get3A_370 = arith.index_cast %get3A_369 : i32 to index
      %get3A_371 = arith.index_cast %add3A_368 : i32 to index
      %get3A_372 = tpu.vector_load %arg5[%get3A_370, %get3A_371] {strides = array<i32>} : memref<2x16384xf32, #tpu.memory_space<vmem>>, vector<1x16xf32>,
      %get3A_373 = vector.shape_cast %get3A_372 : vector<1x16xf32> to vector<16xf32>
      %max3A_374 = arith.maximumf %max3A_334, %get3A_373 : vector<16xf32>
      %mul3A_375 = arith.constant 128 : i32
      %mul3A_376 = arith.muli %scan3A_281, %mul3A_375 : i32
      %add3A_377 = arith.constant 16 : i32
      %add3A_378 = arith.addi %mul3A_376, %add3A_377 : i32
      %get3A_379 = arith.constant 1 : i32
      %get3A_380 = arith.index_cast %get3A_379 : i32 to index
      %get3A_381 = arith.index_cast %add3A_378 : i32 to index
      %get3A_382 = tpu.vector_load %arg5[%get3A_380, %get3A_381] {strides = array<i32>} : memref<2x16384xf32, #tpu.memory_space<vmem>>, vector<1x16xf32>,
      %get3A_383 = vector.shape_cast %get3A_382 : vector<1x16xf32> to vector<16xf32>
      %max3A_384 = arith.maximumf %max3A_344, %get3A_383 : vector<16xf32>
      %mul3A_385 = arith.constant 128 : i32
      %mul3A_386 = arith.muli %scan3A_281, %mul3A_385 : i32
      %add3A_387 = arith.constant 32 : i32
      %add3A_388 = arith.addi %mul3A_386, %add3A_387 : i32
      %get3A_389 = arith.constant 1 : i32
      %get3A_390 = arith.index_cast %get3A_389 : i32 to index
      %get3A_391 = arith.index_cast %add3A_388 : i32 to index
      %get3A_392 = tpu.vector_load %arg5[%get3A_390, %get3A_391] {strides = array<i32>} : memref<2x16384xf32, #tpu.memory_space<vmem>>, vector<1x16xf32>,
      %get3A_393 = vector.shape_cast %get3A_392 : vector<1x16xf32> to vector<16xf32>
      %max3A_394 = arith.maximumf %max3A_354, %get3A_393 : vector<16xf32>
      %mul3A_395 = arith.constant 128 : i32
      %mul3A_396 = arith.muli %scan3A_281, %mul3A_395 : i32
      %add3A_397 = arith.constant 48 : i32
      %add3A_398 = arith.addi %mul3A_396, %add3A_397 : i32
      %get3A_399 = arith.constant 1 : i32
      %get3A_400 = arith.index_cast %get3A_399 : i32 to index
      %get3A_401 = arith.index_cast %add3A_398 : i32 to index
      %get3A_402 = tpu.vector_load %arg5[%get3A_400, %get3A_401] {strides = array<i32>} : memref<2x16384xf32, #tpu.memory_space<vmem>>, vector<1x16xf32>,
      %get3A_403 = vector.shape_cast %get3A_402 : vector<1x16xf32> to vector<16xf32>
      %max3A_404 = arith.maximumf %max3A_364, %get3A_403 : vector<16xf32>
      %mul3A_405 = arith.constant 128 : i32
      %mul3A_406 = arith.muli %scan3A_281, %mul3A_405 : i32
      %add3A_407 = arith.constant 64 : i32
      %add3A_408 = arith.addi %mul3A_406, %add3A_407 : i32
      %get3A_409 = arith.constant 1 : i32
      %get3A_410 = arith.index_cast %get3A_409 : i32 to index
      %get3A_411 = arith.index_cast %add3A_408 : i32 to index
      %get3A_412 = tpu.vector_load %arg5[%get3A_410, %get3A_411] {strides = array<i32>} : memref<2x16384xf32, #tpu.memory_space<vmem>>, vector<1x16xf32>,
      %get3A_413 = vector.shape_cast %get3A_412 : vector<1x16xf32> to vector<16xf32>
      %max3A_414 = arith.maximumf %max3A_374, %get3A_413 : vector<16xf32>
      %mul3A_415 = arith.constant 128 : i32
      %mul3A_416 = arith.muli %scan3A_281, %mul3A_415 : i32
      %add3A_417 = arith.constant 80 : i32
      %add3A_418 = arith.addi %mul3A_416, %add3A_417 : i32
      %get3A_419 = arith.constant 1 : i32
      %get3A_420 = arith.index_cast %get3A_419 : i32 to index
      %get3A_421 = arith.index_cast %add3A_418 : i32 to index
      %get3A_422 = tpu.vector_load %arg5[%get3A_420, %get3A_421] {strides = array<i32>} : memref<2x16384xf32, #tpu.memory_space<vmem>>, vector<1x16xf32>,
      %get3A_423 = vector.shape_cast %get3A_422 : vector<1x16xf32> to vector<16xf32>
      %max3A_424 = arith.maximumf %max3A_384, %get3A_423 : vector<16xf32>
      %mul3A_425 = arith.constant 128 : i32
      %mul3A_426 = arith.muli %scan3A_281, %mul3A_425 : i32
      %add3A_427 = arith.constant 96 : i32
      %add3A_428 = arith.addi %mul3A_426, %add3A_427 : i32
      %get3A_429 = arith.constant 1 : i32
      %get3A_430 = arith.index_cast %get3A_429 : i32 to index
      %get3A_431 = arith.index_cast %add3A_428 : i32 to index
      %get3A_432 = tpu.vector_load %arg5[%get3A_430, %get3A_431] {strides = array<i32>} : memref<2x16384xf32, #tpu.memory_space<vmem>>, vector<1x16xf32>,
      %get3A_433 = vector.shape_cast %get3A_432 : vector<1x16xf32> to vector<16xf32>
      %max3A_434 = arith.maximumf %max3A_394, %get3A_433 : vector<16xf32>
      %mul3A_435 = arith.constant 128 : i32
      %mul3A_436 = arith.muli %scan3A_281, %mul3A_435 : i32
      %add3A_437 = arith.constant 112 : i32
      %add3A_438 = arith.addi %mul3A_436, %add3A_437 : i32
      %get3A_439 = arith.constant 1 : i32
      %get3A_440 = arith.index_cast %get3A_439 : i32 to index
      %get3A_441 = arith.index_cast %add3A_438 : i32 to index
      %get3A_442 = tpu.vector_load %arg5[%get3A_440, %get3A_441] {strides = array<i32>} : memref<2x16384xf32, #tpu.memory_space<vmem>>, vector<1x16xf32>,
      %get3A_443 = vector.shape_cast %get3A_442 : vector<1x16xf32> to vector<16xf32>
      %max3A_444 = arith.maximumf %max3A_404, %get3A_443 : vector<16xf32>
      scf.yield %max3A_414, %max3A_424, %max3A_434, %max3A_444 : vector<16xf32>, vector<16xf32>, vector<16xf32>, vector<16xf32>
    }
    %scan3A_265 = arith.constant 128 : i32
    %dma_wait3A_266 = arith.constant 0 : i32
    %dma_wait3A_267 = tpu.memref_slice %arg2[%mul3A_251, %dma_wait3A_266] : memref<784x16384xf32, #tpu.memory_space<hbm>> -> memref<2x16384xf32, #tpu.memory_space<hbm>>
    %dma_wait3A_268 = arith.constant 0 : i32
    %dma_wait3A_269 = tpu.memref_slice %arg2[%mul3A_251, %dma_wait3A_268] : memref<784x16384xf32, #tpu.memory_space<hbm>> -> memref<2x16384xf32, #tpu.memory_space<hbm>>
    tpu.wait_dma2 semaphore(%arg7 : memref<!tpu.dma_semaphore, #tpu.memory_space<semaphore_mem>>) src(%dma_wait3A_269 : memref<2x16384xf32, #tpu.memory_space<hbm>>) dst(%arg4 : memref<2x16384xf32, #tpu.memory_space<vmem>>)
    %scan3A_270 = arith.constant 0 : i32
    %scan3A_271 = arith.constant 128 : i32
    %scan3A_272 = arith.addi %scan3A_270, %scan3A_271 : i32
    %scan3A_273 = arith.constant 1 : i32
    %scan3A_274:4 = scf.for %scan3A_281 = %scan3A_270 to %scan3A_272 step %scan3A_273 iter_args(%scan3A_282 = %scan3A_264#0, %scan3A_283 = %scan3A_264#1, %scan3A_284 = %scan3A_264#2, %scan3A_285 = %scan3A_264#3) -> (vector<16xf32>, vector<16xf32>, vector<16xf32>, vector<16xf32>)  : i32 {
      %mul3A_286 = arith.constant 128 : i32
      %mul3A_287 = arith.muli %scan3A_281, %mul3A_286 : i32
      %add3A_288 = arith.constant 0 : i32
      %add3A_289 = arith.addi %mul3A_287, %add3A_288 : i32
      %get3A = arith.constant 0 : i32
      %get3A_290 = arith.index_cast %get3A : i32 to index
      %get3A_291 = arith.index_cast %add3A_289 : i32 to index
      %get3A_292 = tpu.vector_load %arg4[%get3A_290, %get3A_291] {strides = array<i32>} : memref<2x16384xf32, #tpu.memory_space<vmem>>, vector<1x16xf32>,
      %get3A_293 = vector.shape_cast %get3A_292 : vector<1x16xf32> to vector<16xf32>
      %max3A_294 = arith.maximumf %scan3A_282, %get3A_293 : vector<16xf32>
      %mul3A_295 = arith.constant 128 : i32
      %mul3A_296 = arith.muli %scan3A_281, %mul3A_295 : i32
      %add3A_297 = arith.constant 16 : i32
      %add3A_298 = arith.addi %mul3A_296, %add3A_297 : i32
      %get3A_299 = arith.constant 0 : i32
      %get3A_300 = arith.index_cast %get3A_299 : i32 to index
      %get3A_301 = arith.index_cast %add3A_298 : i32 to index
      %get3A_302 = tpu.vector_load %arg4[%get3A_300, %get3A_301] {strides = array<i32>} : memref<2x16384xf32, #tpu.memory_space<vmem>>, vector<1x16xf32>,
      %get3A_303 = vector.shape_cast %get3A_302 : vector<1x16xf32> to vector<16xf32>
      %max3A_304 = arith.maximumf %scan3A_283, %get3A_303 : vector<16xf32>
      %mul3A_305 = arith.constant 128 : i32
      %mul3A_306 = arith.muli %scan3A_281, %mul3A_305 : i32
      %add3A_307 = arith.constant 32 : i32
      %add3A_308 = arith.addi %mul3A_306, %add3A_307 : i32
      %get3A_309 = arith.constant 0 : i32
      %get3A_310 = arith.index_cast %get3A_309 : i32 to index
      %get3A_311 = arith.index_cast %add3A_308 : i32 to index
      %get3A_312 = tpu.vector_load %arg4[%get3A_310, %get3A_311] {strides = array<i32>} : memref<2x16384xf32, #tpu.memory_space<vmem>>, vector<1x16xf32>,
      %get3A_313 = vector.shape_cast %get3A_312 : vector<1x16xf32> to vector<16xf32>
      %max3A_314 = arith.maximumf %scan3A_284, %get3A_313 : vector<16xf32>
      %mul3A_315 = arith.constant 128 : i32
      %mul3A_316 = arith.muli %scan3A_281, %mul3A_315 : i32
      %add3A_317 = arith.constant 48 : i32
      %add3A_318 = arith.addi %mul3A_316, %add3A_317 : i32
      %get3A_319 = arith.constant 0 : i32
      %get3A_320 = arith.index_cast %get3A_319 : i32 to index
      %get3A_321 = arith.index_cast %add3A_318 : i32 to index
      %get3A_322 = tpu.vector_load %arg4[%get3A_320, %get3A_321] {strides = array<i32>} : memref<2x16384xf32, #tpu.memory_space<vmem>>, vector<1x16xf32>,
      %get3A_323 = vector.shape_cast %get3A_322 : vector<1x16xf32> to vector<16xf32>
      %max3A_324 = arith.maximumf %scan3A_285, %get3A_323 : vector<16xf32>
      %mul3A_325 = arith.constant 128 : i32
      %mul3A_326 = arith.muli %scan3A_281, %mul3A_325 : i32
      %add3A_327 = arith.constant 64 : i32
      %add3A_328 = arith.addi %mul3A_326, %add3A_327 : i32
      %get3A_329 = arith.constant 0 : i32
      %get3A_330 = arith.index_cast %get3A_329 : i32 to index
      %get3A_331 = arith.index_cast %add3A_328 : i32 to index
      %get3A_332 = tpu.vector_load %arg4[%get3A_330, %get3A_331] {strides = array<i32>} : memref<2x16384xf32, #tpu.memory_space<vmem>>, vector<1x16xf32>,
      %get3A_333 = vector.shape_cast %get3A_332 : vector<1x16xf32> to vector<16xf32>
      %max3A_334 = arith.maximumf %max3A_294, %get3A_333 : vector<16xf32>
      %mul3A_335 = arith.constant 128 : i32
      %mul3A_336 = arith.muli %scan3A_281, %mul3A_335 : i32
      %add3A_337 = arith.constant 80 : i32
      %add3A_338 = arith.addi %mul3A_336, %add3A_337 : i32
      %get3A_339 = arith.constant 0 : i32
      %get3A_340 = arith.index_cast %get3A_339 : i32 to index
      %get3A_341 = arith.index_cast %add3A_338 : i32 to index
      %get3A_342 = tpu.vector_load %arg4[%get3A_340, %get3A_341] {strides = array<i32>} : memref<2x16384xf32, #tpu.memory_space<vmem>>, vector<1x16xf32>,
      %get3A_343 = vector.shape_cast %get3A_342 : vector<1x16xf32> to vector<16xf32>
      %max3A_344 = arith.maximumf %max3A_304, %get3A_343 : vector<16xf32>
      %mul3A_345 = arith.constant 128 : i32
      %mul3A_346 = arith.muli %scan3A_281, %mul3A_345 : i32
      %add3A_347 = arith.constant 96 : i32
      %add3A_348 = arith.addi %mul3A_346, %add3A_347 : i32
      %get3A_349 = arith.constant 0 : i32
      %get3A_350 = arith.index_cast %get3A_349 : i32 to index
      %get3A_351 = arith.index_cast %add3A_348 : i32 to index
      %get3A_352 = tpu.vector_load %arg4[%get3A_350, %get3A_351] {strides = array<i32>} : memref<2x16384xf32, #tpu.memory_space<vmem>>, vector<1x16xf32>,
      %get3A_353 = vector.shape_cast %get3A_352 : vector<1x16xf32> to vector<16xf32>
      %max3A_354 = arith.maximumf %max3A_314, %get3A_353 : vector<16xf32>
      %mul3A_355 = arith.constant 128 : i32
      %mul3A_356 = arith.muli %scan3A_281, %mul3A_355 : i32
      %add3A_357 = arith.constant 112 : i32
      %add3A_358 = arith.addi %mul3A_356, %add3A_357 : i32
      %get3A_359 = arith.constant 0 : i32
      %get3A_360 = arith.index_cast %get3A_359 : i32 to index
      %get3A_361 = arith.index_cast %add3A_358 : i32 to index
      %get3A_362 = tpu.vector_load %arg4[%get3A_360, %get3A_361] {strides = array<i32>} : memref<2x16384xf32, #tpu.memory_space<vmem>>, vector<1x16xf32>,
      %get3A_363 = vector.shape_cast %get3A_362 : vector<1x16xf32> to vector<16xf32>
      %max3A_364 = arith.maximumf %max3A_324, %get3A_363 : vector<16xf32>
      %mul3A_365 = arith.constant 128 : i32
      %mul3A_366 = arith.muli %scan3A_281, %mul3A_365 : i32
      %add3A_367 = arith.constant 0 : i32
      %add3A_368 = arith.addi %mul3A_366, %add3A_367 : i32
      %get3A_369 = arith.constant 1 : i32
      %get3A_370 = arith.index_cast %get3A_369 : i32 to index
      %get3A_371 = arith.index_cast %add3A_368 : i32 to index
      %get3A_372 = tpu.vector_load %arg4[%get3A_370, %get3A_371] {strides = array<i32>} : memref<2x16384xf32, #tpu.memory_space<vmem>>, vector<1x16xf32>,
      %get3A_373 = vector.shape_cast %get3A_372 : vector<1x16xf32> to vector<16xf32>
      %max3A_374 = arith.maximumf %max3A_334, %get3A_373 : vector<16xf32>
      %mul3A_375 = arith.constant 128 : i32
      %mul3A_376 = arith.muli %scan3A_281, %mul3A_375 : i32
      %add3A_377 = arith.constant 16 : i32
      %add3A_378 = arith.addi %mul3A_376, %add3A_377 : i32
      %get3A_379 = arith.constant 1 : i32
      %get3A_380 = arith.index_cast %get3A_379 : i32 to index
      %get3A_381 = arith.index_cast %add3A_378 : i32 to index
      %get3A_382 = tpu.vector_load %arg4[%get3A_380, %get3A_381] {strides = array<i32>} : memref<2x16384xf32, #tpu.memory_space<vmem>>, vector<1x16xf32>,
      %get3A_383 = vector.shape_cast %get3A_382 : vector<1x16xf32> to vector<16xf32>
      %max3A_384 = arith.maximumf %max3A_344, %get3A_383 : vector<16xf32>
      %mul3A_385 = arith.constant 128 : i32
      %mul3A_386 = arith.muli %scan3A_281, %mul3A_385 : i32
      %add3A_387 = arith.constant 32 : i32
      %add3A_388 = arith.addi %mul3A_386, %add3A_387 : i32
      %get3A_389 = arith.constant 1 : i32
      %get3A_390 = arith.index_cast %get3A_389 : i32 to index
      %get3A_391 = arith.index_cast %add3A_388 : i32 to index
      %get3A_392 = tpu.vector_load %arg4[%get3A_390, %get3A_391] {strides = array<i32>} : memref<2x16384xf32, #tpu.memory_space<vmem>>, vector<1x16xf32>,
      %get3A_393 = vector.shape_cast %get3A_392 : vector<1x16xf32> to vector<16xf32>
      %max3A_394 = arith.maximumf %max3A_354, %get3A_393 : vector<16xf32>
      %mul3A_395 = arith.constant 128 : i32
      %mul3A_396 = arith.muli %scan3A_281, %mul3A_395 : i32
      %add3A_397 = arith.constant 48 : i32
      %add3A_398 = arith.addi %mul3A_396, %add3A_397 : i32
      %get3A_399 = arith.constant 1 : i32
      %get3A_400 = arith.index_cast %get3A_399 : i32 to index
      %get3A_401 = arith.index_cast %add3A_398 : i32 to index
      %get3A_402 = tpu.vector_load %arg4[%get3A_400, %get3A_401] {strides = array<i32>} : memref<2x16384xf32, #tpu.memory_space<vmem>>, vector<1x16xf32>,
      %get3A_403 = vector.shape_cast %get3A_402 : vector<1x16xf32> to vector<16xf32>
      %max3A_404 = arith.maximumf %max3A_364, %get3A_403 : vector<16xf32>
      %mul3A_405 = arith.constant 128 : i32
      %mul3A_406 = arith.muli %scan3A_281, %mul3A_405 : i32
      %add3A_407 = arith.constant 64 : i32
      %add3A_408 = arith.addi %mul3A_406, %add3A_407 : i32
      %get3A_409 = arith.constant 1 : i32
      %get3A_410 = arith.index_cast %get3A_409 : i32 to index
      %get3A_411 = arith.index_cast %add3A_408 : i32 to index
      %get3A_412 = tpu.vector_load %arg4[%get3A_410, %get3A_411] {strides = array<i32>} : memref<2x16384xf32, #tpu.memory_space<vmem>>, vector<1x16xf32>,
      %get3A_413 = vector.shape_cast %get3A_412 : vector<1x16xf32> to vector<16xf32>
      %max3A_414 = arith.maximumf %max3A_374, %get3A_413 : vector<16xf32>
      %mul3A_415 = arith.constant 128 : i32
      %mul3A_416 = arith.muli %scan3A_281, %mul3A_415 : i32
      %add3A_417 = arith.constant 80 : i32
      %add3A_418 = arith.addi %mul3A_416, %add3A_417 : i32
      %get3A_419 = arith.constant 1 : i32
      %get3A_420 = arith.index_cast %get3A_419 : i32 to index
      %get3A_421 = arith.index_cast %add3A_418 : i32 to index
      %get3A_422 = tpu.vector_load %arg4[%get3A_420, %get3A_421] {strides = array<i32>} : memref<2x16384xf32, #tpu.memory_space<vmem>>, vector<1x16xf32>,
      %get3A_423 = vector.shape_cast %get3A_422 : vector<1x16xf32> to vector<16xf32>
      %max3A_424 = arith.maximumf %max3A_384, %get3A_423 : vector<16xf32>
      %mul3A_425 = arith.constant 128 : i32
      %mul3A_426 = arith.muli %scan3A_281, %mul3A_425 : i32
      %add3A_427 = arith.constant 96 : i32
      %add3A_428 = arith.addi %mul3A_426, %add3A_427 : i32
      %get3A_429 = arith.constant 1 : i32
      %get3A_430 = arith.index_cast %get3A_429 : i32 to index
      %get3A_431 = arith.index_cast %add3A_428 : i32 to index
      %get3A_432 = tpu.vector_load %arg4[%get3A_430, %get3A_431] {strides = array<i32>} : memref<2x16384xf32, #tpu.memory_space<vmem>>, vector<1x16xf32>,
      %get3A_433 = vector.shape_cast %get3A_432 : vector<1x16xf32> to vector<16xf32>
      %max3A_434 = arith.maximumf %max3A_394, %get3A_433 : vector<16xf32>
      %mul3A_435 = arith.constant 128 : i32
      %mul3A_436 = arith.muli %scan3A_281, %mul3A_435 : i32
      %add3A_437 = arith.constant 112 : i32
      %add3A_438 = arith.addi %mul3A_436, %add3A_437 : i32
      %get3A_439 = arith.constant 1 : i32
      %get3A_440 = arith.index_cast %get3A_439 : i32 to index
      %get3A_441 = arith.index_cast %add3A_438 : i32 to index
      %get3A_442 = tpu.vector_load %arg4[%get3A_440, %get3A_441] {strides = array<i32>} : memref<2x16384xf32, #tpu.memory_space<vmem>>, vector<1x16xf32>,
      %get3A_443 = vector.shape_cast %get3A_442 : vector<1x16xf32> to vector<16xf32>
      %max3A_444 = arith.maximumf %max3A_404, %get3A_443 : vector<16xf32>
      scf.yield %max3A_414, %max3A_424, %max3A_434, %max3A_444 : vector<16xf32>, vector<16xf32>, vector<16xf32>, vector<16xf32>
    }
    %scan3A_275 = arith.constant 128 : i32
    %max3A = arith.maximumf %scan3A_274#0, %scan3A_274#1 : vector<16xf32>
    %max3A_276 = arith.maximumf %scan3A_274#2, %scan3A_274#3 : vector<16xf32>
    %max3A_277 = arith.maximumf %max3A, %max3A_276 : vector<16xf32>
    %swap3A = arith.constant 0 : index
    %swap3A_278 = tpu.vector_load %arg6[%swap3A] {strides = array<i32>} : memref<16xf32, #tpu.memory_space<vmem>>, vector<16xf32>,
    %swap3A_279 = vector.shape_cast %swap3A_278 : vector<16xf32> to vector<16xf32>
    %swap3A_280 = vector.shape_cast %max3A_277 : vector<16xf32> to vector<16xf32>
    tpu.vector_store %arg6[%swap3A], %swap3A_280 {strides = array<i32>} : memref<16xf32, #tpu.memory_space<vmem>>, vector<16xf32>,
    "tpu.region"() ({
      %run_scoped3A = tpu.sem_alloc : memref<!tpu.dma_semaphore, #tpu.memory_space<semaphore_mem>>
      %dma_start3A_281 = arith.constant 0 : i32
      %dma_start3A_282 = tpu.memref_slice %arg3[%add3A, %dma_start3A_281] : memref<32x16xf32, #tpu.memory_space<hbm>> -> memref<1x16xf32, #tpu.memory_space<hbm>>
      %dma_start3A_283 = tpu.memref_squeeze %dma_start3A_282 : memref<1x16xf32, #tpu.memory_space<hbm>> -> memref<16xf32, #tpu.memory_space<hbm>>
      %dma_start3A_284 = arith.constant 0 : i32
      %dma_start3A_285 = tpu.memref_slice %arg3[%add3A, %dma_start3A_284] : memref<32x16xf32, #tpu.memory_space<hbm>> -> memref<1x16xf32, #tpu.memory_space<hbm>>
      %dma_start3A_286 = tpu.memref_squeeze %dma_start3A_285 : memref<1x16xf32, #tpu.memory_space<hbm>> -> memref<16xf32, #tpu.memory_space<hbm>>
      tpu.enqueue_dma source(%arg6 : memref<16xf32, #tpu.memory_space<vmem>>) target(%dma_start3A_286 : memref<16xf32, #tpu.memory_space<hbm>>) target_semaphore(%run_scoped3A : memref<!tpu.dma_semaphore, #tpu.memory_space<semaphore_mem>>)
      %dma_wait3A_287 = arith.constant 0 : i32
      %dma_wait3A_288 = tpu.memref_slice %arg3[%add3A, %dma_wait3A_287] : memref<32x16xf32, #tpu.memory_space<hbm>> -> memref<1x16xf32, #tpu.memory_space<hbm>>
      %dma_wait3A_289 = tpu.memref_squeeze %dma_wait3A_288 : memref<1x16xf32, #tpu.memory_space<hbm>> -> memref<16xf32, #tpu.memory_space<hbm>>
      %dma_wait3A_290 = arith.constant 0 : i32
      %dma_wait3A_291 = tpu.memref_slice %arg3[%add3A, %dma_wait3A_290] : memref<32x16xf32, #tpu.memory_space<hbm>> -> memref<1x16xf32, #tpu.memory_space<hbm>>
      %dma_wait3A_292 = tpu.memref_squeeze %dma_wait3A_291 : memref<1x16xf32, #tpu.memory_space<hbm>> -> memref<16xf32, #tpu.memory_space<hbm>>
      tpu.wait_dma2 semaphore(%run_scoped3A : memref<!tpu.dma_semaphore, #tpu.memory_space<semaphore_mem>>) src(%arg6 : memref<16xf32, #tpu.memory_space<vmem>>) dst(%dma_wait3A_292 : memref<16xf32, #tpu.memory_space<hbm>>)
      tpu.yield
    }) : () -> ()
    return
  }
}

module attributes {stable_mosaic.version = 14 : i64} {
  func.func @_tc_body(%arg0: i32, %arg1: memref<1000x2048xf32, #tpu.memory_space<vmem>>, %arg2: memref<2048xi32, #tpu.memory_space<vmem>>, %arg3: memref<2048xf32, #tpu.memory_space<vmem>>, %arg4: memref<1x2xf32, #tpu.memory_space<smem>>, %arg5: memref<2xf32, #tpu.memory_space<smem>>) attributes {dimension_semantics = [#tpu.dimension_semantics<arbitrary>], iteration_bounds = array<i64: 8>, scalar_prefetch = 0 : i64, scratch_operands = 1 : i64, tpu.core_type = #tpu.core_type<tc>, window_params = [{transform_indices = @transform_0, window_bounds = array<i64: 1000, 2048>}, {transform_indices = @transform_1, window_bounds = array<i64: 2048>}, {transform_indices = @transform_2, window_bounds = array<i64: 2048>}, {transform_indices = @transform_3, window_bounds = array<i64: 1, 2>}]} {
    %eq3A = arith.constant 0 : i32
    %eq3A_0 = arith.cmpi eq, %arg0, %eq3A : i32
    %convert_element_type3A = arith.extui %eq3A_0 : i1 to i32
    %cond3A = arith.constant 0 : i32
    %cond3A_1 = arith.cmpi ne, %convert_element_type3A, %cond3A : i32
    scf.if %cond3A_1 {
      %swap3A_44 = arith.constant 0.000000e+00 : f32
      %swap3A_45 = arith.constant 0 : index
      %swap3A_46 = memref.load %arg5[%swap3A_45] : memref<2xf32, #tpu.memory_space<smem>>
      memref.store %swap3A_44, %arg5[%swap3A_45] : memref<2xf32, #tpu.memory_space<smem>>
      %swap3A_47 = arith.constant 0.000000e+00 : f32
      %swap3A_48 = arith.constant 1 : index
      %swap3A_49 = memref.load %arg5[%swap3A_48] : memref<2xf32, #tpu.memory_space<smem>>
      memref.store %swap3A_47, %arg5[%swap3A_48] : memref<2xf32, #tpu.memory_space<smem>>
    } else {
    }
    %get3A = arith.constant 0 : index
    %get3A_2 = arith.constant 0 : index
    %get3A_3 = vector.load %arg1[%get3A, %get3A_2] : memref<1000x2048xf32, #tpu.memory_space<vmem>>, vector<1000x2048xf32>
    %get3A_4 = arith.constant 0 : index
    %get3A_5 = vector.load %arg2[%get3A_4] : memref<2048xi32, #tpu.memory_space<vmem>>, vector<2048xi32>
    %broadcast_in_dim3A = vector.shape_cast %get3A_5 : vector<2048xi32> to vector<1x2048xi32>
    %iota3A = tpu.iota {dimensions = array<i32: 0>} : vector<1000x2048xi32>
    %eq3A_6 = vector.broadcast %broadcast_in_dim3A : vector<1x2048xi32> to vector<1000x2048xi32>
    %eq3A_7 = arith.cmpi eq, %iota3A, %eq3A_6 : vector<1000x2048xi32>
    %jit3A = arith.constant 0.000000e+00 : f32
    %broadcast_in_dim3A_8 = vector.broadcast %jit3A : f32 to vector<1000x2048xf32>
    %select_n3A = arith.select %eq3A_7, %get3A_3, %broadcast_in_dim3A_8 : vector<1000x2048xi1>, vector<1000x2048xf32>
    %reduce_sum3A = arith.constant dense<0.000000e+00> : vector<2048xf32>
    %reduce_sum3A_9 = vector.multi_reduction <add>, %select_n3A, %reduce_sum3A [0] : vector<1000x2048xf32> to vector<2048xf32>
    %jit3A_10 = arith.constant 0xFF800000 : f32
    %broadcast_in_dim3A_11 = vector.broadcast %jit3A_10 : f32 to vector<1000x2048xf32>
    %select_n3A_12 = arith.select %eq3A_7, %broadcast_in_dim3A_11, %get3A_3 : vector<1000x2048xi1>, vector<1000x2048xf32>
    %reduce_max3A = arith.constant dense<0xFF800000> : vector<2048xf32>
    %reduce_max3A_13 = vector.multi_reduction <maximumf>, %select_n3A_12, %reduce_max3A [0] : vector<1000x2048xf32> to vector<2048xf32>
    %get3A_14 = arith.constant 0 : index
    %get3A_15 = memref.load %arg5[%get3A_14] : memref<2xf32, #tpu.memory_space<smem>>
    %sub3A = arith.subf %reduce_sum3A_9, %reduce_max3A_13 : vector<2048xf32>
    %add3A = arith.constant 5.000000e-02 : f32
    %add3A_16 = vector.broadcast %add3A : f32 to vector<2048xf32>
    %add3A_17 = arith.addf %sub3A, %add3A_16 : vector<2048xf32>
    %max3A = arith.constant 0.000000e+00 : f32
    %max3A_18 = vector.broadcast %max3A : f32 to vector<2048xf32>
    %max3A_19 = arith.maximumf %add3A_17, %max3A_18 : vector<2048xf32>
    %reduce_sum3A_20 = vector.shape_cast %max3A_19 : vector<2048xf32> to vector<1x2048xf32>
    %reduce_sum3A_21 = arith.constant dense<0.000000e+00> : vector<1xf32>
    %reduce_sum3A_22 = vector.multi_reduction <add>, %reduce_sum3A_20, %reduce_sum3A_21 [1] : vector<1x2048xf32> to vector<1xf32>
    %reduce_sum3A_23 = vector.shape_cast %reduce_sum3A_22 : vector<1xf32> to vector<1x1xf32>
    %reduce_sum3A_24 = vector.extract %reduce_sum3A_23[0, 0] : f32 from vector<1x1xf32>
    %add3A_25 = arith.addf %get3A_15, %reduce_sum3A_24 : f32
    %swap3A = arith.constant 0 : index
    %swap3A_26 = memref.load %arg5[%swap3A] : memref<2xf32, #tpu.memory_space<smem>>
    memref.store %add3A_25, %arg5[%swap3A] : memref<2xf32, #tpu.memory_space<smem>>
    %get3A_27 = arith.constant 1 : index
    %get3A_28 = memref.load %arg5[%get3A_27] : memref<2xf32, #tpu.memory_space<smem>>
    %get3A_29 = arith.constant 0 : index
    %get3A_30 = vector.load %arg3[%get3A_29] : memref<2048xf32, #tpu.memory_space<vmem>>, vector<2048xf32>
    %reduce_sum3A_31 = vector.shape_cast %get3A_30 : vector<2048xf32> to vector<1x2048xf32>
    %reduce_sum3A_32 = arith.constant dense<0.000000e+00> : vector<1xf32>
    %reduce_sum3A_33 = vector.multi_reduction <add>, %reduce_sum3A_31, %reduce_sum3A_32 [1] : vector<1x2048xf32> to vector<1xf32>
    %reduce_sum3A_34 = vector.shape_cast %reduce_sum3A_33 : vector<1xf32> to vector<1x1xf32>
    %reduce_sum3A_35 = vector.extract %reduce_sum3A_34[0, 0] : f32 from vector<1x1xf32>
    %add3A_36 = arith.addf %get3A_28, %reduce_sum3A_35 : f32
    %swap3A_37 = arith.constant 1 : index
    %swap3A_38 = memref.load %arg5[%swap3A_37] : memref<2xf32, #tpu.memory_space<smem>>
    memref.store %add3A_36, %arg5[%swap3A_37] : memref<2xf32, #tpu.memory_space<smem>>
    %eq3A_39 = arith.constant 7 : i32
    %eq3A_40 = arith.cmpi eq, %arg0, %eq3A_39 : i32
    %convert_element_type3A_41 = arith.extui %eq3A_40 : i1 to i32
    %cond3A_42 = arith.constant 0 : i32
    %cond3A_43 = arith.cmpi ne, %convert_element_type3A_41, %cond3A_42 : i32
    scf.if %cond3A_43 {
      %get3A_44 = arith.constant 0 : index
      %get3A_45 = memref.load %arg5[%get3A_44] : memref<2xf32, #tpu.memory_space<smem>>
      %swap3A_46 = arith.constant 0 : index
      %swap3A_47 = arith.constant 0 : index
      %swap3A_48 = memref.load %arg4[%swap3A_46, %swap3A_47] : memref<1x2xf32, #tpu.memory_space<smem>>
      memref.store %get3A_45, %arg4[%swap3A_46, %swap3A_47] : memref<1x2xf32, #tpu.memory_space<smem>>
      %get3A_49 = arith.constant 1 : index
      %get3A_50 = memref.load %arg5[%get3A_49] : memref<2xf32, #tpu.memory_space<smem>>
      %swap3A_51 = arith.constant 0 : index
      %swap3A_52 = arith.constant 1 : index
      %swap3A_53 = memref.load %arg4[%swap3A_51, %swap3A_52] : memref<1x2xf32, #tpu.memory_space<smem>>
      memref.store %get3A_50, %arg4[%swap3A_51, %swap3A_52] : memref<1x2xf32, #tpu.memory_space<smem>>
    } else {
    }
    return
  }
  func.func @transform_0(%arg0: i32) -> (i32, i32) {
    %c0_i32 = arith.constant 0 : i32
    %c0_i32_0 = arith.constant 0 : i32
    return %c0_i32, %arg0 : i32, i32
  }
  func.func @transform_1(%arg0: i32) -> i32 {
    %c0_i32 = arith.constant 0 : i32
    return %arg0 : i32
  }
  func.func @transform_2(%arg0: i32) -> i32 {
    %c0_i32 = arith.constant 0 : i32
    return %arg0 : i32
  }
  func.func @transform_3(%arg0: i32) -> (i32, i32) {
    %c0_i32 = arith.constant 0 : i32
    %c0_i32_0 = arith.constant 0 : i32
    %c0_i32_1 = arith.constant 0 : i32
    return %c0_i32, %c0_i32_0 : i32, i32
  }
}

</mosaic_0001>

<sc_bundles>
// kernel: kernel.4.cloned.1.call-start
scs
__scs_entry_jumppad:
0x0: {  	(pc) =	sbr.rel $0x88, $3  }
0x1: {  	(tag) =	ssettag $0x0;
	lr =	simm.s32 $0x1  }
0x2: {  	[smem:$0x3F9D] =	sst lr;
	_ =	strace $0xD0000000  }
0x3: {  	_ = 	snop  }
0x4: {  	_ = 	snop  }
0x5: {  	_ = 	snop  }
0x6: {  	_ = 	snop  }
0x7: {  	_ = 	snop  }
__scs_overlays_trampoline_lowered:
0x8: {  	[smem:$0x3FAC] =	sst s0  }
0x9: {  	[smem:$0x3FAD] =	sst s1  }
0xa: {  	[smem:$0x3FAE] =	sst s2  }
0xb: {  	[smem:$0x3FAF] =	sst s3  }
0xc: {  	[smem:$0x3FB0] =	sst s4  }
0xd: {  	[smem:$0x3FB1] =	sst s5  }
0xe: {  	[smem:$0x3FB2] =	sst s6  }
0xf: {  	[smem:$0x3FB3] =	sst s7  }
0x10: {  	[smem:$0x3FB4] =	sst s8  }
0x11: {  	[smem:$0x3FB5] =	sst s9;
	s0 =	simm.s32 @!p0 $0x0  }
0x12: {  	s1 =	sld [smem:$0x3F9B];
	s0 =	simm.s32 @p0 $0x1  }
0x13: {  	[smem:$0x3FB6] =	sst s0;
	s0 =	simm.s32 @!p1 $0x0  }
0x14: {  	s2 =	sld [smem:$0x3F9A];
	s0 =	simm.s32 @p1 $0x1  }
0x15: {  	[smem:$0x3FB7] =	sst s0;
	s0 =	simm.s32 @!p2 $0x0  }
0x16: {  	s3 =	sld [smem:$0x3FDB];
	s0 =	simm.s32 @p2 $0x1  }
0x17: {  	s4 =	simm.s32 $0x1BF5;
	[smem:$0x3FB9] =	sst s0  }
0x18: {  	s0 =	sld [smem:$0x3F9C];
	_ =	swait.ge [sflag:s4], $0x0  }
0x19: {  	s7 =	sld [smem:$0x3F9D]  }
0x1a: {  	s8 =	sadd.s32 $0xFFFFE003, lr  }
0x1b: {  	s9 =	sadd.s32 $0xFFFFFEF7, lr;
	s5 =	simm.s32 $0xFFFFFFFF;
	p2 =	slt.u32 s8, $0xFFFFF086  }
0x1c: {  	p1 =	slt.u32 s9, $0xF7A;
	s5 =	simm.s32 @!p2 $0x0  }
0x1d: {  	s5 =	simm.s32 @p1 $0x1;
	p0 =	seq.s32 s7, s2  }
0x1e: {  	s7 =	smul.u32 @!p0 $0xF7A, s2;
	p2 =	seq.s32 @!p0 s5, $0x0  }
0x1f: {  	s9 =	smul.u32 $0xF7A, s1;
	s8 =	simm.s32 @!p0 $0x1BF5;
	p2 =	por !p2, p0  }
0x20: {  	[sflag:s8] =	ssyncset.s32 @!p0 $0xFFFFF086;
	s6 =	sadd.s32 @!p0 s3, s7;
	s7 =	simm.s32 @!p0 $0x108  }
0x21: {  	s3 =	sadd.s32 s3, s9;
	s6 =	sadd.s32 @!p0 $0x88, s6;
	s7 =	simm.s32 @p2 $0x1082  }
0x22: {  	[simem:s7], [sflag:s8] =	dma.local @!p0 [hbm:s6], $0xF7A  }
0x23: {  	s9 =	sor.u32 $0xD0000000, s2;
	s6 =	simm.s32 $0x108;
	_ =	swait.ge @!p0 [sflag:s8], $0x0  }
0x24: {  	s3 =	sadd.s32 $0x88, s3;
	s6 =	simm.s32 @!p1 $0x1082;
	[sflag:s4] =	ssyncset.s32 $0xFFFFF086  }
0x25: {  	[simem:s6], [sflag:s4] =	dma.local [hbm:s3], $0xF7A  }
0x26: {  	[smem:$0x3F9D] =	sst s1;
	(tag) =	ssettag s2;
	_ =	strace s9  }
0x27: {  	s1 =	sld [smem:$0x3FAD]  }
0x28: {  	s2 =	sld [smem:$0x3FAE]  }
0x29: {  	s4 =	sld [smem:$0x3FB0]  }
0x2a: {  	p0 =	seq.s32 s5, $0x0;
	s5 =	sld [smem:$0x3FB1]  }
0x2b: {  	s6 =	sld [smem:$0x3FB2]  }
0x2c: {  	s7 =	sld [smem:$0x3FB3]  }
0x2d: {  	s3 =	simm.s32 $0x108;
	s8 =	sld [smem:$0x3FB4]  }
0x2e: {  	s3 =	simm.s32 @!p0 $0x1082;
	s9 =	sld [smem:$0x3FB5]  }
0x2f: {  	lr =	sadd.s32 s0, s3;
	s0 =	sld [smem:$0x3FAC]  }
0x30: {  	s3 =	sld [smem:$0x3FAF]  }
0x31: {  	[smem:$0x3FB8] =	sst s10  }
0x32: {  	s10 =	sld [smem:$0x3FB6];
	_ =	sdelay $0x3  }
0x33: {  	p0 =	seq.s32 s10, $0x1;
	s10 =	sld [smem:$0x3FB8];
	_ =	sdelay $0x3  }
0x34: {  	[smem:$0x3FB8] =	sst s10  }
0x35: {  	s10 =	sld [smem:$0x3FB7];
	_ =	sdelay $0x3  }
0x36: {  	p1 =	seq.s32 s10, $0x1;
	s10 =	sld [smem:$0x3FB8];
	_ =	sdelay $0x3  }
0x37: {  	[smem:$0x3FB8] =	sst s10  }
0x38: {  	s10 =	sld [smem:$0x3FB9]  }
0x39: {  	_ = 	snop;
	(pc) =	sbr.ind lr, $3  }
0x3a: {  	_ = 	snop  }
0x3b: {  	_ = 	snop  }
0x3c: {  	p2 =	seq.s32 s10, $0x1;
	s10 =	sld [smem:$0x3FB8]  }
0x3d: {  	_ =	shalt  }
0x3e: {  	_ =	shalt  }
0x3f: {  	_ =	shalt  }
0x40: {  	_ =	shalt  }
0x41: {  	_ =	shalt  }
0x42: {  	_ =	shalt  }
0x43: {  	_ =	shalt  }
0x44: {  	_ =	shalt  }
0x45: {  	_ =	shalt  }
0x46: {  	_ =	shalt  }
0x47: {  	_ =	shalt  }
0x48: {  	_ =	shalt  }
0x49: {  	_ =	shalt  }
0x4a: {  	_ =	shalt  }
0x4b: {  	_ =	shalt  }
0x4c: {  	_ =	shalt  }
0x4d: {  	_ =	shalt  }
0x4e: {  	_ =	shalt  }
0x4f: {  	_ =	shalt  }
0x50: {  	_ =	shalt  }
0x51: {  	_ =	shalt  }
0x52: {  	_ =	shalt  }
0x53: {  	_ =	shalt  }
0x54: {  	_ =	shalt  }
0x55: {  	_ =	shalt  }
0x56: {  	_ =	shalt  }
0x57: {  	_ =	shalt  }
0x58: {  	_ =	shalt  }
0x59: {  	_ =	shalt  }
0x5a: {  	_ =	shalt  }
0x5b: {  	_ =	shalt  }
0x5c: {  	_ =	shalt  }
0x5d: {  	_ =	shalt  }
0x5e: {  	_ =	shalt  }
0x5f: {  	_ =	shalt  }
0x60: {  	_ =	shalt  }
0x61: {  	_ =	shalt  }
0x62: {  	_ =	shalt  }
0x63: {  	_ =	shalt  }
0x64: {  	_ =	shalt  }
0x65: {  	_ =	shalt  }
0x66: {  	_ =	shalt  }
0x67: {  	_ =	shalt  }
0x68: {  	_ =	shalt  }
0x69: {  	_ =	shalt  }
0x6a: {  	_ =	shalt  }
0x6b: {  	_ =	shalt  }
0x6c: {  	_ =	shalt  }
0x6d: {  	_ =	shalt  }
0x6e: {  	_ =	shalt  }
0x6f: {  	_ =	shalt  }
0x70: {  	_ =	shalt  }
0x71: {  	_ =	shalt  }
0x72: {  	_ =	shalt  }
0x73: {  	_ =	shalt  }
0x74: {  	_ =	shalt  }
0x75: {  	_ =	shalt  }
0x76: {  	_ =	shalt  }
0x77: {  	_ =	shalt  }
0x78: {  	_ =	shalt  }
0x79: {  	_ =	shalt  }
0x7a: {  	_ =	shalt  }
0x7b: {  	_ =	shalt  }
0x7c: {  	_ =	shalt  }
0x7d: {  	_ =	shalt  }
0x7e: {  	_ =	shalt  }
0x7f: {  	_ =	shalt  }
0x80: {  	_ =	shalt  }
0x81: {  	_ =	shalt  }
0x82: {  	_ =	shalt  }
0x83: {  	_ =	shalt  }
0x84: {  	_ =	shalt  }
0x85: {  	_ =	shalt  }
0x86: {  	_ =	shalt  }
0x87: {  	_ =	shalt  }
.Lfunc_end0:
.L_simem_size_0:
called_computation_lowered:
.L_overlay_start_0:
0x88: {  	s2 =	sld [smem:$0x3FD9]  }
0x89: {  	s3 =	sld [smem:$0x3FFE];
	_ =	sdelay $0x1  }
0x8a: {  	s1 =	srdreg.scid  }
0x8b: {  	s0 =	sand.u32 $0x1, s1  }
0x8c: {  	s17 =	sshll.u32 s0, $0xA;
	s2 =	sadd.s32 s3, s2  }
0x8d: {  	s2 =	sadd.s32 s2, s17  }
0x8e: {  	[smem:$0x3FC4] =	sst s2  }
0x8f: {  	_ = 	snop  }
0x90: {  	s2 =	sld [smem:$0x3FC8];
	(tm) =	ssettm $0x1  }
0x91: {  	s18 =	sld [smem:$0x3FFB];
	_ =	sdelay $0x3  }
0x92: {  	_ =	strace s18  }
0x93: {  	s3 =	sld [smem:$0x3FFC];
	_ =	sdelay $0x3  }
0x94: {  	_ =	strace s3  }
0x95: {  	s3 =	sld [smem:$0x3FFD];
	_ =	sdelay $0x3  }
0x96: {  	_ =	strace s3  }
0x97: {  	_ =	strace $0x8FFFFFFF  }
0x98: {  	s19 =	sld [smem:$0x3FDB];
	_ =	sdelay $0x1  }
0x99: {  	s4 =	simm.s32 $_scs_section_size  }
0x9a: {  	s5 =	simm.s32 $_size__tile_overlayer_lowered;
	s6 =	simm.s32 $_tile_overlayer_lowered  }
0x9b: {  	s22 =	simm.s32 $0x1BFF;
	s21 =	sshll.u32 s6, $0x1;
	s3 =	sadd.s32 s4, s19  }
0x9c: {  	s7 =	simm.s32 $0x0;
	s20 =	sshll.u32 s5, $0x1;
	s5 =	sadd.s32 s21, s3  }
0x9d: {  	[timem:s7], [sflag:s22] =	dma.local [hbm:s5], s20  }
0x9e: {  	_ =	swait.ge [sflag:s22], s20  }
0x9f: {  	s4 =	ssub.s32 $0x0, s20;
	[sflag:s22] =	ssyncset.done $0x0  }
0xa0: {  	[sflag:s22] =	ssyncadd.s32 s4;
	_ =	sdelay $0x1  }
0xa1: {  	s23 =	simm.s32 $0x1B8B  }
0xa2: {  	_ =	swait.ge [sflag:s23], $0x1  }
0xa3: {  	[sflag:s23] =	ssyncset.done $0x0  }
0xa4: {  	s25 =	simm.s32 $0x1B8E;
	s24 =	sld [smem:$0x3FFE];
	[sflag:s23] =	ssyncadd.s32 $0xFFFFFFFF  }
0xa5: {  	s26 =	simm.s32 $execute0_lowered;
	[smem:$0x3FD2] =	sst s25  }
0xa6: {  	s5 =	sshll.u32 s26, $0x1;
	_ =	strace $0x80000046;
	[dreg:$0x1] =	wrdreg $0xFFFFFFFF  }
0xa7: {  	s28 =	simm.s32 $_size_execute0_lowered;
	s3 =	sadd.s32 s3, s5;
	[dreg:$0x0] =	wrdreg $0x0  }
0xa8: {  	s5 =	sshll.u32 s28, $0x1;
	[dreg:$0x2] =	wrdreg s3  }
0xa9: {  	[dreg:$0x3] =	wrdreg s5  }
0xaa: {  	[dreg:$0x4] =	wrdreg $0xC0  }
0xab: {  	_ =	task [dreg:s7], $0x5FFFF  }
0xac: {  	[dreg:$0x1] =	wrdreg $0xFFFFFFFF  }
0xad: {  	[dreg:$0x0] =	wrdreg $0x60  }
0xae: {  	[dreg:$0x2] =	wrdreg s2  }
0xaf: {  	[dreg:$0x3] =	wrdreg s24  }
0xb0: {  	[dreg:$0x4] =	wrdreg $0x9  }
0xb1: {  	_ =	task.clear_ibuf [dreg:s7], $0x5FFFF;
	_ =	strace $0x90000046  }
0xb2: {  	s29 =	simm.s32 $0x9;
	_ =	strace $0x80000048  }
0xb3: {  	_ =	swait.ge [sflag:s29], $0x1  }
0xb4: {  	[sflag:s29] =	ssyncadd.s32 $0xFFFFFFFF  }
0xb5: {  	_ =	strace $0x90000048  }
0xb6: {  	_ =	sfence  }
0xb7: {  	s30 =	sld [smem:$0x0];
	_ =	sdelay $0x2  }
0xb8: {  	s31 =	sshll.u32 s1, $0xD;
	s1 =	sshrl.u32 s1, $0x2  }
0xb9: {  	s3 =	sand.u32 $0x4000, s31;
	s1 =	sadd.s32 s1, s30  }
0xba: {  	s0 =	sor.u32 s3, s0;
	s1 =	sshll.u32 s1, $0x11  }
0xbb: {  	s0 =	sor.u32 s1, s0  }
0xbc: {  	s0 =	sadd.s32 $0x8F2B, s0  }
0xbd: {  	[sflag:s0] =	ssyncadd.remote.s32 $0x1  }
0xbe: {  	_ =	sfence.sel $0xFFFF  }
0xbf: {  	[dreg:$0x0] =	wrdreg $0xFFFFFFFF;
	(pc) =	sbr.abs _section_cstart, $3  }
0xc0: {  	[dreg:$0x1] =	wrdreg $0xFFFFFFFF  }
0xc1: {  	_ =	task.clear_ibuf [dreg:s7], $0x2FFFF;
	_ =	strace $0x9FFFFFFF  }
0xc2: {  	(tm) =	ssettm $0x7FFFFFFF  }
0xc3: {  	_ =	shalt  }
tec
execute0_lowered:
.L_overlay_start_1:
0x0: {  	(tag) =	ssettag $0x1  }
0x1: {  	s14 =	rddreg [dreg:$0x0]  }
0x2: {  	s3 =	rddreg [dreg:$0x1]  }
0x3: {  	s0 =	rddreg [dreg:$0x2]  }
0x4: {  	s4 =	srdreg.scid;
	s1 =	stileid.u32;
	s2 =	simm.s32 $0x0  }
0x5: {  	s20 =	simm.s32 $0x8000;
	s21 =	simm.s32 $0x1;
	s22 =	simm.s32 $0x2  }
0x6: {  	s23 =	simm.s32 $0x10000;
	s24 =	simm.s32 $0x3;
	s25 =	simm.s32 $0x0  }
0x7: {  	s4 =	sand.u32 $0x1, s4;
	s5 =	sshll.u32 s1, $0x1;
	[smem:$0x7FF] =	sst s2  }
0x8: {  	s30 =	sshll.u32 s1, $0xD;
	p0 =	slt.u32 s1, $0x4;
	s13 =	sor.u32 s4, s5  }
0x9: {  	_ =	strace $0x80000047;
	s4 =	ssub.s32 $0x2, s4;
	s5 =	sshll.u32 s13, $0x4  }
0xa: {  	s31 =	sshll.u32 s13, $0x5;
	s6 =	sshrl.u32 s4, $0x1;
	s10 =	sor.u32 $0x180, s13  }
0xb: {  	s16 =	sadd.s32 s5, s3;
	s3 =	sand.u32 $0x1C000, s30;
	s5 =	sand.u32 $0x60, s31  }
0xc: {  	s17 =	ssub.s32 s4, s6;
	s13 =	smov.u32 @p0 s10;
	s7 =	sadd.s32 s14, s3  }
0xd: {  	s8 =	sor.u32 s5, s3;
	s18 =	sshll.u32 s13, $0x5;
	s19 =	sshll.u32 s13, $0xC  }
0xe: {  	s16 =	sadd.s32 $0x600, s16;
	s17 =	smax.u32 s17, $0x1;
	s3 =	sadd.s32 s5, s7  }
0xf: {  	s15 =	sadd.s32 s8, s14;
	s18 =	sand.u32 $0x60, s18;
	s19 =	sand.u32 $0x19C000, s19  }
0x10: {  	s4 =	sadd.s32 $0x20000, s15;
	s5 =	sadd.s32 $0x40000, s15;
	s6 =	sadd.s32 $0x60000, s15  }
0x11: {  	s7 =	sadd.s32 $0x80000, s15;
	s8 =	sadd.s32 $0xA0000, s15;
	s9 =	sadd.s32 $0xC0000, s15  }
0x12: {  	s10 =	sadd.s32 $0xE0000, s15;
	s11 =	sadd.s32 $0x100000, s15;
	s12 =	sadd.s32 $0x120000, s15  }
0x13: {  	s13 =	sadd.s32 $0x140000, s15;
	s18 =	sadd.s32 s14, s18;
	s14 =	sadd.s32 $0x160000, s15  }
0x14: {  	s15 =	sadd.s32 s19, s18;
	s18 =	simm.s32 $0x100;
	s19 =	simm.s32 $0x400  }
.LBB2_1:
0x15: {  	[tilespmem:s2], [sflag:$0x1] =	stream.strided.gather [hbm4b:s3+s18], $0x8000, s19, s18, $0x38;
	[tilespmem:$0x10080] =	vst v63  }
0x16: {  	_ = 	snop  }
0x17: {  	[tilespmem:s20], [sflag:$0x2] =	stream.strided.gather [hbm4b:s4+s18], $0x8000, s19, s18, $0x38;
	[tilespmem:$0x10080] =	vst v63  }
0x18: {  	_ =	swait.ge [sflag:s21], $0x8000  }
0x19: {  	[sflag:s21] =	ssyncset.done $0x0  }
0x1a: {  	s26 =	simm.s32 $0x0;
	[sflag:s21] =	ssyncadd.s32 $0xFFFF8000  }
0x1b: {  	v6 =	vld [tilespmem:s26+$0xC0]  }
0x1c: {  	v0 =	vld [tilespmem:s26+$0xD0]  }
0x1d: {  	v2 =	vld [tilespmem:s26+$0xE0]  }
0x1e: {  	v12 =	vld [tilespmem:s26+$0x80]  }
0x1f: {  	v4 =	vld [tilespmem:s26+$0x90]  }
0x20: {  	v8 =	vld [tilespmem:s26+$0xA0]  }
0x21: {  	v9 =	vld [tilespmem:s26+$0x40]  }
0x22: {  	v10 =	vld [tilespmem:s26+$0x50]  }
0x23: {  	v13 =	vld [tilespmem:s26+$0x0]  }
0x24: {  	v14 =	vld [tilespmem:s26+$0x60]  }
0x25: {  	v5 =	vimm.f32 $-Inf;
	v18 =	vld [tilespmem:s26+$0x10]  }
0x26: {  	s28 =	simm.s32 $0x400;
	v15 =	vimm.f32 $-Inf;
	v16 =	vimm.f32 $-Inf;
	v17 =	vimm.f32 $-Inf;
	v20 =	vld [tilespmem:s26+$0x20]  }
.LBB2_2:
0x27: {  	p0 =	sne.s32 s28, $0x1FC00;
	v1 =	vld [tilespmem:s26+$0x30]  }
0x28: {  	v3 =	vmax.f32 v5, v13;
	v7 =	vld [tilespmem:s26+$0x70]  }
0x29: {  	v3 =	vmax.f32 v3, v9;
	v9 =	vld [tilespmem:s26+$0xB0]  }
0x2a: {  	v3 =	vmax.f32 v3, v12;
	v11 =	vld [tilespmem:s26+$0xF0];
	s26 =	sshra.s32 s28, $0x2  }
0x2b: {  	v5 =	vmax.f32 v3, v6;
	v6 =	vld [tilespmem:s26+$0xC0]  }
0x2c: {  	v12 =	vmax.f32 v15, v18;
	v13 =	vmax.f32 v16, v20;
	v3 =	vld [tilespmem:s26+$0xD0];
	v1 =	vmax.f32 v17, v1  }
0x2d: {  	v10 =	vmax.f32 v12, v10;
	v13 =	vmax.f32 v13, v14;
	v18 =	vld [tilespmem:s26+$0xE0];
	v1 =	vmax.f32 v1, v7  }
0x2e: {  	v7 =	vmax.f32 v10, v4;
	v8 =	vmax.f32 v13, v8;
	v12 =	vld [tilespmem:s26+$0x80];
	v1 =	vmax.f32 v1, v9  }
0x2f: {  	v15 =	vmax.f32 v7, v0;
	v16 =	vmax.f32 v8, v2;
	v4 =	vld [tilespmem:s26+$0x90];
	v17 =	vmax.f32 v1, v11  }
0x30: {  	v8 =	vld [tilespmem:s26+$0xA0]  }
0x31: {  	v9 =	vld [tilespmem:s26+$0x40];
	v0 =	vmov v3  }
.Ltmp0:
0x32: {  	v10 =	vld [tilespmem:s26+$0x50];
	v2 =	vmov v18;
	(pc) =	sbr.rel @p0 .LBB2_2-.Ltmp0, $4  }
0x33: {  	v13 =	vld [tilespmem:s26+$0x0]  }
0x34: {  	v14 =	vld [tilespmem:s26+$0x60]  }
0x35: {  	v18 =	vld [tilespmem:s26+$0x10]  }
0x36: {  	s28 =	sadd.s32 $0x400, s28;
	v20 =	vld [tilespmem:s26+$0x20]  }
0x37: {  	v21 =	vld [tilespmem:s26+$0x30]  }
0x38: {  	v23 =	vld [tilespmem:s26+$0x70]  }
0x39: {  	v24 =	vld [tilespmem:s26+$0xB0];
	s31 =	simm.s32 $0x0  }
0x3a: {  	v25 =	vld [tilespmem:s26+$0xF0];
	[tilespmem:s31], [sflag:$0x1] =	stream.strided.gather [hbm4b:s5+s18], $0x8000, s19, s18, $0x38  }
0x3b: {  	_ =	swait.ge [sflag:s22], $0x8000  }
0x3c: {  	[sflag:s22] =	ssyncset.done $0x0  }
0x3d: {  	s26 =	simm.s32 $0x0;
	[sflag:s22] =	ssyncadd.s32 $0xFFFF8000  }
0x3e: {  	v7 =	vld [tilespmem:s26+$0x80C0]  }
0x3f: {  	v1 =	vld [tilespmem:s26+$0x80D0]  }
0x40: {  	v3 =	vld [tilespmem:s26+$0x80E0]  }
0x41: {  	v11 =	vld [tilespmem:s26+$0x8080]  }
0x42: {  	v13 =	vmax.f32 v5, v13;
	v5 =	vld [tilespmem:s26+$0x8090]  }
0x43: {  	v13 =	vmax.f32 v13, v9;
	v9 =	vld [tilespmem:s26+$0x80A0]  }
0x44: {  	v12 =	vmax.f32 v13, v12;
	v19 =	vld [tilespmem:s26+$0x8040]  }
0x45: {  	v12 =	vmax.f32 v12, v6;
	v13 =	vld [tilespmem:s26+$0x8050]  }
0x46: {  	v6 =	vmax.f32 v15, v18;
	v15 =	vmax.f32 v16, v20;
	v16 =	vmax.f32 v17, v21;
	v22 =	vld [tilespmem:s26+$0x8000]  }
0x47: {  	v6 =	vmax.f32 v6, v10;
	v10 =	vmax.f32 v15, v14;
	v15 =	vld [tilespmem:s26+$0x8060];
	v14 =	vmax.f32 v16, v23  }
0x48: {  	v20 =	vld [tilespmem:s26+$0x8010];
	v4 =	vmax.f32 v6, v4;
	v6 =	vmax.f32 v10, v8;
	v8 =	vmax.f32 v14, v24  }
0x49: {  	s28 =	simm.s32 $0x400;
	v21 =	vld [tilespmem:s26+$0x8020];
	v16 =	vmax.f32 v4, v0;
	v17 =	vmax.f32 v6, v2;
	v18 =	vmax.f32 v8, v25  }
.LBB2_4:
0x4a: {  	p0 =	sne.s32 s28, $0x1FC00;
	v0 =	vld [tilespmem:s26+$0x8030]  }
0x4b: {  	v2 =	vmax.f32 v12, v22;
	v4 =	vld [tilespmem:s26+$0x8070]  }
0x4c: {  	v2 =	vmax.f32 v2, v19;
	v6 =	vld [tilespmem:s26+$0x80B0]  }
0x4d: {  	v2 =	vmax.f32 v2, v11;
	v8 =	vld [tilespmem:s26+$0x80F0];
	s26 =	sshra.s32 s28, $0x2  }
0x4e: {  	v12 =	vmax.f32 v2, v7;
	v7 =	vld [tilespmem:s26+$0x80C0]  }
0x4f: {  	v10 =	vmax.f32 v16, v20;
	v11 =	vmax.f32 v17, v21;
	v2 =	vld [tilespmem:s26+$0x80D0];
	v0 =	vmax.f32 v18, v0  }
0x50: {  	v10 =	vmax.f32 v10, v13;
	v13 =	vmax.f32 v11, v15;
	v14 =	vld [tilespmem:s26+$0x80E0];
	v0 =	vmax.f32 v0, v4  }
0x51: {  	v4 =	vmax.f32 v10, v5;
	v9 =	vmax.f32 v13, v9;
	v11 =	vld [tilespmem:s26+$0x8080];
	v0 =	vmax.f32 v0, v6  }
0x52: {  	v16 =	vmax.f32 v4, v1;
	v17 =	vmax.f32 v9, v3;
	v5 =	vld [tilespmem:s26+$0x8090];
	v18 =	vmax.f32 v0, v8  }
0x53: {  	v9 =	vld [tilespmem:s26+$0x80A0]  }
0x54: {  	v19 =	vld [tilespmem:s26+$0x8040];
	v1 =	vmov v2  }
.Ltmp1:
0x55: {  	v13 =	vld [tilespmem:s26+$0x8050];
	v3 =	vmov v14;
	(pc) =	sbr.rel @p0 .LBB2_4-.Ltmp1, $4  }
0x56: {  	v22 =	vld [tilespmem:s26+$0x8000]  }
0x57: {  	v15 =	vld [tilespmem:s26+$0x8060]  }
0x58: {  	v20 =	vld [tilespmem:s26+$0x8010]  }
0x59: {  	s28 =	sadd.s32 $0x400, s28;
	v21 =	vld [tilespmem:s26+$0x8020]  }
0x5a: {  	v23 =	vld [tilespmem:s26+$0x8030]  }
0x5b: {  	v24 =	vld [tilespmem:s26+$0x8070]  }
0x5c: {  	v25 =	vld [tilespmem:s26+$0x80B0]  }
0x5d: {  	v26 =	vld [tilespmem:s26+$0x80F0];
	[tilespmem:s20], [sflag:$0x2] =	stream.strided.gather [hbm4b:s6+s18], $0x8000, s19, s18, $0x38  }
0x5e: {  	_ =	swait.ge [sflag:s21], $0x8000  }
0x5f: {  	[sflag:s21] =	ssyncset.done $0x0  }
0x60: {  	s26 =	simm.s32 $0x0;
	[sflag:s21] =	ssyncadd.s32 $0xFFFF8000  }
0x61: {  	v6 =	vld [tilespmem:s26+$0xC0]  }
0x62: {  	v0 =	vld [tilespmem:s26+$0xD0]  }
0x63: {  	v2 =	vld [tilespmem:s26+$0xE0]  }
0x64: {  	v10 =	vld [tilespmem:s26+$0x80]  }
0x65: {  	v8 =	vmax.f32 v12, v22;
	v4 =	vld [tilespmem:s26+$0x90]  }
0x66: {  	v12 =	vmax.f32 v8, v19;
	v8 =	vld [tilespmem:s26+$0xA0]  }
0x67: {  	v11 =	vmax.f32 v12, v11;
	v19 =	vld [tilespmem:s26+$0x40]  }
0x68: {  	v14 =	vmax.f32 v11, v7;
	v12 =	vld [tilespmem:s26+$0x50]  }
0x69: {  	v7 =	vmax.f32 v16, v20;
	v11 =	vmax.f32 v17, v21;
	v22 =	vld [tilespmem:s26+$0x0];
	v16 =	vmax.f32 v18, v23  }
0x6a: {  	v20 =	vld [tilespmem:s26+$0x10];
	v7 =	vmax.f32 v7, v13;
	v11 =	vmax.f32 v11, v15;
	v13 =	vmax.f32 v16, v24  }
0x6b: {  	v21 =	vld [tilespmem:s26+$0x20];
	v5 =	vmax.f32 v7, v5;
	v7 =	vmax.f32 v11, v9;
	v9 =	vmax.f32 v13, v25  }
0x6c: {  	s28 =	simm.s32 $0x400;
	v15 =	vld [tilespmem:s26+$0x60];
	v16 =	vmax.f32 v5, v1;
	v17 =	vmax.f32 v7, v3;
	v18 =	vmax.f32 v9, v26  }
.LBB2_6:
0x6d: {  	p0 =	sne.s32 s28, $0x1FC00;
	v1 =	vld [tilespmem:s26+$0x30]  }
0x6e: {  	v3 =	vmax.f32 v14, v22;
	v5 =	vld [tilespmem:s26+$0x70]  }
0x6f: {  	v3 =	vmax.f32 v3, v19;
	v7 =	vld [tilespmem:s26+$0xB0]  }
0x70: {  	v3 =	vmax.f32 v3, v10;
	v9 =	vld [tilespmem:s26+$0xF0];
	s26 =	sshra.s32 s28, $0x2  }
0x71: {  	v14 =	vmax.f32 v3, v6;
	v6 =	vld [tilespmem:s26+$0xC0]  }
0x72: {  	v10 =	vmax.f32 v16, v20;
	v11 =	vmax.f32 v17, v21;
	v3 =	vld [tilespmem:s26+$0xD0];
	v1 =	vmax.f32 v18, v1  }
0x73: {  	v12 =	vmax.f32 v10, v12;
	v11 =	vmax.f32 v11, v15;
	v13 =	vld [tilespmem:s26+$0xE0];
	v1 =	vmax.f32 v1, v5  }
0x74: {  	v5 =	vmax.f32 v12, v4;
	v8 =	vmax.f32 v11, v8;
	v10 =	vld [tilespmem:s26+$0x80];
	v1 =	vmax.f32 v1, v7  }
0x75: {  	v16 =	vmax.f32 v5, v0;
	v17 =	vmax.f32 v8, v2;
	v4 =	vld [tilespmem:s26+$0x90];
	v18 =	vmax.f32 v1, v9  }
0x76: {  	v8 =	vld [tilespmem:s26+$0xA0]  }
0x77: {  	v19 =	vld [tilespmem:s26+$0x40];
	v0 =	vmov v3  }
.Ltmp2:
0x78: {  	v12 =	vld [tilespmem:s26+$0x50];
	v2 =	vmov v13;
	(pc) =	sbr.rel @p0 .LBB2_6-.Ltmp2, $4  }
0x79: {  	v22 =	vld [tilespmem:s26+$0x0]  }
0x7a: {  	v15 =	vld [tilespmem:s26+$0x60]  }
0x7b: {  	v20 =	vld [tilespmem:s26+$0x10]  }
0x7c: {  	s28 =	sadd.s32 $0x400, s28;
	v21 =	vld [tilespmem:s26+$0x20]  }
0x7d: {  	v23 =	vld [tilespmem:s26+$0x30]  }
0x7e: {  	v24 =	vld [tilespmem:s26+$0x70]  }
0x7f: {  	v25 =	vld [tilespmem:s26+$0xB0];
	s31 =	simm.s32 $0x0  }
0x80: {  	v26 =	vld [tilespmem:s26+$0xF0];
	[tilespmem:s31], [sflag:$0x1] =	stream.strided.gather [hbm4b:s7+s18], $0x8000, s19, s18, $0x38  }
0x81: {  	_ =	swait.ge [sflag:s22], $0x8000  }
0x82: {  	[sflag:s22] =	ssyncset.done $0x0  }
0x83: {  	s26 =	simm.s32 $0x0;
	[sflag:s22] =	ssyncadd.s32 $0xFFFF8000  }
0x84: {  	v7 =	vld [tilespmem:s26+$0x80C0]  }
0x85: {  	v1 =	vld [tilespmem:s26+$0x80D0]  }
0x86: {  	v3 =	vld [tilespmem:s26+$0x80E0]  }
0x87: {  	v11 =	vld [tilespmem:s26+$0x8080]  }
0x88: {  	v9 =	vmax.f32 v14, v22;
	v5 =	vld [tilespmem:s26+$0x8090]  }
0x89: {  	v13 =	vmax.f32 v9, v19;
	v9 =	vld [tilespmem:s26+$0x80A0]  }
0x8a: {  	v10 =	vmax.f32 v13, v10;
	v19 =	vld [tilespmem:s26+$0x8040]  }
0x8b: {  	v14 =	vmax.f32 v10, v6;
	v13 =	vld [tilespmem:s26+$0x8050]  }
0x8c: {  	v6 =	vmax.f32 v16, v20;
	v10 =	vmax.f32 v17, v21;
	v16 =	vmax.f32 v18, v23;
	v22 =	vld [tilespmem:s26+$0x8000]  }
0x8d: {  	v6 =	vmax.f32 v6, v12;
	v10 =	vmax.f32 v10, v15;
	v15 =	vld [tilespmem:s26+$0x8060];
	v12 =	vmax.f32 v16, v24  }
0x8e: {  	v20 =	vld [tilespmem:s26+$0x8010];
	v4 =	vmax.f32 v6, v4;
	v6 =	vmax.f32 v10, v8;
	v8 =	vmax.f32 v12, v25  }
0x8f: {  	s28 =	simm.s32 $0x400;
	v21 =	vld [tilespmem:s26+$0x8020];
	v16 =	vmax.f32 v4, v0;
	v17 =	vmax.f32 v6, v2;
	v18 =	vmax.f32 v8, v26  }
.LBB2_8:
0x90: {  	p0 =	sne.s32 s28, $0x1FC00;
	v0 =	vld [tilespmem:s26+$0x8030]  }
0x91: {  	v2 =	vmax.f32 v14, v22;
	v4 =	vld [tilespmem:s26+$0x8070]  }
0x92: {  	v2 =	vmax.f32 v2, v19;
	v6 =	vld [tilespmem:s26+$0x80B0]  }
0x93: {  	v2 =	vmax.f32 v2, v11;
	v8 =	vld [tilespmem:s26+$0x80F0];
	s26 =	sshra.s32 s28, $0x2  }
0x94: {  	v14 =	vmax.f32 v2, v7;
	v7 =	vld [tilespmem:s26+$0x80C0]  }
0x95: {  	v10 =	vmax.f32 v16, v20;
	v11 =	vmax.f32 v17, v21;
	v2 =	vld [tilespmem:s26+$0x80D0];
	v0 =	vmax.f32 v18, v0  }
0x96: {  	v10 =	vmax.f32 v10, v13;
	v13 =	vmax.f32 v11, v15;
	v12 =	vld [tilespmem:s26+$0x80E0];
	v0 =	vmax.f32 v0, v4  }
0x97: {  	v4 =	vmax.f32 v10, v5;
	v9 =	vmax.f32 v13, v9;
	v11 =	vld [tilespmem:s26+$0x8080];
	v0 =	vmax.f32 v0, v6  }
0x98: {  	v16 =	vmax.f32 v4, v1;
	v17 =	vmax.f32 v9, v3;
	v5 =	vld [tilespmem:s26+$0x8090];
	v18 =	vmax.f32 v0, v8  }
0x99: {  	v9 =	vld [tilespmem:s26+$0x80A0]  }
0x9a: {  	v19 =	vld [tilespmem:s26+$0x8040];
	v1 =	vmov v2  }
.Ltmp3:
0x9b: {  	v13 =	vld [tilespmem:s26+$0x8050];
	v3 =	vmov v12;
	(pc) =	sbr.rel @p0 .LBB2_8-.Ltmp3, $4  }
0x9c: {  	v22 =	vld [tilespmem:s26+$0x8000]  }
0x9d: {  	v15 =	vld [tilespmem:s26+$0x8060]  }
0x9e: {  	v20 =	vld [tilespmem:s26+$0x8010]  }
0x9f: {  	s28 =	sadd.s32 $0x400, s28;
	v21 =	vld [tilespmem:s26+$0x8020]  }
0xa0: {  	v23 =	vld [tilespmem:s26+$0x8030]  }
0xa1: {  	v24 =	vld [tilespmem:s26+$0x8070]  }
0xa2: {  	v25 =	vld [tilespmem:s26+$0x80B0]  }
0xa3: {  	v26 =	vld [tilespmem:s26+$0x80F0];
	[tilespmem:s20], [sflag:$0x2] =	stream.strided.gather [hbm4b:s8+s18], $0x8000, s19, s18, $0x38  }
0xa4: {  	_ =	swait.ge [sflag:s21], $0x8000  }
0xa5: {  	[sflag:s21] =	ssyncset.done $0x0  }
0xa6: {  	s26 =	simm.s32 $0x0;
	[sflag:s21] =	ssyncadd.s32 $0xFFFF8000  }
0xa7: {  	v6 =	vld [tilespmem:s26+$0xC0]  }
0xa8: {  	v0 =	vld [tilespmem:s26+$0xD0]  }
0xa9: {  	v2 =	vld [tilespmem:s26+$0xE0]  }
0xaa: {  	v10 =	vld [tilespmem:s26+$0x80]  }
0xab: {  	v8 =	vmax.f32 v14, v22;
	v4 =	vld [tilespmem:s26+$0x90]  }
0xac: {  	v12 =	vmax.f32 v8, v19;
	v8 =	vld [tilespmem:s26+$0xA0]  }
0xad: {  	v11 =	vmax.f32 v12, v11;
	v19 =	vld [tilespmem:s26+$0x40]  }
0xae: {  	v14 =	vmax.f32 v11, v7;
	v12 =	vld [tilespmem:s26+$0x50]  }
0xaf: {  	v7 =	vmax.f32 v16, v20;
	v11 =	vmax.f32 v17, v21;
	v22 =	vld [tilespmem:s26+$0x0];
	v16 =	vmax.f32 v18, v23  }
0xb0: {  	v20 =	vld [tilespmem:s26+$0x10];
	v7 =	vmax.f32 v7, v13;
	v11 =	vmax.f32 v11, v15;
	v13 =	vmax.f32 v16, v24  }
0xb1: {  	v21 =	vld [tilespmem:s26+$0x20];
	v5 =	vmax.f32 v7, v5;
	v7 =	vmax.f32 v11, v9;
	v9 =	vmax.f32 v13, v25  }
0xb2: {  	s28 =	simm.s32 $0x400;
	v15 =	vld [tilespmem:s26+$0x60];
	v16 =	vmax.f32 v5, v1;
	v17 =	vmax.f32 v7, v3;
	v18 =	vmax.f32 v9, v26  }
.LBB2_10:
0xb3: {  	p0 =	sne.s32 s28, $0x1FC00;
	v1 =	vld [tilespmem:s26+$0x30]  }
0xb4: {  	v3 =	vmax.f32 v14, v22;
	v5 =	vld [tilespmem:s26+$0x70]  }
0xb5: {  	v3 =	vmax.f32 v3, v19;
	v7 =	vld [tilespmem:s26+$0xB0]  }
0xb6: {  	v3 =	vmax.f32 v3, v10;
	v9 =	vld [tilespmem:s26+$0xF0];
	s26 =	sshra.s32 s28, $0x2  }
0xb7: {  	v14 =	vmax.f32 v3, v6;
	v6 =	vld [tilespmem:s26+$0xC0]  }
0xb8: {  	v10 =	vmax.f32 v16, v20;
	v11 =	vmax.f32 v17, v21;
	v3 =	vld [tilespmem:s26+$0xD0];
	v1 =	vmax.f32 v18, v1  }
0xb9: {  	v12 =	vmax.f32 v10, v12;
	v11 =	vmax.f32 v11, v15;
	v13 =	vld [tilespmem:s26+$0xE0];
	v1 =	vmax.f32 v1, v5  }
0xba: {  	v5 =	vmax.f32 v12, v4;
	v8 =	vmax.f32 v11, v8;
	v10 =	vld [tilespmem:s26+$0x80];
	v1 =	vmax.f32 v1, v7  }
0xbb: {  	v16 =	vmax.f32 v5, v0;
	v17 =	vmax.f32 v8, v2;
	v4 =	vld [tilespmem:s26+$0x90];
	v18 =	vmax.f32 v1, v9  }
0xbc: {  	v8 =	vld [tilespmem:s26+$0xA0]  }
0xbd: {  	v19 =	vld [tilespmem:s26+$0x40];
	v0 =	vmov v3  }
.Ltmp4:
0xbe: {  	v12 =	vld [tilespmem:s26+$0x50];
	v2 =	vmov v13;
	(pc) =	sbr.rel @p0 .LBB2_10-.Ltmp4, $4  }
0xbf: {  	v22 =	vld [tilespmem:s26+$0x0]  }
0xc0: {  	v15 =	vld [tilespmem:s26+$0x60]  }
0xc1: {  	v20 =	vld [tilespmem:s26+$0x10]  }
0xc2: {  	s28 =	sadd.s32 $0x400, s28;
	v21 =	vld [tilespmem:s26+$0x20]  }
0xc3: {  	v23 =	vld [tilespmem:s26+$0x30]  }
0xc4: {  	v24 =	vld [tilespmem:s26+$0x70]  }
0xc5: {  	v25 =	vld [tilespmem:s26+$0xB0];
	s31 =	simm.s32 $0x0  }
0xc6: {  	v26 =	vld [tilespmem:s26+$0xF0];
	[tilespmem:s31], [sflag:$0x1] =	stream.strided.gather [hbm4b:s9+s18], $0x8000, s19, s18, $0x38  }
0xc7: {  	_ =	swait.ge [sflag:s22], $0x8000  }
0xc8: {  	[sflag:s22] =	ssyncset.done $0x0  }
0xc9: {  	s26 =	simm.s32 $0x0;
	[sflag:s22] =	ssyncadd.s32 $0xFFFF8000  }
0xca: {  	v7 =	vld [tilespmem:s26+$0x80C0]  }
0xcb: {  	v1 =	vld [tilespmem:s26+$0x80D0]  }
0xcc: {  	v3 =	vld [tilespmem:s26+$0x80E0]  }
0xcd: {  	v11 =	vld [tilespmem:s26+$0x8080]  }
0xce: {  	v9 =	vmax.f32 v14, v22;
	v5 =	vld [tilespmem:s26+$0x8090]  }
0xcf: {  	v13 =	vmax.f32 v9, v19;
	v9 =	vld [tilespmem:s26+$0x80A0]  }
0xd0: {  	v10 =	vmax.f32 v13, v10;
	v19 =	vld [tilespmem:s26+$0x8040]  }
0xd1: {  	v14 =	vmax.f32 v10, v6;
	v13 =	vld [tilespmem:s26+$0x8050]  }
0xd2: {  	v6 =	vmax.f32 v16, v20;
	v10 =	vmax.f32 v17, v21;
	v16 =	vmax.f32 v18, v23;
	v22 =	vld [tilespmem:s26+$0x8000]  }
0xd3: {  	v6 =	vmax.f32 v6, v12;
	v10 =	vmax.f32 v10, v15;
	v15 =	vld [tilespmem:s26+$0x8060];
	v12 =	vmax.f32 v16, v24  }
0xd4: {  	v20 =	vld [tilespmem:s26+$0x8010];
	v4 =	vmax.f32 v6, v4;
	v6 =	vmax.f32 v10, v8;
	v8 =	vmax.f32 v12, v25  }
0xd5: {  	s28 =	simm.s32 $0x400;
	v21 =	vld [tilespmem:s26+$0x8020];
	v16 =	vmax.f32 v4, v0;
	v17 =	vmax.f32 v6, v2;
	v18 =	vmax.f32 v8, v26  }
.LBB2_12:
0xd6: {  	p0 =	sne.s32 s28, $0x1FC00;
	v0 =	vld [tilespmem:s26+$0x8030]  }
0xd7: {  	v2 =	vmax.f32 v14, v22;
	v4 =	vld [tilespmem:s26+$0x8070]  }
0xd8: {  	v2 =	vmax.f32 v2, v19;
	v6 =	vld [tilespmem:s26+$0x80B0]  }
0xd9: {  	v2 =	vmax.f32 v2, v11;
	v8 =	vld [tilespmem:s26+$0x80F0];
	s26 =	sshra.s32 s28, $0x2  }
0xda: {  	v14 =	vmax.f32 v2, v7;
	v7 =	vld [tilespmem:s26+$0x80C0]  }
0xdb: {  	v10 =	vmax.f32 v16, v20;
	v11 =	vmax.f32 v17, v21;
	v2 =	vld [tilespmem:s26+$0x80D0];
	v0 =	vmax.f32 v18, v0  }
0xdc: {  	v10 =	vmax.f32 v10, v13;
	v13 =	vmax.f32 v11, v15;
	v12 =	vld [tilespmem:s26+$0x80E0];
	v0 =	vmax.f32 v0, v4  }
0xdd: {  	v4 =	vmax.f32 v10, v5;
	v9 =	vmax.f32 v13, v9;
	v11 =	vld [tilespmem:s26+$0x8080];
	v0 =	vmax.f32 v0, v6  }
0xde: {  	v16 =	vmax.f32 v4, v1;
	v17 =	vmax.f32 v9, v3;
	v5 =	vld [tilespmem:s26+$0x8090];
	v18 =	vmax.f32 v0, v8  }
0xdf: {  	v9 =	vld [tilespmem:s26+$0x80A0]  }
0xe0: {  	v19 =	vld [tilespmem:s26+$0x8040];
	v1 =	vmov v2  }
.Ltmp5:
0xe1: {  	v13 =	vld [tilespmem:s26+$0x8050];
	v3 =	vmov v12;
	(pc) =	sbr.rel @p0 .LBB2_12-.Ltmp5, $4  }
0xe2: {  	v22 =	vld [tilespmem:s26+$0x8000]  }
0xe3: {  	v15 =	vld [tilespmem:s26+$0x8060]  }
0xe4: {  	v20 =	vld [tilespmem:s26+$0x8010]  }
0xe5: {  	s28 =	sadd.s32 $0x400, s28;
	v21 =	vld [tilespmem:s26+$0x8020]  }
0xe6: {  	v23 =	vld [tilespmem:s26+$0x8030]  }
0xe7: {  	v24 =	vld [tilespmem:s26+$0x8070]  }
0xe8: {  	v25 =	vld [tilespmem:s26+$0x80B0]  }
0xe9: {  	v26 =	vld [tilespmem:s26+$0x80F0];
	[tilespmem:s20], [sflag:$0x2] =	stream.strided.gather [hbm4b:s10+s18], $0x8000, s19, s18, $0x38  }
0xea: {  	_ =	swait.ge [sflag:s21], $0x8000  }
0xeb: {  	[sflag:s21] =	ssyncset.done $0x0  }
0xec: {  	s26 =	simm.s32 $0x0;
	[sflag:s21] =	ssyncadd.s32 $0xFFFF8000  }
0xed: {  	v6 =	vld [tilespmem:s26+$0xC0]  }
0xee: {  	v0 =	vld [tilespmem:s26+$0xD0]  }
0xef: {  	v2 =	vld [tilespmem:s26+$0xE0]  }
0xf0: {  	v10 =	vld [tilespmem:s26+$0x80]  }
0xf1: {  	v8 =	vmax.f32 v14, v22;
	v4 =	vld [tilespmem:s26+$0x90]  }
0xf2: {  	v12 =	vmax.f32 v8, v19;
	v8 =	vld [tilespmem:s26+$0xA0]  }
0xf3: {  	v11 =	vmax.f32 v12, v11;
	v19 =	vld [tilespmem:s26+$0x40]  }
0xf4: {  	v14 =	vmax.f32 v11, v7;
	v12 =	vld [tilespmem:s26+$0x50]  }
0xf5: {  	v7 =	vmax.f32 v16, v20;
	v11 =	vmax.f32 v17, v21;
	v22 =	vld [tilespmem:s26+$0x0];
	v16 =	vmax.f32 v18, v23  }
0xf6: {  	v20 =	vld [tilespmem:s26+$0x10];
	v7 =	vmax.f32 v7, v13;
	v11 =	vmax.f32 v11, v15;
	v13 =	vmax.f32 v16, v24  }
0xf7: {  	v21 =	vld [tilespmem:s26+$0x20];
	v5 =	vmax.f32 v7, v5;
	v7 =	vmax.f32 v11, v9;
	v9 =	vmax.f32 v13, v25  }
0xf8: {  	s28 =	simm.s32 $0x400;
	v15 =	vld [tilespmem:s26+$0x60];
	v16 =	vmax.f32 v5, v1;
	v17 =	vmax.f32 v7, v3;
	v18 =	vmax.f32 v9, v26  }
.LBB2_14:
0xf9: {  	p0 =	sne.s32 s28, $0x1FC00;
	v1 =	vld [tilespmem:s26+$0x30]  }
0xfa: {  	v3 =	vmax.f32 v14, v22;
	v5 =	vld [tilespmem:s26+$0x70]  }
0xfb: {  	v3 =	vmax.f32 v3, v19;
	v7 =	vld [tilespmem:s26+$0xB0]  }
0xfc: {  	v3 =	vmax.f32 v3, v10;
	v9 =	vld [tilespmem:s26+$0xF0];
	s26 =	sshra.s32 s28, $0x2  }
0xfd: {  	v14 =	vmax.f32 v3, v6;
	v6 =	vld [tilespmem:s26+$0xC0]  }
0xfe: {  	v10 =	vmax.f32 v16, v20;
	v11 =	vmax.f32 v17, v21;
	v3 =	vld [tilespmem:s26+$0xD0];
	v1 =	vmax.f32 v18, v1  }
0xff: {  	v12 =	vmax.f32 v10, v12;
	v11 =	vmax.f32 v11, v15;
	v13 =	vld [tilespmem:s26+$0xE0];
	v1 =	vmax.f32 v1, v5  }
0x100: {  	v5 =	vmax.f32 v12, v4;
	v8 =	vmax.f32 v11, v8;
	v10 =	vld [tilespmem:s26+$0x80];
	v1 =	vmax.f32 v1, v7  }
0x101: {  	v16 =	vmax.f32 v5, v0;
	v17 =	vmax.f32 v8, v2;
	v4 =	vld [tilespmem:s26+$0x90];
	v18 =	vmax.f32 v1, v9  }
0x102: {  	v8 =	vld [tilespmem:s26+$0xA0]  }
0x103: {  	v19 =	vld [tilespmem:s26+$0x40];
	v0 =	vmov v3  }
.Ltmp6:
0x104: {  	v12 =	vld [tilespmem:s26+$0x50];
	v2 =	vmov v13;
	(pc) =	sbr.rel @p0 .LBB2_14-.Ltmp6, $4  }
0x105: {  	v22 =	vld [tilespmem:s26+$0x0]  }
0x106: {  	v15 =	vld [tilespmem:s26+$0x60]  }
0x107: {  	v20 =	vld [tilespmem:s26+$0x10]  }
0x108: {  	s28 =	sadd.s32 $0x400, s28;
	v21 =	vld [tilespmem:s26+$0x20]  }
0x109: {  	v23 =	vld [tilespmem:s26+$0x30]  }
0x10a: {  	v24 =	vld [tilespmem:s26+$0x70]  }
0x10b: {  	v25 =	vld [tilespmem:s26+$0xB0];
	s31 =	simm.s32 $0x0  }
0x10c: {  	v26 =	vld [tilespmem:s26+$0xF0];
	[tilespmem:s31], [sflag:$0x1] =	stream.strided.gather [hbm4b:s11+s18], $0x8000, s19, s18, $0x38  }
0x10d: {  	_ =	swait.ge [sflag:s22], $0x8000  }
0x10e: {  	[sflag:s22] =	ssyncset.done $0x0  }
0x10f: {  	s26 =	simm.s32 $0x0;
	[sflag:s22] =	ssyncadd.s32 $0xFFFF8000  }
0x110: {  	v7 =	vld [tilespmem:s26+$0x80C0]  }
0x111: {  	v1 =	vld [tilespmem:s26+$0x80D0]  }
0x112: {  	v3 =	vld [tilespmem:s26+$0x80E0]  }
0x113: {  	v11 =	vld [tilespmem:s26+$0x8080]  }
0x114: {  	v9 =	vmax.f32 v14, v22;
	v5 =	vld [tilespmem:s26+$0x8090]  }
0x115: {  	v13 =	vmax.f32 v9, v19;
	v9 =	vld [tilespmem:s26+$0x80A0]  }
0x116: {  	v10 =	vmax.f32 v13, v10;
	v19 =	vld [tilespmem:s26+$0x8040]  }
0x117: {  	v14 =	vmax.f32 v10, v6;
	v13 =	vld [tilespmem:s26+$0x8050]  }
0x118: {  	v6 =	vmax.f32 v16, v20;
	v10 =	vmax.f32 v17, v21;
	v16 =	vmax.f32 v18, v23;
	v22 =	vld [tilespmem:s26+$0x8000]  }
0x119: {  	v6 =	vmax.f32 v6, v12;
	v10 =	vmax.f32 v10, v15;
	v15 =	vld [tilespmem:s26+$0x8060];
	v12 =	vmax.f32 v16, v24  }
0x11a: {  	v20 =	vld [tilespmem:s26+$0x8010];
	v4 =	vmax.f32 v6, v4;
	v6 =	vmax.f32 v10, v8;
	v8 =	vmax.f32 v12, v25  }
0x11b: {  	s28 =	simm.s32 $0x400;
	v21 =	vld [tilespmem:s26+$0x8020];
	v16 =	vmax.f32 v4, v0;
	v17 =	vmax.f32 v6, v2;
	v18 =	vmax.f32 v8, v26  }
.LBB2_16:
0x11c: {  	p0 =	sne.s32 s28, $0x1FC00;
	v0 =	vld [tilespmem:s26+$0x8030]  }
0x11d: {  	v2 =	vmax.f32 v14, v22;
	v4 =	vld [tilespmem:s26+$0x8070]  }
0x11e: {  	v2 =	vmax.f32 v2, v19;
	v6 =	vld [tilespmem:s26+$0x80B0]  }
0x11f: {  	v2 =	vmax.f32 v2, v11;
	v8 =	vld [tilespmem:s26+$0x80F0];
	s26 =	sshra.s32 s28, $0x2  }
0x120: {  	v14 =	vmax.f32 v2, v7;
	v7 =	vld [tilespmem:s26+$0x80C0]  }
0x121: {  	v10 =	vmax.f32 v16, v20;
	v11 =	vmax.f32 v17, v21;
	v2 =	vld [tilespmem:s26+$0x80D0];
	v0 =	vmax.f32 v18, v0  }
0x122: {  	v10 =	vmax.f32 v10, v13;
	v13 =	vmax.f32 v11, v15;
	v12 =	vld [tilespmem:s26+$0x80E0];
	v0 =	vmax.f32 v0, v4  }
0x123: {  	v4 =	vmax.f32 v10, v5;
	v9 =	vmax.f32 v13, v9;
	v11 =	vld [tilespmem:s26+$0x8080];
	v0 =	vmax.f32 v0, v6  }
0x124: {  	v16 =	vmax.f32 v4, v1;
	v17 =	vmax.f32 v9, v3;
	v5 =	vld [tilespmem:s26+$0x8090];
	v18 =	vmax.f32 v0, v8  }
0x125: {  	v9 =	vld [tilespmem:s26+$0x80A0]  }
0x126: {  	v19 =	vld [tilespmem:s26+$0x8040];
	v1 =	vmov v2  }
.Ltmp7:
0x127: {  	v13 =	vld [tilespmem:s26+$0x8050];
	v3 =	vmov v12;
	(pc) =	sbr.rel @p0 .LBB2_16-.Ltmp7, $4  }
0x128: {  	v22 =	vld [tilespmem:s26+$0x8000]  }
0x129: {  	v15 =	vld [tilespmem:s26+$0x8060]  }
0x12a: {  	v20 =	vld [tilespmem:s26+$0x8010]  }
0x12b: {  	s28 =	sadd.s32 $0x400, s28;
	v21 =	vld [tilespmem:s26+$0x8020]  }
0x12c: {  	v23 =	vld [tilespmem:s26+$0x8030]  }
0x12d: {  	v24 =	vld [tilespmem:s26+$0x8070]  }
0x12e: {  	v25 =	vld [tilespmem:s26+$0x80B0]  }
0x12f: {  	v26 =	vld [tilespmem:s26+$0x80F0];
	[tilespmem:s20], [sflag:$0x2] =	stream.strided.gather [hbm4b:s12+s18], $0x8000, s19, s18, $0x38  }
0x130: {  	_ =	swait.ge [sflag:s21], $0x8000  }
0x131: {  	[sflag:s21] =	ssyncset.done $0x0  }
0x132: {  	s26 =	simm.s32 $0x0;
	[sflag:s21] =	ssyncadd.s32 $0xFFFF8000  }
0x133: {  	v6 =	vld [tilespmem:s26+$0xC0]  }
0x134: {  	v0 =	vld [tilespmem:s26+$0xD0]  }
0x135: {  	v2 =	vld [tilespmem:s26+$0xE0]  }
0x136: {  	v10 =	vld [tilespmem:s26+$0x80]  }
0x137: {  	v8 =	vmax.f32 v14, v22;
	v4 =	vld [tilespmem:s26+$0x90]  }
0x138: {  	v12 =	vmax.f32 v8, v19;
	v8 =	vld [tilespmem:s26+$0xA0]  }
0x139: {  	v11 =	vmax.f32 v12, v11;
	v19 =	vld [tilespmem:s26+$0x40]  }
0x13a: {  	v14 =	vmax.f32 v11, v7;
	v12 =	vld [tilespmem:s26+$0x50]  }
0x13b: {  	v7 =	vmax.f32 v16, v20;
	v11 =	vmax.f32 v17, v21;
	v22 =	vld [tilespmem:s26+$0x0];
	v16 =	vmax.f32 v18, v23  }
0x13c: {  	v20 =	vld [tilespmem:s26+$0x10];
	v7 =	vmax.f32 v7, v13;
	v11 =	vmax.f32 v11, v15;
	v13 =	vmax.f32 v16, v24  }
0x13d: {  	v21 =	vld [tilespmem:s26+$0x20];
	v5 =	vmax.f32 v7, v5;
	v7 =	vmax.f32 v11, v9;
	v9 =	vmax.f32 v13, v25  }
0x13e: {  	s28 =	simm.s32 $0x400;
	v15 =	vld [tilespmem:s26+$0x60];
	v16 =	vmax.f32 v5, v1;
	v17 =	vmax.f32 v7, v3;
	v18 =	vmax.f32 v9, v26  }
.LBB2_18:
0x13f: {  	p0 =	sne.s32 s28, $0x1FC00;
	v1 =	vld [tilespmem:s26+$0x30]  }
0x140: {  	v3 =	vmax.f32 v14, v22;
	v5 =	vld [tilespmem:s26+$0x70]  }
0x141: {  	v3 =	vmax.f32 v3, v19;
	v7 =	vld [tilespmem:s26+$0xB0]  }
0x142: {  	v3 =	vmax.f32 v3, v10;
	v9 =	vld [tilespmem:s26+$0xF0];
	s26 =	sshra.s32 s28, $0x2  }
0x143: {  	v14 =	vmax.f32 v3, v6;
	v6 =	vld [tilespmem:s26+$0xC0]  }
0x144: {  	v10 =	vmax.f32 v16, v20;
	v11 =	vmax.f32 v17, v21;
	v3 =	vld [tilespmem:s26+$0xD0];
	v1 =	vmax.f32 v18, v1  }
0x145: {  	v12 =	vmax.f32 v10, v12;
	v11 =	vmax.f32 v11, v15;
	v13 =	vld [tilespmem:s26+$0xE0];
	v1 =	vmax.f32 v1, v5  }
0x146: {  	v5 =	vmax.f32 v12, v4;
	v8 =	vmax.f32 v11, v8;
	v10 =	vld [tilespmem:s26+$0x80];
	v1 =	vmax.f32 v1, v7  }
0x147: {  	v16 =	vmax.f32 v5, v0;
	v17 =	vmax.f32 v8, v2;
	v4 =	vld [tilespmem:s26+$0x90];
	v18 =	vmax.f32 v1, v9  }
0x148: {  	v8 =	vld [tilespmem:s26+$0xA0]  }
0x149: {  	v19 =	vld [tilespmem:s26+$0x40];
	v0 =	vmov v3  }
.Ltmp8:
0x14a: {  	v12 =	vld [tilespmem:s26+$0x50];
	v2 =	vmov v13;
	(pc) =	sbr.rel @p0 .LBB2_18-.Ltmp8, $4  }
0x14b: {  	v22 =	vld [tilespmem:s26+$0x0]  }
0x14c: {  	v15 =	vld [tilespmem:s26+$0x60]  }
0x14d: {  	v20 =	vld [tilespmem:s26+$0x10]  }
0x14e: {  	s28 =	sadd.s32 $0x400, s28;
	v21 =	vld [tilespmem:s26+$0x20]  }
0x14f: {  	v23 =	vld [tilespmem:s26+$0x30]  }
0x150: {  	v24 =	vld [tilespmem:s26+$0x70]  }
0x151: {  	v25 =	vld [tilespmem:s26+$0xB0];
	s31 =	simm.s32 $0x0  }
0x152: {  	v26 =	vld [tilespmem:s26+$0xF0];
	[tilespmem:s31], [sflag:$0x1] =	stream.strided.gather [hbm4b:s13+s18], $0x8000, s19, s18, $0x38  }
0x153: {  	_ =	swait.ge [sflag:s22], $0x8000  }
0x154: {  	[sflag:s22] =	ssyncset.done $0x0  }
0x155: {  	s26 =	simm.s32 $0x0;
	[sflag:s22] =	ssyncadd.s32 $0xFFFF8000  }
0x156: {  	v7 =	vld [tilespmem:s26+$0x80C0]  }
0x157: {  	v1 =	vld [tilespmem:s26+$0x80D0]  }
0x158: {  	v3 =	vld [tilespmem:s26+$0x80E0]  }
0x159: {  	v11 =	vld [tilespmem:s26+$0x8080]  }
0x15a: {  	v9 =	vmax.f32 v14, v22;
	v5 =	vld [tilespmem:s26+$0x8090]  }
0x15b: {  	v13 =	vmax.f32 v9, v19;
	v9 =	vld [tilespmem:s26+$0x80A0]  }
0x15c: {  	v10 =	vmax.f32 v13, v10;
	v19 =	vld [tilespmem:s26+$0x8040]  }
0x15d: {  	v14 =	vmax.f32 v10, v6;
	v13 =	vld [tilespmem:s26+$0x8050]  }
0x15e: {  	v6 =	vmax.f32 v16, v20;
	v10 =	vmax.f32 v17, v21;
	v16 =	vmax.f32 v18, v23;
	v18 =	vld [tilespmem:s26+$0x8000]  }
0x15f: {  	v6 =	vmax.f32 v6, v12;
	v10 =	vmax.f32 v10, v15;
	v12 =	vld [tilespmem:s26+$0x8060];
	v15 =	vmax.f32 v16, v24  }
0x160: {  	v20 =	vld [tilespmem:s26+$0x8010];
	v4 =	vmax.f32 v6, v4;
	v6 =	vmax.f32 v10, v8;
	v8 =	vmax.f32 v15, v25  }
0x161: {  	s28 =	simm.s32 $0x400;
	v21 =	vld [tilespmem:s26+$0x8020];
	v15 =	vmax.f32 v4, v0;
	v16 =	vmax.f32 v6, v2;
	v17 =	vmax.f32 v8, v26  }
.LBB2_20:
0x162: {  	p0 =	sne.s32 s28, $0x1FC00;
	v0 =	vld [tilespmem:s26+$0x8030]  }
0x163: {  	v2 =	vmax.f32 v14, v18;
	v4 =	vld [tilespmem:s26+$0x8070]  }
0x164: {  	v2 =	vmax.f32 v2, v19;
	v6 =	vld [tilespmem:s26+$0x80B0]  }
0x165: {  	v2 =	vmax.f32 v2, v11;
	v8 =	vld [tilespmem:s26+$0x80F0];
	s26 =	sshra.s32 s28, $0x2  }
0x166: {  	v14 =	vmax.f32 v2, v7;
	v7 =	vld [tilespmem:s26+$0x80C0]  }
0x167: {  	v10 =	vmax.f32 v15, v20;
	v11 =	vmax.f32 v16, v21;
	v2 =	vld [tilespmem:s26+$0x80D0];
	v0 =	vmax.f32 v17, v0  }
0x168: {  	v10 =	vmax.f32 v10, v13;
	v12 =	vmax.f32 v11, v12;
	v18 =	vld [tilespmem:s26+$0x80E0];
	v0 =	vmax.f32 v0, v4  }
0x169: {  	v4 =	vmax.f32 v10, v5;
	v9 =	vmax.f32 v12, v9;
	v11 =	vld [tilespmem:s26+$0x8080];
	v0 =	vmax.f32 v0, v6  }
0x16a: {  	v15 =	vmax.f32 v4, v1;
	v16 =	vmax.f32 v9, v3;
	v5 =	vld [tilespmem:s26+$0x8090];
	v17 =	vmax.f32 v0, v8  }
0x16b: {  	v9 =	vld [tilespmem:s26+$0x80A0]  }
0x16c: {  	v19 =	vld [tilespmem:s26+$0x8040];
	v1 =	vmov v2  }
.Ltmp9:
0x16d: {  	v13 =	vld [tilespmem:s26+$0x8050];
	v3 =	vmov v18;
	(pc) =	sbr.rel @p0 .LBB2_20-.Ltmp9, $4  }
0x16e: {  	v18 =	vld [tilespmem:s26+$0x8000]  }
0x16f: {  	v12 =	vld [tilespmem:s26+$0x8060]  }
0x170: {  	v20 =	vld [tilespmem:s26+$0x8010]  }
0x171: {  	s28 =	sadd.s32 $0x400, s28;
	v21 =	vld [tilespmem:s26+$0x8020]  }
0x172: {  	v22 =	vld [tilespmem:s26+$0x8030]  }
0x173: {  	v23 =	vld [tilespmem:s26+$0x8070]  }
0x174: {  	v24 =	vld [tilespmem:s26+$0x80B0]  }
0x175: {  	v25 =	vld [tilespmem:s26+$0x80F0];
	[tilespmem:s20], [sflag:$0x2] =	stream.strided.gather [hbm4b:s14+s18], $0x8000, s19, s18, $0x38  }
0x176: {  	_ =	swait.ge [sflag:s21], $0x8000  }
0x177: {  	[sflag:s21] =	ssyncset.done $0x0  }
0x178: {  	s26 =	simm.s32 $0x0;
	[sflag:s21] =	ssyncadd.s32 $0xFFFF8000  }
0x179: {  	v6 =	vld [tilespmem:s26+$0xC0]  }
0x17a: {  	v0 =	vld [tilespmem:s26+$0xD0]  }
0x17b: {  	v2 =	vld [tilespmem:s26+$0xE0]  }
0x17c: {  	v10 =	vld [tilespmem:s26+$0x80]  }
0x17d: {  	v8 =	vmax.f32 v14, v18;
	v4 =	vld [tilespmem:s26+$0x90]  }
0x17e: {  	v14 =	vmax.f32 v8, v19;
	v8 =	vld [tilespmem:s26+$0xA0]  }
0x17f: {  	v11 =	vmax.f32 v14, v11;
	v18 =	vld [tilespmem:s26+$0x40]  }
0x180: {  	v14 =	vmax.f32 v11, v7;
	v11 =	vld [tilespmem:s26+$0x50]  }
0x181: {  	v7 =	vmax.f32 v15, v20;
	v15 =	vmax.f32 v16, v21;
	v21 =	vld [tilespmem:s26+$0x0];
	v16 =	vmax.f32 v17, v22  }
0x182: {  	v19 =	vld [tilespmem:s26+$0x10];
	v7 =	vmax.f32 v7, v13;
	v12 =	vmax.f32 v15, v12;
	v15 =	vmax.f32 v16, v23  }
0x183: {  	v20 =	vld [tilespmem:s26+$0x20];
	v5 =	vmax.f32 v7, v5;
	v7 =	vmax.f32 v12, v9;
	v9 =	vmax.f32 v15, v24  }
0x184: {  	s28 =	simm.s32 $0x400;
	v13 =	vld [tilespmem:s26+$0x60];
	v15 =	vmax.f32 v5, v1;
	v16 =	vmax.f32 v7, v3;
	v17 =	vmax.f32 v9, v25  }
.LBB2_22:
0x185: {  	p0 =	sne.s32 s28, $0x1FC00;
	v1 =	vld [tilespmem:s26+$0x30]  }
0x186: {  	v3 =	vmax.f32 v14, v21;
	v5 =	vld [tilespmem:s26+$0x70]  }
0x187: {  	v3 =	vmax.f32 v3, v18;
	v7 =	vld [tilespmem:s26+$0xB0]  }
0x188: {  	v3 =	vmax.f32 v3, v10;
	v9 =	vld [tilespmem:s26+$0xF0];
	s26 =	sshra.s32 s28, $0x2  }
0x189: {  	v14 =	vmax.f32 v3, v6;
	v6 =	vld [tilespmem:s26+$0xC0]  }
0x18a: {  	v10 =	vmax.f32 v15, v19;
	v12 =	vmax.f32 v16, v20;
	v3 =	vld [tilespmem:s26+$0xD0];
	v1 =	vmax.f32 v17, v1  }
0x18b: {  	v11 =	vmax.f32 v10, v11;
	v12 =	vmax.f32 v12, v13;
	v19 =	vld [tilespmem:s26+$0xE0];
	v1 =	vmax.f32 v1, v5  }
0x18c: {  	v5 =	vmax.f32 v11, v4;
	v8 =	vmax.f32 v12, v8;
	v10 =	vld [tilespmem:s26+$0x80];
	v1 =	vmax.f32 v1, v7  }
0x18d: {  	v15 =	vmax.f32 v5, v0;
	v16 =	vmax.f32 v8, v2;
	v4 =	vld [tilespmem:s26+$0x90];
	v17 =	vmax.f32 v1, v9  }
0x18e: {  	v8 =	vld [tilespmem:s26+$0xA0]  }
0x18f: {  	v18 =	vld [tilespmem:s26+$0x40];
	v0 =	vmov v3  }
.Ltmp10:
0x190: {  	v11 =	vld [tilespmem:s26+$0x50];
	v2 =	vmov v19;
	(pc) =	sbr.rel @p0 .LBB2_22-.Ltmp10, $4  }
0x191: {  	v21 =	vld [tilespmem:s26+$0x0]  }
0x192: {  	v13 =	vld [tilespmem:s26+$0x60]  }
0x193: {  	v19 =	vld [tilespmem:s26+$0x10]  }
0x194: {  	s28 =	sadd.s32 $0x400, s28;
	v20 =	vld [tilespmem:s26+$0x20]  }
0x195: {  	v22 =	vld [tilespmem:s26+$0x30]  }
0x196: {  	v23 =	vld [tilespmem:s26+$0x70]  }
0x197: {  	v24 =	vld [tilespmem:s26+$0xB0];
	s31 =	simm.s32 $0x0  }
0x198: {  	v25 =	vld [tilespmem:s26+$0xF0];
	[tilespmem:s31], [sflag:$0x1] =	stream.strided.gather [hbm4b:s15+s18], $0x8000, s19, s18, $0x38  }
0x199: {  	_ =	swait.ge [sflag:s22], $0x8000  }
0x19a: {  	[sflag:s22] =	ssyncset.done $0x0  }
0x19b: {  	s26 =	simm.s32 $0x0;
	[sflag:s22] =	ssyncadd.s32 $0xFFFF8000  }
0x19c: {  	v7 =	vld [tilespmem:s26+$0x80C0]  }
0x19d: {  	v1 =	vld [tilespmem:s26+$0x80D0]  }
0x19e: {  	v3 =	vld [tilespmem:s26+$0x80E0]  }
0x19f: {  	v12 =	vld [tilespmem:s26+$0x8080]  }
0x1a0: {  	v9 =	vmax.f32 v14, v21;
	v5 =	vld [tilespmem:s26+$0x8090]  }
0x1a1: {  	v14 =	vmax.f32 v9, v18;
	v9 =	vld [tilespmem:s26+$0x80A0]  }
0x1a2: {  	v10 =	vmax.f32 v14, v10;
	v18 =	vld [tilespmem:s26+$0x8040]  }
0x1a3: {  	v6 =	vmax.f32 v10, v6;
	v10 =	vld [tilespmem:s26+$0x8050]  }
0x1a4: {  	v14 =	vmax.f32 v15, v19;
	v15 =	vmax.f32 v16, v20;
	v16 =	vmax.f32 v17, v22;
	v20 =	vld [tilespmem:s26+$0x8000]  }
0x1a5: {  	v11 =	vmax.f32 v14, v11;
	v14 =	vmax.f32 v15, v13;
	v13 =	vld [tilespmem:s26+$0x8060];
	v15 =	vmax.f32 v16, v23  }
0x1a6: {  	v4 =	vmax.f32 v11, v4;
	v17 =	vld [tilespmem:s26+$0x8010];
	v8 =	vmax.f32 v14, v8;
	v11 =	vmax.f32 v15, v24  }
0x1a7: {  	s28 =	simm.s32 $0x400;
	v19 =	vld [tilespmem:s26+$0x8020];
	v14 =	vmax.f32 v4, v0;
	v15 =	vmax.f32 v8, v2;
	v16 =	vmax.f32 v11, v25  }
.LBB2_24:
0x1a8: {  	p0 =	sne.s32 s28, $0x1FC00;
	v0 =	vld [tilespmem:s26+$0x8030]  }
0x1a9: {  	v2 =	vmax.f32 v6, v20;
	v4 =	vld [tilespmem:s26+$0x8070]  }
0x1aa: {  	v2 =	vmax.f32 v2, v18;
	v8 =	vld [tilespmem:s26+$0x80B0]  }
0x1ab: {  	v2 =	vmax.f32 v2, v12;
	v11 =	vld [tilespmem:s26+$0x80F0];
	s26 =	sshra.s32 s28, $0x2  }
0x1ac: {  	v6 =	vmax.f32 v2, v7;
	v7 =	vld [tilespmem:s26+$0x80C0]  }
0x1ad: {  	v12 =	vmax.f32 v14, v17;
	v14 =	vmax.f32 v15, v19;
	v2 =	vld [tilespmem:s26+$0x80D0];
	v0 =	vmax.f32 v16, v0  }
0x1ae: {  	v10 =	vmax.f32 v12, v10;
	v13 =	vmax.f32 v14, v13;
	v17 =	vld [tilespmem:s26+$0x80E0];
	v0 =	vmax.f32 v0, v4  }
0x1af: {  	v4 =	vmax.f32 v10, v5;
	v9 =	vmax.f32 v13, v9;
	v12 =	vld [tilespmem:s26+$0x8080];
	v0 =	vmax.f32 v0, v8  }
0x1b0: {  	v14 =	vmax.f32 v4, v1;
	v15 =	vmax.f32 v9, v3;
	v5 =	vld [tilespmem:s26+$0x8090];
	v16 =	vmax.f32 v0, v11  }
0x1b1: {  	v9 =	vld [tilespmem:s26+$0x80A0]  }
0x1b2: {  	v18 =	vld [tilespmem:s26+$0x8040];
	v1 =	vmov v2  }
.Ltmp11:
0x1b3: {  	v10 =	vld [tilespmem:s26+$0x8050];
	v3 =	vmov v17;
	(pc) =	sbr.rel @p0 .LBB2_24-.Ltmp11, $4  }
0x1b4: {  	v20 =	vld [tilespmem:s26+$0x8000]  }
0x1b5: {  	v13 =	vld [tilespmem:s26+$0x8060]  }
0x1b6: {  	v17 =	vld [tilespmem:s26+$0x8010]  }
0x1b7: {  	s28 =	sadd.s32 $0x400, s28;
	v19 =	vld [tilespmem:s26+$0x8020]  }
0x1b8: {  	v21 =	vld [tilespmem:s26+$0x8030]  }
0x1b9: {  	v22 =	vld [tilespmem:s26+$0x8070]  }
0x1ba: {  	v23 =	vld [tilespmem:s26+$0x80B0]  }
0x1bb: {  	v24 =	vld [tilespmem:s26+$0x80F0];
	_ =	swait.ge [sflag:s21], $0x8000  }
0x1bc: {  	[sflag:s21] =	ssyncset.done $0x0  }
0x1bd: {  	s26 =	simm.s32 $0x0;
	[sflag:s21] =	ssyncadd.s32 $0xFFFF8000  }
0x1be: {  	v4 =	vld [tilespmem:s26+$0xC0]  }
0x1bf: {  	v0 =	vld [tilespmem:s26+$0xD0]  }
0x1c0: {  	v2 =	vld [tilespmem:s26+$0xE0]  }
0x1c1: {  	v11 =	vld [tilespmem:s26+$0x80]  }
0x1c2: {  	v8 =	vmax.f32 v6, v20;
	v6 =	vld [tilespmem:s26+$0x90]  }
0x1c3: {  	v18 =	vmax.f32 v8, v18;
	v8 =	vld [tilespmem:s26+$0xA0]  }
0x1c4: {  	v12 =	vmax.f32 v18, v12;
	v18 =	vld [tilespmem:s26+$0x40]  }
0x1c5: {  	v17 =	vmax.f32 v14, v17;
	v14 =	vld [tilespmem:s26+$0x0]  }
0x1c6: {  	v7 =	vmax.f32 v12, v7;
	v12 =	vld [tilespmem:s26+$0x50];
	v15 =	vmax.f32 v15, v19;
	v16 =	vmax.f32 v16, v21  }
0x1c7: {  	v17 =	vmax.f32 v17, v10;
	v10 =	vld [tilespmem:s26+$0x60];
	v13 =	vmax.f32 v15, v13;
	v15 =	vmax.f32 v16, v22  }
0x1c8: {  	v5 =	vmax.f32 v17, v5;
	v13 =	vmax.f32 v13, v9;
	v9 =	vld [tilespmem:s26+$0x10];
	v15 =	vmax.f32 v15, v23  }
0x1c9: {  	s28 =	simm.s32 $0x400;
	v1 =	vmax.f32 v5, v1;
	v3 =	vmax.f32 v13, v3;
	v13 =	vld [tilespmem:s26+$0x20];
	v5 =	vmax.f32 v15, v24  }
.LBB2_26:
0x1ca: {  	p0 =	sne.s32 s28, $0x1FC00;
	v15 =	vld [tilespmem:s26+$0x30]  }
0x1cb: {  	v7 =	vmax.f32 v7, v14;
	v14 =	vld [tilespmem:s26+$0x70]  }
0x1cc: {  	v7 =	vmax.f32 v7, v18;
	v16 =	vld [tilespmem:s26+$0xB0]  }
0x1cd: {  	v7 =	vmax.f32 v7, v11;
	v17 =	vld [tilespmem:s26+$0xF0];
	s26 =	sshra.s32 s28, $0x2  }
0x1ce: {  	v7 =	vmax.f32 v7, v4;
	v4 =	vld [tilespmem:s26+$0xC0]  }
0x1cf: {  	v1 =	vmax.f32 v1, v9;
	v3 =	vmax.f32 v3, v13;
	v19 =	vld [tilespmem:s26+$0xD0];
	v5 =	vmax.f32 v5, v15  }
0x1d0: {  	v1 =	vmax.f32 v1, v12;
	v3 =	vmax.f32 v3, v10;
	v9 =	vld [tilespmem:s26+$0xE0];
	v5 =	vmax.f32 v5, v14  }
0x1d1: {  	v1 =	vmax.f32 v1, v6;
	v3 =	vmax.f32 v3, v8;
	v11 =	vld [tilespmem:s26+$0x80];
	v5 =	vmax.f32 v5, v16  }
0x1d2: {  	v1 =	vmax.f32 v1, v0;
	v3 =	vmax.f32 v3, v2;
	v6 =	vld [tilespmem:s26+$0x90];
	v5 =	vmax.f32 v5, v17  }
0x1d3: {  	v8 =	vld [tilespmem:s26+$0xA0]  }
0x1d4: {  	v18 =	vld [tilespmem:s26+$0x40];
	v0 =	vmov v19  }
.Ltmp12:
0x1d5: {  	v12 =	vld [tilespmem:s26+$0x50];
	v2 =	vmov v9;
	(pc) =	sbr.rel @p0 .LBB2_26-.Ltmp12, $4  }
0x1d6: {  	v14 =	vld [tilespmem:s26+$0x0]  }
0x1d7: {  	v10 =	vld [tilespmem:s26+$0x60]  }
0x1d8: {  	v9 =	vld [tilespmem:s26+$0x10]  }
0x1d9: {  	s28 =	sadd.s32 $0x400, s28;
	v13 =	vld [tilespmem:s26+$0x20]  }
0x1da: {  	v15 =	vld [tilespmem:s26+$0x30]  }
0x1db: {  	v60 =	vld [tilespmem:s26+$0x70]  }
0x1dc: {  	v16 =	vld [tilespmem:s26+$0xB0];
	v7 =	vmax.f32 v7, v14  }
0x1dd: {  	v61 =	vld [tilespmem:s26+$0xF0];
	v7 =	vmax.f32 v7, v18  }
0x1de: {  	v7 =	vmax.f32 v7, v11;
	v1 =	vmax.f32 v1, v9  }
0x1df: {  	v4 =	vmax.f32 v7, v4;
	v3 =	vmax.f32 v3, v13;
	v5 =	vmax.f32 v5, v15  }
0x1e0: {  	v1 =	vmax.f32 v1, v12;
	v3 =	vmax.f32 v3, v10;
	v5 =	vmax.f32 v5, v60  }
0x1e1: {  	v1 =	vmax.f32 v1, v6;
	v3 =	vmax.f32 v3, v8;
	v5 =	vmax.f32 v5, v16  }
0x1e2: {  	v0 =	vmax.f32 v1, v0;
	v62 =	vmax.f32 v3, v2;
	v63 =	vmax.f32 v5, v61  }
0x1e3: {  	s25 =	sadd.s32 $0x1, s25;
	v0 =	vmax.f32 v4, v0;
	v1 =	vmax.f32 v62, v63  }
0x1e4: {  	p0 =	sne.s32 s25, s17;
	v0 =	vmax.f32 v0, v1  }
.Ltmp13:
0x1e5: {  	[tilespmem:$0x10000] =	vst v0;
	(pc) =	sbr.rel @p0 .LBB2_1-.Ltmp13, $4  }
0x1e6: {  	[hbm4b:s16+s2] =	stream.linear.scatter [tilespmem:s23], [sflag:$0x3], $0x80, $0x38;
	[tilespmem:$0x10080] =	vst v63  }
0x1e7: {  	_ =	swait.ge [sflag:s24], $0x80  }
0x1e8: {  	[sflag:s24] =	ssyncset.done $0x0  }
0x1e9: {  	[sflag:s24] =	ssyncadd.s32 $0xFFFFFF80  }
0x1ea: {  	_ =	sfence.sel $0x180000  }
0x1eb: {  	[bflag:$0x0] =	sbarrier.arrive $0xFFFF  }
0x1ec: {  	p0 =	sne.s32 s1, $0x0;
	_ =	strace $0x90000047  }
0x1ed: {  	s0 =	sadd.s32 @!p0 $0x100000, s0;
	[bflag:$0x2] =	sbarrier.arrive $0xFFFF  }
0x1ee: {  	[sflag:s0] =	ssyncadd.tile.s32 @!p0 $0x1;
	_ =	shalt  }
.Lfunc_end2:
_tile_overlayer_lowered:
.L_overlay_start_2:
0x1ef: {  	(tag) =	ssettag $0x2  }
0x1f0: {  	s0 =	rddreg [dreg:$0x0];
	s2 =	stileid.u32  }
0x1f1: {  	s1 =	rddreg [dreg:$0x1];
	p0 =	sne.s32 s2, $0x0  }
0x1f2: {  	s3 =	rddreg [dreg:$0x2];
	[bflag:$0x3] =	sbarrier.arrive $0xFFFF;
	s2 =	simm.s32 @!p0 $0x1C03  }
0x1f3: {  	[timem:s3], [sflag:s2] =	dma.local @!p0 [hbm:s0], s1  }
0x1f4: {  	s0 =	simm.s32 @!p0 $0x3  }
0x1f5: {  	_ =	swait.ge @!p0 [sflag:s0], s1  }
0x1f6: {  	s1 =	ssub.s32 @!p0 $0x0, s1;
	[sflag:s0] =	ssyncset.done @!p0 $0x0  }
0x1f7: {  	[sflag:s0] =	ssyncadd.s32 @!p0 s1  }
0x1f8: {  	[bflag:$0x3] =	sbarrier.arrive $0xFFFF  }
0x1f9: {  	_ =	shalt  }

</sc_bundles>
